<compile_context>
chip_gen: v7x
topology: tpu7x:2x2x1
jax: 0.10.2.dev20260603
libtpu: 0.0.44.dev20260713+nightly
codegen_flags: <defaults>
</compile_context>

<pallas_src>
import functools

import jax
import jax.numpy as jnp
from jax import lax
from jax.experimental import pallas as pl
from jax.experimental.pallas import tpu as pltpu
from jax.experimental.pallas import tpu_sc as plsc

NC = 2
NS = 16
NW = NC * NS
L = 16


def _proj_body(x_ref, w_ref, b_ref, o_ref):
    o_ref[...] = (
        jnp.dot(x_ref[...], w_ref[...], preferred_element_type=jnp.float32)
        + b_ref[...]
    )


def _node_proj(x_p, w_bd, b_t):
    np8, dxp = x_p.shape
    hp = w_bd.shape[1]
    return pl.pallas_call(
        _proj_body,
        grid=(1,),
        in_specs=[
            pl.BlockSpec((np8, dxp), lambda i: (0, 0)),
            pl.BlockSpec((dxp, hp), lambda i: (0, 0)),
            pl.BlockSpec((1, hp), lambda i: (0, 0)),
        ],
        out_specs=pl.BlockSpec((np8, hp), lambda i: (0, 0)),
        out_shape=jax.ShapeDtypeStruct((np8, hp), jnp.float32),
    )(x_p, w_bd, b_t)


def _banded(ebase):
    k = ebase // 1000
    return (k // 8) * 1000, (k % 8) * L


def _gather_body(ew, p_hbm, src_hbm, g_hbm, idx0, idx1, rows0, rows1,
                 sem_i0, sem_i1, sem_g, sem_w0, sem_w1):
    wid = lax.axis_index("s") * NC + lax.axis_index("c")
    nch = ew // 1000
    idx_b = (idx0, idx1)
    rows_b = (rows0, rows1)
    sem_i = (sem_i0, sem_i1)
    sem_w = (sem_w0, sem_w1)

    def fire_idx(ci, b):
        pltpu.async_copy(
            src_hbm.at[pl.ds(wid * ew + ci * 1000, 1000)], idx_b[b], sem_i[b]
        )

    fire_idx(0, 0)

    @pl.loop(0, nch // 2)
    def _outer(o):
        for b in range(2):
            ci = 2 * o + b

            @pl.when(ci + 1 < nch)
            def _():
                fire_idx(ci + 1, 1 - b)

            pltpu.make_async_copy(
                src_hbm.at[pl.ds(0, 1000)], idx_b[b], sem_i[b]
            ).wait()

            @pl.when(o > 0)
            def _():
                pltpu.make_async_copy(
                    rows_b[b], g_hbm.at[pl.ds(0, 1000), pl.ds(0, L)], sem_w[b]
                ).wait()

            copies = [
                pltpu.async_copy(
                    p_hbm.at[idx_b[b].at[pl.ds(j * 128, min(128, 1000 - j * 128))]],
                    rows_b[b].at[pl.ds(j * 128, min(128, 1000 - j * 128))],
                    sem_g,
                )
                for j in range(8)
            ]
            for cp in copies:
                cp.wait()
            row0, col0 = _banded(wid * ew + ci * 1000)
            pltpu.async_copy(
                rows_b[b],
                g_hbm.at[pl.ds(row0, 1000), pl.ds(col0, L)],
                sem_w[b],
            )

    for b in range(2):
        pltpu.make_async_copy(
            rows_b[b], g_hbm.at[pl.ds(0, 1000), pl.ds(0, L)], sem_w[b]
        ).wait()


def _sc_gather(p, src, e):
    ew = e // NW
    mesh = plsc.VectorSubcoreMesh(
        core_axis_name="c", subcore_axis_name="s", num_cores=NC, num_subcores=NS
    )
    return pl.kernel(
        functools.partial(_gather_body, ew),
        out_type=jax.ShapeDtypeStruct((e // 8, 8 * L), jnp.float32),
        mesh=mesh,
        compiler_params=pltpu.CompilerParams(use_tc_tiling_on_sc=False),
        scratch_types=[
            pltpu.VMEM((1000,), jnp.int32),
            pltpu.VMEM((1000,), jnp.int32),
            pltpu.VMEM((1000, L), jnp.float32),
            pltpu.VMEM((1000, L), jnp.float32),
            pltpu.SemaphoreType.DMA,
            pltpu.SemaphoreType.DMA,
            pltpu.SemaphoreType.DMA,
            pltpu.SemaphoreType.DMA,
            pltpu.SemaphoreType.DMA,
        ],
    )(p, src)


def _msg_body(eat_ref, g_ref, w1_ref, w2_ref, b2_ref, o_ref):
    q = lax.dot_general(
        eat_ref[...], w1_ref[...],
        (((0,), (0,)), ((), ())),
        preferred_element_type=jnp.float32,
    )
    nsub = q.shape[0] // 8000
    subs = [
        jnp.concatenate(
            [q[s * 8000 + j * 1000:s * 8000 + (j + 1) * 1000, :]
             for j in range(8)],
            axis=1,
        )
        for s in range(nsub)
    ]
    qp = jnp.concatenate(subs, axis=0) if nsub > 1 else subs[0]
    z = jnp.maximum(qp + g_ref[...], 0.0)
    o_ref[...] = (
        jnp.dot(z, w2_ref[...], preferred_element_type=jnp.float32) + b2_ref[...]
    )


def _msg_mlp(ea_t, g_pb, w1, w2_bd, b2_t):
    de, e = ea_t.shape
    ep8, dep = g_pb.shape
    blk = 2000
    return pl.pallas_call(
        _msg_body,
        grid=(ep8 // blk,),
        in_specs=[
            pl.BlockSpec((de, 8 * blk), lambda i: (0, i)),
            pl.BlockSpec((blk, dep), lambda i: (i, 0)),
            pl.BlockSpec((de, de), lambda i: (0, 0)),
            pl.BlockSpec((dep, dep), lambda i: (0, 0)),
            pl.BlockSpec((1, dep), lambda i: (0, 0)),
        ],
        out_specs=pl.BlockSpec((blk, dep), lambda i: (i, 0)),
        out_shape=jax.ShapeDtypeStruct((ep8, dep), jnp.float32),
        compiler_params=pltpu.CompilerParams(
            fuse_transposed_lhs_in_matmul=True
        ),
    )(ea_t, g_pb, w1, w2_bd, b2_t)


_BCAST_DNUMS = lax.GatherDimensionNumbers(
    offset_dims=(), collapsed_slice_dims=(0,), start_index_map=(0,)
)


def _bcast_lane(v, b):
    return lax.gather(
        v,
        jnp.full((L, 1), b, jnp.int32),
        _BCAST_DNUMS,
        slice_sizes=(1,),
        mode=lax.GatherScatterMode.PROMISE_IN_BOUNDS,
    )


def _scatter_body(eg, nh, m_hbm, dst_hbm, out_hbm, acc,
                  d0, d1, m0, m1, sem0, sem1):
    wid = lax.axis_index("s") * NC + lax.axis_index("c")
    g = wid // 2
    h = wid % 2
    col = lax.iota(jnp.int32, L)
    neg_inf = jnp.full((L,), -jnp.inf, dtype=jnp.float32)
    d_b = (d0, d1)
    m_b = (m0, m1)
    sem = (sem0, sem1)

    @pl.loop(0, nh + 1)
    def _init(i):
        acc[pl.ds(i * L, L)] = neg_inf

    nch = eg // 1000
    nvec = 1000 // L + 1

    def fire(ci, b):
        ebase = g * eg + ci * 1000
        row0, col0 = _banded(ebase)
        pltpu.async_copy(dst_hbm.at[pl.ds(ebase, 1000)], d_b[b], sem[b])
        pltpu.async_copy(
            m_hbm.at[pl.ds(row0, 1000), pl.ds(col0, L)], m_b[b], sem[b]
        )

    fire(0, 0)

    @pl.loop(0, nch // 2)
    def _outer(o):
        for b in range(2):
            ci = 2 * o + b

            @pl.when(ci + 1 < nch)
            def _():
                fire(ci + 1, 1 - b)

            pltpu.make_async_copy(
                dst_hbm.at[pl.ds(0, 1000)], d_b[b], sem[b]
            ).wait()
            pltpu.make_async_copy(
                m_hbm.at[pl.ds(0, 1000), pl.ds(0, L)], m_b[b], sem[b]
            ).wait()

            @pl.loop(0, nvec)
            def _vec(k):
                eoff = jnp.minimum(k * L, 1000 - L)
                dstv = d_b[b][pl.ds(eoff, L)]
                off = dstv - h * nh
                owned = (off >= 0) & (off < nh)
                base16 = jnp.where(owned, off, nh) * L
                for lane in range(L):
                    idx = _bcast_lane(base16, lane) + col
                    mrow = plsc.load_gather(
                        m_b[b], [jnp.broadcast_to(eoff + lane, (L,)), col]
                    )
                    old = plsc.load_gather(acc, [idx])
                    plsc.store_scatter(acc, [idx], jnp.maximum(old, mrow))

    pltpu.sync_copy(acc.at[pl.ds(0, nh * L)], out_hbm.at[h, g])


def _sc_scatter_max(m_p, dst, e, nh):
    eg = e // (NW // 2)
    mesh = plsc.VectorSubcoreMesh(
        core_axis_name="c", subcore_axis_name="s", num_cores=NC, num_subcores=NS
    )
    return pl.kernel(
        functools.partial(_scatter_body, eg, nh),
        out_type=jax.ShapeDtypeStruct((2, NW // 2, nh * L), jnp.float32),
        mesh=mesh,
        compiler_params=pltpu.CompilerParams(
            use_tc_tiling_on_sc=False, needs_layout_passes=False
        ),
        scratch_types=[
            pltpu.VMEM(((nh + 1) * L,), jnp.float32),
            pltpu.VMEM((1000,), jnp.int32),
            pltpu.VMEM((1000,), jnp.int32),
            pltpu.VMEM((1000, L), jnp.float32),
            pltpu.VMEM((1000, L), jnp.float32),
            pltpu.SemaphoreType.DMA,
            pltpu.SemaphoreType.DMA,
        ],
    )(m_p, dst)


def _update_body(x_ref, p_ref, wx_ref, wr_ref, b1_ref, w2_ref, b2_ref, o_ref):
    r = jnp.max(p_ref[0], axis=0)
    r = jnp.where(jnp.isfinite(r), r, 0.0)
    u = jnp.maximum(
        jnp.dot(x_ref[0], wx_ref[...], preferred_element_type=jnp.float32)
        + jnp.dot(r, wr_ref[...], preferred_element_type=jnp.float32)
        + b1_ref[...],
        0.0,
    )
    o_ref[0, ...] = (
        jnp.dot(u, w2_ref[...], preferred_element_type=jnp.float32) + b2_ref[...]
    )


def _update_mlp(x_p3, part_p, wx_bd, wr_bd, b1_t, w2_bd, b2_t):
    _, nhp, dxp = x_p3.shape
    ngrp = part_p.shape[1]
    hp = wr_bd.shape[1]
    dop = w2_bd.shape[1]
    return pl.pallas_call(
        _update_body,
        grid=(2,),
        in_specs=[
            pl.BlockSpec((1, nhp, dxp), lambda i: (i, 0, 0)),
            pl.BlockSpec((1, ngrp, nhp, hp), lambda i: (i, 0, 0, 0)),
            pl.BlockSpec((dxp, hp), lambda i: (0, 0)),
            pl.BlockSpec((hp, hp), lambda i: (0, 0)),
            pl.BlockSpec((1, hp), lambda i: (0, 0)),
            pl.BlockSpec((hp, dop), lambda i: (0, 0)),
            pl.BlockSpec((1, dop), lambda i: (0, 0)),
        ],
        out_specs=pl.BlockSpec((1, nhp, dop), lambda i: (i, 0, 0)),
        out_shape=jax.ShapeDtypeStruct((2, nhp, dop), jnp.float32),
    )(x_p3, part_p, wx_bd, wr_bd, b1_t, w2_bd, b2_t)


def kernel(x, edge_index, edge_attr, W_msg1, b_msg1, W_msg2, b_msg2,
           W_udt1, b_udt1, W_udt2, b_udt2):
    n, dx = x.shape
    e = edge_index.shape[1]
    de = edge_attr.shape[1]
    nh = n // 2

    src = edge_index[0]
    dst = edge_index[1]

    eye8 = jnp.eye(8, dtype=jnp.float32)

    def bd(w):
        return jnp.kron(eye8, w)

    def bt(b):
        return jnp.tile(b, 8)[None, :]

    x_p = x.reshape(n // 8, 8 * dx)
    ea_t = edge_attr.T

    p_p = _node_proj(x_p, bd(W_msg1[de:]), bt(b_msg1))
    g_pb = _sc_gather(p_p.reshape(n, L), src, e)
    m_p = _msg_mlp(ea_t, g_pb,
                   W_msg1[:de], bd(W_msg2), bt(b_msg2))
    partials = _sc_scatter_max(m_p, dst, e, nh)
    part_p = partials.reshape(2, NW // 2, nh * L // 128, 128)
    x_p3 = x.reshape(2, nh // 8, 8 * dx)
    out_p = _update_mlp(x_p3, part_p, bd(W_udt1[:dx]), bd(W_udt1[dx:]),
                        bt(b_udt1), bd(W_udt2), bt(b_udt2))
    return out_p.reshape(n, W_udt2.shape[1])

# --- scband reference (transcript-rebuilt; emitter-appended) ---
"""Pipeline reference for scband-graph-conv-17532056502697 (READ-ONLY COPY).

The authoritative reference and input builder live on the scoring server;
editing this copy changes nothing except your own understanding.
"""

import jax, jax.numpy as jnp
import numpy as np

N = 10000
E = 320000
D_SRC = 128
D_DST = 128
D_EDGE = 16
MSG = 16
HID = 16
D_OUT = 128


def setup_inputs(seed: int = 0) -> dict:
    key = jax.random.key(seed)
    ks = jax.random.split(key, 12)
    x = jax.random.normal(ks[0], (N, D_SRC), dtype=jnp.float32)
    edge_index = jax.random.randint(ks[1], (2, E), 0, N, dtype=jnp.int32)
    edge_attr = jax.random.normal(ks[2], (E, D_EDGE), dtype=jnp.float32)
    # fc_msg: Linear(D_EDGE + D_SRC -> HID), ReLU, Linear(HID -> MSG)
    fin1 = D_EDGE + D_SRC
    W_msg1 = jax.random.normal(ks[3], (fin1, HID), dtype=jnp.float32) / np.sqrt(fin1)
    b_msg1 = jnp.zeros((HID,), dtype=jnp.float32)
    W_msg2 = jax.random.normal(ks[4], (HID, MSG), dtype=jnp.float32) / np.sqrt(HID)
    b_msg2 = jnp.zeros((MSG,), dtype=jnp.float32)
    # fc_udt: Linear(D_DST + MSG -> HID), ReLU, Linear(HID -> D_OUT)
    fin2 = D_DST + MSG
    W_udt1 = jax.random.normal(ks[5], (fin2, HID), dtype=jnp.float32) / np.sqrt(fin2)
    b_udt1 = jnp.zeros((HID,), dtype=jnp.float32)
    W_udt2 = jax.random.normal(ks[6], (HID, D_OUT), dtype=jnp.float32) / np.sqrt(HID)
    b_udt2 = jnp.zeros((D_OUT,), dtype=jnp.float32)
    return {
        "x": x,
        "edge_index": edge_index,
        "edge_attr": edge_attr,
        "W_msg1": W_msg1, "b_msg1": b_msg1,
        "W_msg2": W_msg2, "b_msg2": b_msg2,
        "W_udt1": W_udt1, "b_udt1": b_udt1,
        "W_udt2": W_udt2, "b_udt2": b_udt2,
    }


def reference(x, edge_index, edge_attr, W_msg1, b_msg1, W_msg2, b_msg2, W_udt1, b_udt1, W_udt2, b_udt2):
    src = edge_index[0]
    dst = edge_index[1]
    # message: concat([edge_feats, src_feats]) -> fc_msg MLP
    h_src = jnp.take(x, src, axis=0)
    m_in = jnp.concatenate([edge_attr, h_src], axis=1)
    h = jnp.maximum(m_in @ W_msg1 + b_msg1, 0.0)
    m = h @ W_msg2 + b_msg2
    # reduce: max over incoming edges per destination node (DGL fn.max)
    r = jax.ops.segment_max(m, dst, num_segments=x.shape[0])
    # DGL fills nodes with no in-edges with 0
    r = jnp.where(jnp.isfinite(r), r, 0.0)
    # update: concat([dst in_feats, reduced]) -> fc_udt MLP
    u_in = jnp.concatenate([x, r], axis=1)
    u = jnp.maximum(u_in @ W_udt1 + b_udt1, 0.0)
    out = u @ W_udt2 + b_udt2
    return out

if __name__ == "__main__":
    import jax
    _d = setup_inputs()
    print(jax.jit(kernel)(*tuple(_d.values())))

</pallas_src>

<mosaic_0001>
#map = affine_map<(d0, d1) -> (0, 0)>
#map1 = affine_map<(d0, d1) -> (0)>
module attributes {stable_mosaic.version = 14 : i64} {
  func.func @_gather_body(%arg0: i32, %arg1: i32, %arg2: memref<10000x16xf32, #tpu.memory_space<hbm>>, %arg3: memref<320000xi32, #tpu.memory_space<hbm>>, %arg4: memref<40000x128xf32, #tpu.memory_space<hbm>>, %arg5: memref<1000xi32, #tpu.memory_space<vmem>>, %arg6: memref<1000xi32, #tpu.memory_space<vmem>>, %arg7: memref<1000x16xf32, #tpu.memory_space<vmem>>, %arg8: memref<1000x16xf32, #tpu.memory_space<vmem>>, %arg9: memref<!tpu.dma_semaphore, #tpu.memory_space<semaphore_mem>>, %arg10: memref<!tpu.dma_semaphore, #tpu.memory_space<semaphore_mem>>, %arg11: memref<!tpu.dma_semaphore, #tpu.memory_space<semaphore_mem>>, %arg12: memref<!tpu.dma_semaphore, #tpu.memory_space<semaphore_mem>>, %arg13: memref<!tpu.dma_semaphore, #tpu.memory_space<semaphore_mem>>) attributes {dimension_semantics = [#tpu.dimension_semantics<core_parallel>, #tpu.dimension_semantics<subcore_parallel>], iteration_bounds = array<i64: 2, 16>, scalar_prefetch = 0 : i64, scratch_operands = 9 : i64, tpu.core_type = #tpu.core_type<sc_vector_subcore>, window_params = [{transform_indices = #map}, {transform_indices = #map1}, {transform_indices = #map}]} {
    %mul3A = arith.constant 2 : i32
    %mul3A_0 = arith.muli %arg1, %mul3A : i32
    %add3A = arith.addi %mul3A_0, %arg0 : i32
    %mul3A_1 = arith.constant 10000 : i32
    %mul3A_2 = arith.muli %add3A, %mul3A_1 : i32
    %add3A_3 = arith.constant 0 : i32
    %add3A_4 = arith.addi %mul3A_2, %add3A_3 : i32
    %dma_start3A = tpu.memref_slice %arg3[%add3A_4] : memref<320000xi32, #tpu.memory_space<hbm>> -> memref<1000xi32, #tpu.memory_space<hbm>>
    %dma_start3A_5 = tpu.memref_slice %arg3[%add3A_4] : memref<320000xi32, #tpu.memory_space<hbm>> -> memref<1000xi32, #tpu.memory_space<hbm>>
    tpu.enqueue_dma source(%dma_start3A_5 : memref<1000xi32, #tpu.memory_space<hbm>>) target(%arg5 : memref<1000xi32, #tpu.memory_space<vmem>>) target_semaphore(%arg9 : memref<!tpu.dma_semaphore, #tpu.memory_space<semaphore_mem>>)
    %scan3A = arith.constant 0 : i32
    %scan3A_6 = arith.constant 5 : i32
    %scan3A_7 = arith.addi %scan3A, %scan3A_6 : i32
    %scan3A_8 = arith.constant 1 : i32
    scf.for %scan3A_21 = %scan3A to %scan3A_7 step %scan3A_8  : i32 {
      %mul3A_22 = arith.constant 1 : i32
      %mul3A_23 = arith.muli %scan3A_21, %mul3A_22 : i32
      %add3A_24 = arith.constant 0 : i32
      %add3A_25 = arith.addi %add3A_24, %mul3A_23 : i32
      %mul3A_26 = arith.constant 2 : i32
      %mul3A_27 = arith.muli %mul3A_26, %add3A_25 : i32
      %add3A_28 = arith.constant 0 : i32
      %add3A_29 = arith.addi %mul3A_27, %add3A_28 : i32
      %add3A_30 = arith.constant 1 : i32
      %add3A_31 = arith.addi %add3A_29, %add3A_30 : i32
      %lt3A = arith.constant 10 : i32
      %lt3A_32 = arith.cmpi slt, %add3A_31, %lt3A : i32
      %convert_element_type3A = arith.extui %lt3A_32 : i1 to i32
      %cond3A = arith.constant 0 : i32
      %cond3A_33 = arith.cmpi ne, %convert_element_type3A, %cond3A : i32
      scf.if %cond3A_33 {
        %add3A_459 = arith.constant 1 : i32
        %add3A_460 = arith.addi %add3A_29, %add3A_459 : i32
        %mul3A_461 = arith.constant 10000 : i32
        %mul3A_462 = arith.muli %add3A, %mul3A_461 : i32
        %mul3A_463 = arith.constant 1000 : i32
        %mul3A_464 = arith.muli %add3A_460, %mul3A_463 : i32
        %add3A_465 = arith.addi %mul3A_462, %mul3A_464 : i32
        %dma_start3A_466 = tpu.memref_slice %arg3[%add3A_465] : memref<320000xi32, #tpu.memory_space<hbm>> -> memref<1000xi32, #tpu.memory_space<hbm>>
        %dma_start3A_467 = tpu.memref_slice %arg3[%add3A_465] : memref<320000xi32, #tpu.memory_space<hbm>> -> memref<1000xi32, #tpu.memory_space<hbm>>
        tpu.enqueue_dma source(%dma_start3A_467 : memref<1000xi32, #tpu.memory_space<hbm>>) target(%arg6 : memref<1000xi32, #tpu.memory_space<vmem>>) target_semaphore(%arg10 : memref<!tpu.dma_semaphore, #tpu.memory_space<semaphore_mem>>)
      } else {
      }
      %dma_wait3A_34 = arith.constant 0 : i32
      %dma_wait3A_35 = tpu.memref_slice %arg3[%dma_wait3A_34] : memref<320000xi32, #tpu.memory_space<hbm>> -> memref<1000xi32, #tpu.memory_space<hbm>>
      %dma_wait3A_36 = arith.constant 0 : i32
      %dma_wait3A_37 = tpu.memref_slice %arg3[%dma_wait3A_36] : memref<320000xi32, #tpu.memory_space<hbm>> -> memref<1000xi32, #tpu.memory_space<hbm>>
      tpu.wait_dma2 semaphore(%arg9 : memref<!tpu.dma_semaphore, #tpu.memory_space<semaphore_mem>>) src(%dma_wait3A_37 : memref<1000xi32, #tpu.memory_space<hbm>>) dst(%arg5 : memref<1000xi32, #tpu.memory_space<vmem>>)
      %gt3A = arith.constant 0 : i32
      %gt3A_38 = arith.cmpi sgt, %add3A_25, %gt3A : i32
      %convert_element_type3A_39 = arith.extui %gt3A_38 : i1 to i32
      %cond3A_40 = arith.constant 0 : i32
      %cond3A_41 = arith.cmpi ne, %convert_element_type3A_39, %cond3A_40 : i32
      scf.if %cond3A_41 {
        %dma_wait3A_459 = arith.constant 0 : i32
        %dma_wait3A_460 = arith.constant 0 : i32
        %dma_wait3A_461 = tpu.memref_slice %arg4[%dma_wait3A_459, %dma_wait3A_460] : memref<40000x128xf32, #tpu.memory_space<hbm>> -> memref<1000x16xf32, #tpu.memory_space<hbm>>
        %dma_wait3A_462 = arith.constant 0 : i32
        %dma_wait3A_463 = arith.constant 0 : i32
        %dma_wait3A_464 = tpu.memref_slice %arg4[%dma_wait3A_462, %dma_wait3A_463] : memref<40000x128xf32, #tpu.memory_space<hbm>> -> memref<1000x16xf32, #tpu.memory_space<hbm>>
        tpu.wait_dma2 semaphore(%arg12 : memref<!tpu.dma_semaphore, #tpu.memory_space<semaphore_mem>>) src(%arg7 : memref<1000x16xf32, #tpu.memory_space<vmem>>) dst(%dma_wait3A_464 : memref<1000x16xf32, #tpu.memory_space<hbm>>)
      } else {
      }
      %dma_start3A_42 = arith.constant 0 : i32
      %dma_start3A_43 = arith.constant 0 : i32
      %dma_start3A_44 = tpu.memref_slice %arg7[%dma_start3A_42, %dma_start3A_43] : memref<1000x16xf32, #tpu.memory_space<vmem>> -> memref<128x16xf32, #tpu.memory_space<vmem>>
      %dma_start3A_45 = arith.constant 0 : i32
      %dma_start3A_46 = tpu.memref_slice %arg5[%dma_start3A_45] : memref<1000xi32, #tpu.memory_space<vmem>> -> memref<128xi32, #tpu.memory_space<vmem>>
      %dma_start3A_47 = arith.constant 0 : i32
      %dma_start3A_48 = arith.constant 0 : i32
      %dma_start3A_49 = tpu.memref_slice %arg2[%dma_start3A_47, %dma_start3A_48] : memref<10000x16xf32, #tpu.memory_space<hbm>> -> memref<10000x16xf32, #tpu.memory_space<hbm>>
      tpu.enqueue_indirect_dma source(%dma_start3A_49 : memref<10000x16xf32, #tpu.memory_space<hbm>>) target(%dma_start3A_44 : memref<128x16xf32, #tpu.memory_space<vmem>>) offsets(%dma_start3A_46 : memref<128xi32, #tpu.memory_space<vmem>>) semaphore(%arg11 : memref<!tpu.dma_semaphore, #tpu.memory_space<semaphore_mem>>)
      %dma_start3A_50 = arith.constant 128 : i32
      %dma_start3A_51 = arith.constant 0 : i32
      %dma_start3A_52 = tpu.memref_slice %arg7[%dma_start3A_50, %dma_start3A_51] : memref<1000x16xf32, #tpu.memory_space<vmem>> -> memref<128x16xf32, #tpu.memory_space<vmem>>
      %dma_start3A_53 = arith.constant 128 : i32
      %dma_start3A_54 = tpu.memref_slice %arg5[%dma_start3A_53] : memref<1000xi32, #tpu.memory_space<vmem>> -> memref<128xi32, #tpu.memory_space<vmem>>
      %dma_start3A_55 = arith.constant 0 : i32
      %dma_start3A_56 = arith.constant 0 : i32
      %dma_start3A_57 = tpu.memref_slice %arg2[%dma_start3A_55, %dma_start3A_56] : memref<10000x16xf32, #tpu.memory_space<hbm>> -> memref<10000x16xf32, #tpu.memory_space<hbm>>
      tpu.enqueue_indirect_dma source(%dma_start3A_57 : memref<10000x16xf32, #tpu.memory_space<hbm>>) target(%dma_start3A_52 : memref<128x16xf32, #tpu.memory_space<vmem>>) offsets(%dma_start3A_54 : memref<128xi32, #tpu.memory_space<vmem>>) semaphore(%arg11 : memref<!tpu.dma_semaphore, #tpu.memory_space<semaphore_mem>>)
      %dma_start3A_58 = arith.constant 256 : i32
      %dma_start3A_59 = arith.constant 0 : i32
      %dma_start3A_60 = tpu.memref_slice %arg7[%dma_start3A_58, %dma_start3A_59] : memref<1000x16xf32, #tpu.memory_space<vmem>> -> memref<128x16xf32, #tpu.memory_space<vmem>>
      %dma_start3A_61 = arith.constant 256 : i32
      %dma_start3A_62 = tpu.memref_slice %arg5[%dma_start3A_61] : memref<1000xi32, #tpu.memory_space<vmem>> -> memref<128xi32, #tpu.memory_space<vmem>>
      %dma_start3A_63 = arith.constant 0 : i32
      %dma_start3A_64 = arith.constant 0 : i32
      %dma_start3A_65 = tpu.memref_slice %arg2[%dma_start3A_63, %dma_start3A_64] : memref<10000x16xf32, #tpu.memory_space<hbm>> -> memref<10000x16xf32, #tpu.memory_space<hbm>>
      tpu.enqueue_indirect_dma source(%dma_start3A_65 : memref<10000x16xf32, #tpu.memory_space<hbm>>) target(%dma_start3A_60 : memref<128x16xf32, #tpu.memory_space<vmem>>) offsets(%dma_start3A_62 : memref<128xi32, #tpu.memory_space<vmem>>) semaphore(%arg11 : memref<!tpu.dma_semaphore, #tpu.memory_space<semaphore_mem>>)
      %dma_start3A_66 = arith.constant 384 : i32
      %dma_start3A_67 = arith.constant 0 : i32
      %dma_start3A_68 = tpu.memref_slice %arg7[%dma_start3A_66, %dma_start3A_67] : memref<1000x16xf32, #tpu.memory_space<vmem>> -> memref<128x16xf32, #tpu.memory_space<vmem>>
      %dma_start3A_69 = arith.constant 384 : i32
      %dma_start3A_70 = tpu.memref_slice %arg5[%dma_start3A_69] : memref<1000xi32, #tpu.memory_space<vmem>> -> memref<128xi32, #tpu.memory_space<vmem>>
      %dma_start3A_71 = arith.constant 0 : i32
      %dma_start3A_72 = arith.constant 0 : i32
      %dma_start3A_73 = tpu.memref_slice %arg2[%dma_start3A_71, %dma_start3A_72] : memref<10000x16xf32, #tpu.memory_space<hbm>> -> memref<10000x16xf32, #tpu.memory_space<hbm>>
      tpu.enqueue_indirect_dma source(%dma_start3A_73 : memref<10000x16xf32, #tpu.memory_space<hbm>>) target(%dma_start3A_68 : memref<128x16xf32, #tpu.memory_space<vmem>>) offsets(%dma_start3A_70 : memref<128xi32, #tpu.memory_space<vmem>>) semaphore(%arg11 : memref<!tpu.dma_semaphore, #tpu.memory_space<semaphore_mem>>)
      %dma_start3A_74 = arith.constant 512 : i32
      %dma_start3A_75 = arith.constant 0 : i32
      %dma_start3A_76 = tpu.memref_slice %arg7[%dma_start3A_74, %dma_start3A_75] : memref<1000x16xf32, #tpu.memory_space<vmem>> -> memref<128x16xf32, #tpu.memory_space<vmem>>
      %dma_start3A_77 = arith.constant 512 : i32
      %dma_start3A_78 = tpu.memref_slice %arg5[%dma_start3A_77] : memref<1000xi32, #tpu.memory_space<vmem>> -> memref<128xi32, #tpu.memory_space<vmem>>
      %dma_start3A_79 = arith.constant 0 : i32
      %dma_start3A_80 = arith.constant 0 : i32
      %dma_start3A_81 = tpu.memref_slice %arg2[%dma_start3A_79, %dma_start3A_80] : memref<10000x16xf32, #tpu.memory_space<hbm>> -> memref<10000x16xf32, #tpu.memory_space<hbm>>
      tpu.enqueue_indirect_dma source(%dma_start3A_81 : memref<10000x16xf32, #tpu.memory_space<hbm>>) target(%dma_start3A_76 : memref<128x16xf32, #tpu.memory_space<vmem>>) offsets(%dma_start3A_78 : memref<128xi32, #tpu.memory_space<vmem>>) semaphore(%arg11 : memref<!tpu.dma_semaphore, #tpu.memory_space<semaphore_mem>>)
      %dma_start3A_82 = arith.constant 640 : i32
      %dma_start3A_83 = arith.constant 0 : i32
      %dma_start3A_84 = tpu.memref_slice %arg7[%dma_start3A_82, %dma_start3A_83] : memref<1000x16xf32, #tpu.memory_space<vmem>> -> memref<128x16xf32, #tpu.memory_space<vmem>>
      %dma_start3A_85 = arith.constant 640 : i32
      %dma_start3A_86 = tpu.memref_slice %arg5[%dma_start3A_85] : memref<1000xi32, #tpu.memory_space<vmem>> -> memref<128xi32, #tpu.memory_space<vmem>>
      %dma_start3A_87 = arith.constant 0 : i32
      %dma_start3A_88 = arith.constant 0 : i32
      %dma_start3A_89 = tpu.memref_slice %arg2[%dma_start3A_87, %dma_start3A_88] : memref<10000x16xf32, #tpu.memory_space<hbm>> -> memref<10000x16xf32, #tpu.memory_space<hbm>>
      tpu.enqueue_indirect_dma source(%dma_start3A_89 : memref<10000x16xf32, #tpu.memory_space<hbm>>) target(%dma_start3A_84 : memref<128x16xf32, #tpu.memory_space<vmem>>) offsets(%dma_start3A_86 : memref<128xi32, #tpu.memory_space<vmem>>) semaphore(%arg11 : memref<!tpu.dma_semaphore, #tpu.memory_space<semaphore_mem>>)
      %dma_start3A_90 = arith.constant 768 : i32
      %dma_start3A_91 = arith.constant 0 : i32
      %dma_start3A_92 = tpu.memref_slice %arg7[%dma_start3A_90, %dma_start3A_91] : memref<1000x16xf32, #tpu.memory_space<vmem>> -> memref<128x16xf32, #tpu.memory_space<vmem>>
      %dma_start3A_93 = arith.constant 768 : i32
      %dma_start3A_94 = tpu.memref_slice %arg5[%dma_start3A_93] : memref<1000xi32, #tpu.memory_space<vmem>> -> memref<128xi32, #tpu.memory_space<vmem>>
      %dma_start3A_95 = arith.constant 0 : i32
      %dma_start3A_96 = arith.constant 0 : i32
      %dma_start3A_97 = tpu.memref_slice %arg2[%dma_start3A_95, %dma_start3A_96] : memref<10000x16xf32, #tpu.memory_space<hbm>> -> memref<10000x16xf32, #tpu.memory_space<hbm>>
      tpu.enqueue_indirect_dma source(%dma_start3A_97 : memref<10000x16xf32, #tpu.memory_space<hbm>>) target(%dma_start3A_92 : memref<128x16xf32, #tpu.memory_space<vmem>>) offsets(%dma_start3A_94 : memref<128xi32, #tpu.memory_space<vmem>>) semaphore(%arg11 : memref<!tpu.dma_semaphore, #tpu.memory_space<semaphore_mem>>)
      %dma_start3A_98 = arith.constant 896 : i32
      %dma_start3A_99 = arith.constant 0 : i32
      %dma_start3A_100 = tpu.memref_slice %arg7[%dma_start3A_98, %dma_start3A_99] : memref<1000x16xf32, #tpu.memory_space<vmem>> -> memref<104x16xf32, #tpu.memory_space<vmem>>
      %dma_start3A_101 = arith.constant 896 : i32
      %dma_start3A_102 = tpu.memref_slice %arg5[%dma_start3A_101] : memref<1000xi32, #tpu.memory_space<vmem>> -> memref<104xi32, #tpu.memory_space<vmem>>
      %dma_start3A_103 = arith.constant 0 : i32
      %dma_start3A_104 = arith.constant 0 : i32
      %dma_start3A_105 = tpu.memref_slice %arg2[%dma_start3A_103, %dma_start3A_104] : memref<10000x16xf32, #tpu.memory_space<hbm>> -> memref<10000x16xf32, #tpu.memory_space<hbm>>
      tpu.enqueue_indirect_dma source(%dma_start3A_105 : memref<10000x16xf32, #tpu.memory_space<hbm>>) target(%dma_start3A_100 : memref<104x16xf32, #tpu.memory_space<vmem>>) offsets(%dma_start3A_102 : memref<104xi32, #tpu.memory_space<vmem>>) semaphore(%arg11 : memref<!tpu.dma_semaphore, #tpu.memory_space<semaphore_mem>>)
      %dma_wait3A_106 = arith.constant 0 : i32
      %dma_wait3A_107 = arith.constant 0 : i32
      %dma_wait3A_108 = tpu.memref_slice %arg7[%dma_wait3A_106, %dma_wait3A_107] : memref<1000x16xf32, #tpu.memory_space<vmem>> -> memref<128x16xf32, #tpu.memory_space<vmem>>
      %dma_wait3A_109 = arith.constant 0 : i32
      %dma_wait3A_110 = tpu.memref_slice %arg5[%dma_wait3A_109] : memref<1000xi32, #tpu.memory_space<vmem>> -> memref<128xi32, #tpu.memory_space<vmem>>
      %dma_wait3A_111 = arith.constant 0 : i32
      %dma_wait3A_112 = arith.constant 0 : i32
      %dma_wait3A_113 = tpu.memref_slice %arg2[%dma_wait3A_111, %dma_wait3A_112] : memref<10000x16xf32, #tpu.memory_space<hbm>> -> memref<10000x16xf32, #tpu.memory_space<hbm>>
      tpu.wait_indirect_dma semaphore(%arg11 : memref<!tpu.dma_semaphore, #tpu.memory_space<semaphore_mem>>) src(%dma_wait3A_113 : memref<10000x16xf32, #tpu.memory_space<hbm>>) dst(%dma_wait3A_108 : memref<128x16xf32, #tpu.memory_space<vmem>>)
      %dma_wait3A_114 = arith.constant 128 : i32
      %dma_wait3A_115 = arith.constant 0 : i32
      %dma_wait3A_116 = tpu.memref_slice %arg7[%dma_wait3A_114, %dma_wait3A_115] : memref<1000x16xf32, #tpu.memory_space<vmem>> -> memref<128x16xf32, #tpu.memory_space<vmem>>
      %dma_wait3A_117 = arith.constant 128 : i32
      %dma_wait3A_118 = tpu.memref_slice %arg5[%dma_wait3A_117] : memref<1000xi32, #tpu.memory_space<vmem>> -> memref<128xi32, #tpu.memory_space<vmem>>
      %dma_wait3A_119 = arith.constant 0 : i32
      %dma_wait3A_120 = arith.constant 0 : i32
      %dma_wait3A_121 = tpu.memref_slice %arg2[%dma_wait3A_119, %dma_wait3A_120] : memref<10000x16xf32, #tpu.memory_space<hbm>> -> memref<10000x16xf32, #tpu.memory_space<hbm>>
      tpu.wait_indirect_dma semaphore(%arg11 : memref<!tpu.dma_semaphore, #tpu.memory_space<semaphore_mem>>) src(%dma_wait3A_121 : memref<10000x16xf32, #tpu.memory_space<hbm>>) dst(%dma_wait3A_116 : memref<128x16xf32, #tpu.memory_space<vmem>>)
      %dma_wait3A_122 = arith.constant 256 : i32
      %dma_wait3A_123 = arith.constant 0 : i32
      %dma_wait3A_124 = tpu.memref_slice %arg7[%dma_wait3A_122, %dma_wait3A_123] : memref<1000x16xf32, #tpu.memory_space<vmem>> -> memref<128x16xf32, #tpu.memory_space<vmem>>
      %dma_wait3A_125 = arith.constant 256 : i32
      %dma_wait3A_126 = tpu.memref_slice %arg5[%dma_wait3A_125] : memref<1000xi32, #tpu.memory_space<vmem>> -> memref<128xi32, #tpu.memory_space<vmem>>
      %dma_wait3A_127 = arith.constant 0 : i32
      %dma_wait3A_128 = arith.constant 0 : i32
      %dma_wait3A_129 = tpu.memref_slice %arg2[%dma_wait3A_127, %dma_wait3A_128] : memref<10000x16xf32, #tpu.memory_space<hbm>> -> memref<10000x16xf32, #tpu.memory_space<hbm>>
      tpu.wait_indirect_dma semaphore(%arg11 : memref<!tpu.dma_semaphore, #tpu.memory_space<semaphore_mem>>) src(%dma_wait3A_129 : memref<10000x16xf32, #tpu.memory_space<hbm>>) dst(%dma_wait3A_124 : memref<128x16xf32, #tpu.memory_space<vmem>>)
      %dma_wait3A_130 = arith.constant 384 : i32
      %dma_wait3A_131 = arith.constant 0 : i32
      %dma_wait3A_132 = tpu.memref_slice %arg7[%dma_wait3A_130, %dma_wait3A_131] : memref<1000x16xf32, #tpu.memory_space<vmem>> -> memref<128x16xf32, #tpu.memory_space<vmem>>
      %dma_wait3A_133 = arith.constant 384 : i32
      %dma_wait3A_134 = tpu.memref_slice %arg5[%dma_wait3A_133] : memref<1000xi32, #tpu.memory_space<vmem>> -> memref<128xi32, #tpu.memory_space<vmem>>
      %dma_wait3A_135 = arith.constant 0 : i32
      %dma_wait3A_136 = arith.constant 0 : i32
      %dma_wait3A_137 = tpu.memref_slice %arg2[%dma_wait3A_135, %dma_wait3A_136] : memref<10000x16xf32, #tpu.memory_space<hbm>> -> memref<10000x16xf32, #tpu.memory_space<hbm>>
      tpu.wait_indirect_dma semaphore(%arg11 : memref<!tpu.dma_semaphore, #tpu.memory_space<semaphore_mem>>) src(%dma_wait3A_137 : memref<10000x16xf32, #tpu.memory_space<hbm>>) dst(%dma_wait3A_132 : memref<128x16xf32, #tpu.memory_space<vmem>>)
      %dma_wait3A_138 = arith.constant 512 : i32
      %dma_wait3A_139 = arith.constant 0 : i32
      %dma_wait3A_140 = tpu.memref_slice %arg7[%dma_wait3A_138, %dma_wait3A_139] : memref<1000x16xf32, #tpu.memory_space<vmem>> -> memref<128x16xf32, #tpu.memory_space<vmem>>
      %dma_wait3A_141 = arith.constant 512 : i32
      %dma_wait3A_142 = tpu.memref_slice %arg5[%dma_wait3A_141] : memref<1000xi32, #tpu.memory_space<vmem>> -> memref<128xi32, #tpu.memory_space<vmem>>
      %dma_wait3A_143 = arith.constant 0 : i32
      %dma_wait3A_144 = arith.constant 0 : i32
      %dma_wait3A_145 = tpu.memref_slice %arg2[%dma_wait3A_143, %dma_wait3A_144] : memref<10000x16xf32, #tpu.memory_space<hbm>> -> memref<10000x16xf32, #tpu.memory_space<hbm>>
      tpu.wait_indirect_dma semaphore(%arg11 : memref<!tpu.dma_semaphore, #tpu.memory_space<semaphore_mem>>) src(%dma_wait3A_145 : memref<10000x16xf32, #tpu.memory_space<hbm>>) dst(%dma_wait3A_140 : memref<128x16xf32, #tpu.memory_space<vmem>>)
      %dma_wait3A_146 = arith.constant 640 : i32
      %dma_wait3A_147 = arith.constant 0 : i32
      %dma_wait3A_148 = tpu.memref_slice %arg7[%dma_wait3A_146, %dma_wait3A_147] : memref<1000x16xf32, #tpu.memory_space<vmem>> -> memref<128x16xf32, #tpu.memory_space<vmem>>
      %dma_wait3A_149 = arith.constant 640 : i32
      %dma_wait3A_150 = tpu.memref_slice %arg5[%dma_wait3A_149] : memref<1000xi32, #tpu.memory_space<vmem>> -> memref<128xi32, #tpu.memory_space<vmem>>
      %dma_wait3A_151 = arith.constant 0 : i32
      %dma_wait3A_152 = arith.constant 0 : i32
      %dma_wait3A_153 = tpu.memref_slice %arg2[%dma_wait3A_151, %dma_wait3A_152] : memref<10000x16xf32, #tpu.memory_space<hbm>> -> memref<10000x16xf32, #tpu.memory_space<hbm>>
      tpu.wait_indirect_dma semaphore(%arg11 : memref<!tpu.dma_semaphore, #tpu.memory_space<semaphore_mem>>) src(%dma_wait3A_153 : memref<10000x16xf32, #tpu.memory_space<hbm>>) dst(%dma_wait3A_148 : memref<128x16xf32, #tpu.memory_space<vmem>>)
      %dma_wait3A_154 = arith.constant 768 : i32
      %dma_wait3A_155 = arith.constant 0 : i32
      %dma_wait3A_156 = tpu.memref_slice %arg7[%dma_wait3A_154, %dma_wait3A_155] : memref<1000x16xf32, #tpu.memory_space<vmem>> -> memref<128x16xf32, #tpu.memory_space<vmem>>
      %dma_wait3A_157 = arith.constant 768 : i32
      %dma_wait3A_158 = tpu.memref_slice %arg5[%dma_wait3A_157] : memref<1000xi32, #tpu.memory_space<vmem>> -> memref<128xi32, #tpu.memory_space<vmem>>
      %dma_wait3A_159 = arith.constant 0 : i32
      %dma_wait3A_160 = arith.constant 0 : i32
      %dma_wait3A_161 = tpu.memref_slice %arg2[%dma_wait3A_159, %dma_wait3A_160] : memref<10000x16xf32, #tpu.memory_space<hbm>> -> memref<10000x16xf32, #tpu.memory_space<hbm>>
      tpu.wait_indirect_dma semaphore(%arg11 : memref<!tpu.dma_semaphore, #tpu.memory_space<semaphore_mem>>) src(%dma_wait3A_161 : memref<10000x16xf32, #tpu.memory_space<hbm>>) dst(%dma_wait3A_156 : memref<128x16xf32, #tpu.memory_space<vmem>>)
      %dma_wait3A_162 = arith.constant 896 : i32
      %dma_wait3A_163 = arith.constant 0 : i32
      %dma_wait3A_164 = tpu.memref_slice %arg7[%dma_wait3A_162, %dma_wait3A_163] : memref<1000x16xf32, #tpu.memory_space<vmem>> -> memref<104x16xf32, #tpu.memory_space<vmem>>
      %dma_wait3A_165 = arith.constant 896 : i32
      %dma_wait3A_166 = tpu.memref_slice %arg5[%dma_wait3A_165] : memref<1000xi32, #tpu.memory_space<vmem>> -> memref<104xi32, #tpu.memory_space<vmem>>
      %dma_wait3A_167 = arith.constant 0 : i32
      %dma_wait3A_168 = arith.constant 0 : i32
      %dma_wait3A_169 = tpu.memref_slice %arg2[%dma_wait3A_167, %dma_wait3A_168] : memref<10000x16xf32, #tpu.memory_space<hbm>> -> memref<10000x16xf32, #tpu.memory_space<hbm>>
      tpu.wait_indirect_dma semaphore(%arg11 : memref<!tpu.dma_semaphore, #tpu.memory_space<semaphore_mem>>) src(%dma_wait3A_169 : memref<10000x16xf32, #tpu.memory_space<hbm>>) dst(%dma_wait3A_164 : memref<104x16xf32, #tpu.memory_space<vmem>>)
      %mul3A_170 = arith.constant 10000 : i32
      %mul3A_171 = arith.muli %add3A, %mul3A_170 : i32
      %mul3A_172 = arith.constant 1000 : i32
      %mul3A_173 = arith.muli %add3A_29, %mul3A_172 : i32
      %add3A_174 = arith.addi %mul3A_171, %mul3A_173 : i32
      %jit3A = arith.constant 1000 : i32
      %div3A = arith.divsi %add3A_174, %jit3A : i32
      %sign3A = arith.constant 0 : i32
      %sign3A_175 = arith.cmpi sgt, %add3A_174, %sign3A : i32
      %sign3A_176 = arith.extui %sign3A_175 : i1 to i32
      %sign3A_177 = arith.constant 0 : i32
      %sign3A_178 = arith.cmpi slt, %add3A_174, %sign3A_177 : i32
      %sign3A_179 = arith.extui %sign3A_178 : i1 to i32
      %sign3A_180 = arith.subi %sign3A_176, %sign3A_179 : i32
      %sign3A_181 = arith.constant 0 : i32
      %sign3A_182 = arith.cmpi sgt, %jit3A, %sign3A_181 : i32
      %sign3A_183 = arith.extui %sign3A_182 : i1 to i32
      %sign3A_184 = arith.constant 0 : i32
      %sign3A_185 = arith.cmpi slt, %jit3A, %sign3A_184 : i32
      %sign3A_186 = arith.extui %sign3A_185 : i1 to i32
      %sign3A_187 = arith.subi %sign3A_183, %sign3A_186 : i32
      %ne3A = arith.cmpi ne, %sign3A_180, %sign3A_187 : i32
      %rem3A = arith.remsi %add3A_174, %jit3A : i32
      %ne3A_188 = arith.constant 0 : i32
      %ne3A_189 = arith.cmpi ne, %rem3A, %ne3A_188 : i32
      %and3A = arith.andi %ne3A, %ne3A_189 : i1
      %sub3A = arith.constant 1 : i32
      %sub3A_190 = arith.subi %div3A, %sub3A : i32
      %select_n3A = arith.select %and3A, %sub3A_190, %div3A : i32
      %jit3A_191 = arith.constant 8 : i32
      %div3A_192 = arith.divsi %select_n3A, %jit3A_191 : i32
      %sign3A_193 = arith.constant 0 : i32
      %sign3A_194 = arith.cmpi sgt, %select_n3A, %sign3A_193 : i32
      %sign3A_195 = arith.extui %sign3A_194 : i1 to i32
      %sign3A_196 = arith.constant 0 : i32
      %sign3A_197 = arith.cmpi slt, %select_n3A, %sign3A_196 : i32
      %sign3A_198 = arith.extui %sign3A_197 : i1 to i32
      %sign3A_199 = arith.subi %sign3A_195, %sign3A_198 : i32
      %sign3A_200 = arith.constant 0 : i32
      %sign3A_201 = arith.cmpi sgt, %jit3A_191, %sign3A_200 : i32
      %sign3A_202 = arith.extui %sign3A_201 : i1 to i32
      %sign3A_203 = arith.constant 0 : i32
      %sign3A_204 = arith.cmpi slt, %jit3A_191, %sign3A_203 : i32
      %sign3A_205 = arith.extui %sign3A_204 : i1 to i32
      %sign3A_206 = arith.subi %sign3A_202, %sign3A_205 : i32
      %ne3A_207 = arith.cmpi ne, %sign3A_199, %sign3A_206 : i32
      %rem3A_208 = arith.remsi %select_n3A, %jit3A_191 : i32
      %ne3A_209 = arith.constant 0 : i32
      %ne3A_210 = arith.cmpi ne, %rem3A_208, %ne3A_209 : i32
      %and3A_211 = arith.andi %ne3A_207, %ne3A_210 : i1
      %sub3A_212 = arith.constant 1 : i32
      %sub3A_213 = arith.subi %div3A_192, %sub3A_212 : i32
      %select_n3A_214 = arith.select %and3A_211, %sub3A_213, %div3A_192 : i32
      %mul3A_215 = arith.constant 1000 : i32
      %mul3A_216 = arith.muli %select_n3A_214, %mul3A_215 : i32
      %jit3A_217 = arith.constant 8 : i32
      %eq3A = arith.constant 0 : i32
      %eq3A_218 = arith.cmpi eq, %jit3A_217, %eq3A : i32
      %jit3A_219 = arith.constant 1 : i32
      %select_n3A_220 = arith.select %eq3A_218, %jit3A_219, %jit3A_217 : i32
      %rem3A_221 = arith.remsi %select_n3A, %select_n3A_220 : i32
      %ne3A_222 = arith.constant 0 : i32
      %ne3A_223 = arith.cmpi ne, %rem3A_221, %ne3A_222 : i32
      %lt3A_224 = arith.constant 0 : i32
      %lt3A_225 = arith.cmpi slt, %rem3A_221, %lt3A_224 : i32
      %lt3A_226 = arith.constant 0 : i32
      %lt3A_227 = arith.cmpi slt, %select_n3A_220, %lt3A_226 : i32
      %ne3A_228 = arith.xori %lt3A_225, %lt3A_227 : i1
      %and3A_229 = arith.andi %ne3A_228, %ne3A_223 : i1
      %add3A_230 = arith.addi %rem3A_221, %select_n3A_220 : i32
      %select_n3A_231 = arith.select %and3A_229, %add3A_230, %rem3A_221 : i32
      %mul3A_232 = arith.constant 16 : i32
      %mul3A_233 = arith.muli %select_n3A_231, %mul3A_232 : i32
      %dma_start3A_234 = tpu.memref_slice %arg4[%mul3A_216, %mul3A_233] : memref<40000x128xf32, #tpu.memory_space<hbm>> -> memref<1000x16xf32, #tpu.memory_space<hbm>>
      %dma_start3A_235 = tpu.memref_slice %arg4[%mul3A_216, %mul3A_233] : memref<40000x128xf32, #tpu.memory_space<hbm>> -> memref<1000x16xf32, #tpu.memory_space<hbm>>
      tpu.enqueue_dma source(%arg7 : memref<1000x16xf32, #tpu.memory_space<vmem>>) target(%dma_start3A_235 : memref<1000x16xf32, #tpu.memory_space<hbm>>) target_semaphore(%arg12 : memref<!tpu.dma_semaphore, #tpu.memory_space<semaphore_mem>>)
      %mul3A_236 = arith.constant 2 : i32
      %mul3A_237 = arith.muli %mul3A_236, %add3A_25 : i32
      %add3A_238 = arith.constant 1 : i32
      %add3A_239 = arith.addi %mul3A_237, %add3A_238 : i32
      %add3A_240 = arith.constant 1 : i32
      %add3A_241 = arith.addi %add3A_239, %add3A_240 : i32
      %lt3A_242 = arith.constant 10 : i32
      %lt3A_243 = arith.cmpi slt, %add3A_241, %lt3A_242 : i32
      %convert_element_type3A_244 = arith.extui %lt3A_243 : i1 to i32
      %cond3A_245 = arith.constant 0 : i32
      %cond3A_246 = arith.cmpi ne, %convert_element_type3A_244, %cond3A_245 : i32
      scf.if %cond3A_246 {
        %add3A_459 = arith.constant 1 : i32
        %add3A_460 = arith.addi %add3A_239, %add3A_459 : i32
        %mul3A_461 = arith.constant 10000 : i32
        %mul3A_462 = arith.muli %add3A, %mul3A_461 : i32
        %mul3A_463 = arith.constant 1000 : i32
        %mul3A_464 = arith.muli %add3A_460, %mul3A_463 : i32
        %add3A_465 = arith.addi %mul3A_462, %mul3A_464 : i32
        %dma_start3A_466 = tpu.memref_slice %arg3[%add3A_465] : memref<320000xi32, #tpu.memory_space<hbm>> -> memref<1000xi32, #tpu.memory_space<hbm>>
        %dma_start3A_467 = tpu.memref_slice %arg3[%add3A_465] : memref<320000xi32, #tpu.memory_space<hbm>> -> memref<1000xi32, #tpu.memory_space<hbm>>
        tpu.enqueue_dma source(%dma_start3A_467 : memref<1000xi32, #tpu.memory_space<hbm>>) target(%arg5 : memref<1000xi32, #tpu.memory_space<vmem>>) target_semaphore(%arg9 : memref<!tpu.dma_semaphore, #tpu.memory_space<semaphore_mem>>)
      } else {
      }
      %dma_wait3A_247 = arith.constant 0 : i32
      %dma_wait3A_248 = tpu.memref_slice %arg3[%dma_wait3A_247] : memref<320000xi32, #tpu.memory_space<hbm>> -> memref<1000xi32, #tpu.memory_space<hbm>>
      %dma_wait3A_249 = arith.constant 0 : i32
      %dma_wait3A_250 = tpu.memref_slice %arg3[%dma_wait3A_249] : memref<320000xi32, #tpu.memory_space<hbm>> -> memref<1000xi32, #tpu.memory_space<hbm>>
      tpu.wait_dma2 semaphore(%arg10 : memref<!tpu.dma_semaphore, #tpu.memory_space<semaphore_mem>>) src(%dma_wait3A_250 : memref<1000xi32, #tpu.memory_space<hbm>>) dst(%arg6 : memref<1000xi32, #tpu.memory_space<vmem>>)
      %gt3A_251 = arith.constant 0 : i32
      %gt3A_252 = arith.cmpi sgt, %add3A_25, %gt3A_251 : i32
      %convert_element_type3A_253 = arith.extui %gt3A_252 : i1 to i32
      %cond3A_254 = arith.constant 0 : i32
      %cond3A_255 = arith.cmpi ne, %convert_element_type3A_253, %cond3A_254 : i32
      scf.if %cond3A_255 {
        %dma_wait3A_459 = arith.constant 0 : i32
        %dma_wait3A_460 = arith.constant 0 : i32
        %dma_wait3A_461 = tpu.memref_slice %arg4[%dma_wait3A_459, %dma_wait3A_460] : memref<40000x128xf32, #tpu.memory_space<hbm>> -> memref<1000x16xf32, #tpu.memory_space<hbm>>
        %dma_wait3A_462 = arith.constant 0 : i32
        %dma_wait3A_463 = arith.constant 0 : i32
        %dma_wait3A_464 = tpu.memref_slice %arg4[%dma_wait3A_462, %dma_wait3A_463] : memref<40000x128xf32, #tpu.memory_space<hbm>> -> memref<1000x16xf32, #tpu.memory_space<hbm>>
        tpu.wait_dma2 semaphore(%arg13 : memref<!tpu.dma_semaphore, #tpu.memory_space<semaphore_mem>>) src(%arg8 : memref<1000x16xf32, #tpu.memory_space<vmem>>) dst(%dma_wait3A_464 : memref<1000x16xf32, #tpu.memory_space<hbm>>)
      } else {
      }
      %dma_start3A_256 = arith.constant 0 : i32
      %dma_start3A_257 = arith.constant 0 : i32
      %dma_start3A_258 = tpu.memref_slice %arg8[%dma_start3A_256, %dma_start3A_257] : memref<1000x16xf32, #tpu.memory_space<vmem>> -> memref<128x16xf32, #tpu.memory_space<vmem>>
      %dma_start3A_259 = arith.constant 0 : i32
      %dma_start3A_260 = tpu.memref_slice %arg6[%dma_start3A_259] : memref<1000xi32, #tpu.memory_space<vmem>> -> memref<128xi32, #tpu.memory_space<vmem>>
      %dma_start3A_261 = arith.constant 0 : i32
      %dma_start3A_262 = arith.constant 0 : i32
      %dma_start3A_263 = tpu.memref_slice %arg2[%dma_start3A_261, %dma_start3A_262] : memref<10000x16xf32, #tpu.memory_space<hbm>> -> memref<10000x16xf32, #tpu.memory_space<hbm>>
      tpu.enqueue_indirect_dma source(%dma_start3A_263 : memref<10000x16xf32, #tpu.memory_space<hbm>>) target(%dma_start3A_258 : memref<128x16xf32, #tpu.memory_space<vmem>>) offsets(%dma_start3A_260 : memref<128xi32, #tpu.memory_space<vmem>>) semaphore(%arg11 : memref<!tpu.dma_semaphore, #tpu.memory_space<semaphore_mem>>)
      %dma_start3A_264 = arith.constant 128 : i32
      %dma_start3A_265 = arith.constant 0 : i32
      %dma_start3A_266 = tpu.memref_slice %arg8[%dma_start3A_264, %dma_start3A_265] : memref<1000x16xf32, #tpu.memory_space<vmem>> -> memref<128x16xf32, #tpu.memory_space<vmem>>
      %dma_start3A_267 = arith.constant 128 : i32
      %dma_start3A_268 = tpu.memref_slice %arg6[%dma_start3A_267] : memref<1000xi32, #tpu.memory_space<vmem>> -> memref<128xi32, #tpu.memory_space<vmem>>
      %dma_start3A_269 = arith.constant 0 : i32
      %dma_start3A_270 = arith.constant 0 : i32
      %dma_start3A_271 = tpu.memref_slice %arg2[%dma_start3A_269, %dma_start3A_270] : memref<10000x16xf32, #tpu.memory_space<hbm>> -> memref<10000x16xf32, #tpu.memory_space<hbm>>
      tpu.enqueue_indirect_dma source(%dma_start3A_271 : memref<10000x16xf32, #tpu.memory_space<hbm>>) target(%dma_start3A_266 : memref<128x16xf32, #tpu.memory_space<vmem>>) offsets(%dma_start3A_268 : memref<128xi32, #tpu.memory_space<vmem>>) semaphore(%arg11 : memref<!tpu.dma_semaphore, #tpu.memory_space<semaphore_mem>>)
      %dma_start3A_272 = arith.constant 256 : i32
      %dma_start3A_273 = arith.constant 0 : i32
      %dma_start3A_274 = tpu.memref_slice %arg8[%dma_start3A_272, %dma_start3A_273] : memref<1000x16xf32, #tpu.memory_space<vmem>> -> memref<128x16xf32, #tpu.memory_space<vmem>>
      %dma_start3A_275 = arith.constant 256 : i32
      %dma_start3A_276 = tpu.memref_slice %arg6[%dma_start3A_275] : memref<1000xi32, #tpu.memory_space<vmem>> -> memref<128xi32, #tpu.memory_space<vmem>>
      %dma_start3A_277 = arith.constant 0 : i32
      %dma_start3A_278 = arith.constant 0 : i32
      %dma_start3A_279 = tpu.memref_slice %arg2[%dma_start3A_277, %dma_start3A_278] : memref<10000x16xf32, #tpu.memory_space<hbm>> -> memref<10000x16xf32, #tpu.memory_space<hbm>>
      tpu.enqueue_indirect_dma source(%dma_start3A_279 : memref<10000x16xf32, #tpu.memory_space<hbm>>) target(%dma_start3A_274 : memref<128x16xf32, #tpu.memory_space<vmem>>) offsets(%dma_start3A_276 : memref<128xi32, #tpu.memory_space<vmem>>) semaphore(%arg11 : memref<!tpu.dma_semaphore, #tpu.memory_space<semaphore_mem>>)
      %dma_start3A_280 = arith.constant 384 : i32
      %dma_start3A_281 = arith.constant 0 : i32
      %dma_start3A_282 = tpu.memref_slice %arg8[%dma_start3A_280, %dma_start3A_281] : memref<1000x16xf32, #tpu.memory_space<vmem>> -> memref<128x16xf32, #tpu.memory_space<vmem>>
      %dma_start3A_283 = arith.constant 384 : i32
      %dma_start3A_284 = tpu.memref_slice %arg6[%dma_start3A_283] : memref<1000xi32, #tpu.memory_space<vmem>> -> memref<128xi32, #tpu.memory_space<vmem>>
      %dma_start3A_285 = arith.constant 0 : i32
      %dma_start3A_286 = arith.constant 0 : i32
      %dma_start3A_287 = tpu.memref_slice %arg2[%dma_start3A_285, %dma_start3A_286] : memref<10000x16xf32, #tpu.memory_space<hbm>> -> memref<10000x16xf32, #tpu.memory_space<hbm>>
      tpu.enqueue_indirect_dma source(%dma_start3A_287 : memref<10000x16xf32, #tpu.memory_space<hbm>>) target(%dma_start3A_282 : memref<128x16xf32, #tpu.memory_space<vmem>>) offsets(%dma_start3A_284 : memref<128xi32, #tpu.memory_space<vmem>>) semaphore(%arg11 : memref<!tpu.dma_semaphore, #tpu.memory_space<semaphore_mem>>)
      %dma_start3A_288 = arith.constant 512 : i32
      %dma_start3A_289 = arith.constant 0 : i32
      %dma_start3A_290 = tpu.memref_slice %arg8[%dma_start3A_288, %dma_start3A_289] : memref<1000x16xf32, #tpu.memory_space<vmem>> -> memref<128x16xf32, #tpu.memory_space<vmem>>
      %dma_start3A_291 = arith.constant 512 : i32
      %dma_start3A_292 = tpu.memref_slice %arg6[%dma_start3A_291] : memref<1000xi32, #tpu.memory_space<vmem>> -> memref<128xi32, #tpu.memory_space<vmem>>
      %dma_start3A_293 = arith.constant 0 : i32
      %dma_start3A_294 = arith.constant 0 : i32
      %dma_start3A_295 = tpu.memref_slice %arg2[%dma_start3A_293, %dma_start3A_294] : memref<10000x16xf32, #tpu.memory_space<hbm>> -> memref<10000x16xf32, #tpu.memory_space<hbm>>
      tpu.enqueue_indirect_dma source(%dma_start3A_295 : memref<10000x16xf32, #tpu.memory_space<hbm>>) target(%dma_start3A_290 : memref<128x16xf32, #tpu.memory_space<vmem>>) offsets(%dma_start3A_292 : memref<128xi32, #tpu.memory_space<vmem>>) semaphore(%arg11 : memref<!tpu.dma_semaphore, #tpu.memory_space<semaphore_mem>>)
      %dma_start3A_296 = arith.constant 640 : i32
      %dma_start3A_297 = arith.constant 0 : i32
      %dma_start3A_298 = tpu.memref_slice %arg8[%dma_start3A_296, %dma_start3A_297] : memref<1000x16xf32, #tpu.memory_space<vmem>> -> memref<128x16xf32, #tpu.memory_space<vmem>>
      %dma_start3A_299 = arith.constant 640 : i32
      %dma_start3A_300 = tpu.memref_slice %arg6[%dma_start3A_299] : memref<1000xi32, #tpu.memory_space<vmem>> -> memref<128xi32, #tpu.memory_space<vmem>>
      %dma_start3A_301 = arith.constant 0 : i32
      %dma_start3A_302 = arith.constant 0 : i32
      %dma_start3A_303 = tpu.memref_slice %arg2[%dma_start3A_301, %dma_start3A_302] : memref<10000x16xf32, #tpu.memory_space<hbm>> -> memref<10000x16xf32, #tpu.memory_space<hbm>>
      tpu.enqueue_indirect_dma source(%dma_start3A_303 : memref<10000x16xf32, #tpu.memory_space<hbm>>) target(%dma_start3A_298 : memref<128x16xf32, #tpu.memory_space<vmem>>) offsets(%dma_start3A_300 : memref<128xi32, #tpu.memory_space<vmem>>) semaphore(%arg11 : memref<!tpu.dma_semaphore, #tpu.memory_space<semaphore_mem>>)
      %dma_start3A_304 = arith.constant 768 : i32
      %dma_start3A_305 = arith.constant 0 : i32
      %dma_start3A_306 = tpu.memref_slice %arg8[%dma_start3A_304, %dma_start3A_305] : memref<1000x16xf32, #tpu.memory_space<vmem>> -> memref<128x16xf32, #tpu.memory_space<vmem>>
      %dma_start3A_307 = arith.constant 768 : i32
      %dma_start3A_308 = tpu.memref_slice %arg6[%dma_start3A_307] : memref<1000xi32, #tpu.memory_space<vmem>> -> memref<128xi32, #tpu.memory_space<vmem>>
      %dma_start3A_309 = arith.constant 0 : i32
      %dma_start3A_310 = arith.constant 0 : i32
      %dma_start3A_311 = tpu.memref_slice %arg2[%dma_start3A_309, %dma_start3A_310] : memref<10000x16xf32, #tpu.memory_space<hbm>> -> memref<10000x16xf32, #tpu.memory_space<hbm>>
      tpu.enqueue_indirect_dma source(%dma_start3A_311 : memref<10000x16xf32, #tpu.memory_space<hbm>>) target(%dma_start3A_306 : memref<128x16xf32, #tpu.memory_space<vmem>>) offsets(%dma_start3A_308 : memref<128xi32, #tpu.memory_space<vmem>>) semaphore(%arg11 : memref<!tpu.dma_semaphore, #tpu.memory_space<semaphore_mem>>)
      %dma_start3A_312 = arith.constant 896 : i32
      %dma_start3A_313 = arith.constant 0 : i32
      %dma_start3A_314 = tpu.memref_slice %arg8[%dma_start3A_312, %dma_start3A_313] : memref<1000x16xf32, #tpu.memory_space<vmem>> -> memref<104x16xf32, #tpu.memory_space<vmem>>
      %dma_start3A_315 = arith.constant 896 : i32
      %dma_start3A_316 = tpu.memref_slice %arg6[%dma_start3A_315] : memref<1000xi32, #tpu.memory_space<vmem>> -> memref<104xi32, #tpu.memory_space<vmem>>
      %dma_start3A_317 = arith.constant 0 : i32
      %dma_start3A_318 = arith.constant 0 : i32
      %dma_start3A_319 = tpu.memref_slice %arg2[%dma_start3A_317, %dma_start3A_318] : memref<10000x16xf32, #tpu.memory_space<hbm>> -> memref<10000x16xf32, #tpu.memory_space<hbm>>
      tpu.enqueue_indirect_dma source(%dma_start3A_319 : memref<10000x16xf32, #tpu.memory_space<hbm>>) target(%dma_start3A_314 : memref<104x16xf32, #tpu.memory_space<vmem>>) offsets(%dma_start3A_316 : memref<104xi32, #tpu.memory_space<vmem>>) semaphore(%arg11 : memref<!tpu.dma_semaphore, #tpu.memory_space<semaphore_mem>>)
      %dma_wait3A_320 = arith.constant 0 : i32
      %dma_wait3A_321 = arith.constant 0 : i32
      %dma_wait3A_322 = tpu.memref_slice %arg8[%dma_wait3A_320, %dma_wait3A_321] : memref<1000x16xf32, #tpu.memory_space<vmem>> -> memref<128x16xf32, #tpu.memory_space<vmem>>
      %dma_wait3A_323 = arith.constant 0 : i32
      %dma_wait3A_324 = tpu.memref_slice %arg6[%dma_wait3A_323] : memref<1000xi32, #tpu.memory_space<vmem>> -> memref<128xi32, #tpu.memory_space<vmem>>
      %dma_wait3A_325 = arith.constant 0 : i32
      %dma_wait3A_326 = arith.constant 0 : i32
      %dma_wait3A_327 = tpu.memref_slice %arg2[%dma_wait3A_325, %dma_wait3A_326] : memref<10000x16xf32, #tpu.memory_space<hbm>> -> memref<10000x16xf32, #tpu.memory_space<hbm>>
      tpu.wait_indirect_dma semaphore(%arg11 : memref<!tpu.dma_semaphore, #tpu.memory_space<semaphore_mem>>) src(%dma_wait3A_327 : memref<10000x16xf32, #tpu.memory_space<hbm>>) dst(%dma_wait3A_322 : memref<128x16xf32, #tpu.memory_space<vmem>>)
      %dma_wait3A_328 = arith.constant 128 : i32
      %dma_wait3A_329 = arith.constant 0 : i32
      %dma_wait3A_330 = tpu.memref_slice %arg8[%dma_wait3A_328, %dma_wait3A_329] : memref<1000x16xf32, #tpu.memory_space<vmem>> -> memref<128x16xf32, #tpu.memory_space<vmem>>
      %dma_wait3A_331 = arith.constant 128 : i32
      %dma_wait3A_332 = tpu.memref_slice %arg6[%dma_wait3A_331] : memref<1000xi32, #tpu.memory_space<vmem>> -> memref<128xi32, #tpu.memory_space<vmem>>
      %dma_wait3A_333 = arith.constant 0 : i32
      %dma_wait3A_334 = arith.constant 0 : i32
      %dma_wait3A_335 = tpu.memref_slice %arg2[%dma_wait3A_333, %dma_wait3A_334] : memref<10000x16xf32, #tpu.memory_space<hbm>> -> memref<10000x16xf32, #tpu.memory_space<hbm>>
      tpu.wait_indirect_dma semaphore(%arg11 : memref<!tpu.dma_semaphore, #tpu.memory_space<semaphore_mem>>) src(%dma_wait3A_335 : memref<10000x16xf32, #tpu.memory_space<hbm>>) dst(%dma_wait3A_330 : memref<128x16xf32, #tpu.memory_space<vmem>>)
      %dma_wait3A_336 = arith.constant 256 : i32
      %dma_wait3A_337 = arith.constant 0 : i32
      %dma_wait3A_338 = tpu.memref_slice %arg8[%dma_wait3A_336, %dma_wait3A_337] : memref<1000x16xf32, #tpu.memory_space<vmem>> -> memref<128x16xf32, #tpu.memory_space<vmem>>
      %dma_wait3A_339 = arith.constant 256 : i32
      %dma_wait3A_340 = tpu.memref_slice %arg6[%dma_wait3A_339] : memref<1000xi32, #tpu.memory_space<vmem>> -> memref<128xi32, #tpu.memory_space<vmem>>
      %dma_wait3A_341 = arith.constant 0 : i32
      %dma_wait3A_342 = arith.constant 0 : i32
      %dma_wait3A_343 = tpu.memref_slice %arg2[%dma_wait3A_341, %dma_wait3A_342] : memref<10000x16xf32, #tpu.memory_space<hbm>> -> memref<10000x16xf32, #tpu.memory_space<hbm>>
      tpu.wait_indirect_dma semaphore(%arg11 : memref<!tpu.dma_semaphore, #tpu.memory_space<semaphore_mem>>) src(%dma_wait3A_343 : memref<10000x16xf32, #tpu.memory_space<hbm>>) dst(%dma_wait3A_338 : memref<128x16xf32, #tpu.memory_space<vmem>>)
      %dma_wait3A_344 = arith.constant 384 : i32
      %dma_wait3A_345 = arith.constant 0 : i32
      %dma_wait3A_346 = tpu.memref_slice %arg8[%dma_wait3A_344, %dma_wait3A_345] : memref<1000x16xf32, #tpu.memory_space<vmem>> -> memref<128x16xf32, #tpu.memory_space<vmem>>
      %dma_wait3A_347 = arith.constant 384 : i32
      %dma_wait3A_348 = tpu.memref_slice %arg6[%dma_wait3A_347] : memref<1000xi32, #tpu.memory_space<vmem>> -> memref<128xi32, #tpu.memory_space<vmem>>
      %dma_wait3A_349 = arith.constant 0 : i32
      %dma_wait3A_350 = arith.constant 0 : i32
      %dma_wait3A_351 = tpu.memref_slice %arg2[%dma_wait3A_349, %dma_wait3A_350] : memref<10000x16xf32, #tpu.memory_space<hbm>> -> memref<10000x16xf32, #tpu.memory_space<hbm>>
      tpu.wait_indirect_dma semaphore(%arg11 : memref<!tpu.dma_semaphore, #tpu.memory_space<semaphore_mem>>) src(%dma_wait3A_351 : memref<10000x16xf32, #tpu.memory_space<hbm>>) dst(%dma_wait3A_346 : memref<128x16xf32, #tpu.memory_space<vmem>>)
      %dma_wait3A_352 = arith.constant 512 : i32
      %dma_wait3A_353 = arith.constant 0 : i32
      %dma_wait3A_354 = tpu.memref_slice %arg8[%dma_wait3A_352, %dma_wait3A_353] : memref<1000x16xf32, #tpu.memory_space<vmem>> -> memref<128x16xf32, #tpu.memory_space<vmem>>
      %dma_wait3A_355 = arith.constant 512 : i32
      %dma_wait3A_356 = tpu.memref_slice %arg6[%dma_wait3A_355] : memref<1000xi32, #tpu.memory_space<vmem>> -> memref<128xi32, #tpu.memory_space<vmem>>
      %dma_wait3A_357 = arith.constant 0 : i32
      %dma_wait3A_358 = arith.constant 0 : i32
      %dma_wait3A_359 = tpu.memref_slice %arg2[%dma_wait3A_357, %dma_wait3A_358] : memref<10000x16xf32, #tpu.memory_space<hbm>> -> memref<10000x16xf32, #tpu.memory_space<hbm>>
      tpu.wait_indirect_dma semaphore(%arg11 : memref<!tpu.dma_semaphore, #tpu.memory_space<semaphore_mem>>) src(%dma_wait3A_359 : memref<10000x16xf32, #tpu.memory_space<hbm>>) dst(%dma_wait3A_354 : memref<128x16xf32, #tpu.memory_space<vmem>>)
      %dma_wait3A_360 = arith.constant 640 : i32
      %dma_wait3A_361 = arith.constant 0 : i32
      %dma_wait3A_362 = tpu.memref_slice %arg8[%dma_wait3A_360, %dma_wait3A_361] : memref<1000x16xf32, #tpu.memory_space<vmem>> -> memref<128x16xf32, #tpu.memory_space<vmem>>
      %dma_wait3A_363 = arith.constant 640 : i32
      %dma_wait3A_364 = tpu.memref_slice %arg6[%dma_wait3A_363] : memref<1000xi32, #tpu.memory_space<vmem>> -> memref<128xi32, #tpu.memory_space<vmem>>
      %dma_wait3A_365 = arith.constant 0 : i32
      %dma_wait3A_366 = arith.constant 0 : i32
      %dma_wait3A_367 = tpu.memref_slice %arg2[%dma_wait3A_365, %dma_wait3A_366] : memref<10000x16xf32, #tpu.memory_space<hbm>> -> memref<10000x16xf32, #tpu.memory_space<hbm>>
      tpu.wait_indirect_dma semaphore(%arg11 : memref<!tpu.dma_semaphore, #tpu.memory_space<semaphore_mem>>) src(%dma_wait3A_367 : memref<10000x16xf32, #tpu.memory_space<hbm>>) dst(%dma_wait3A_362 : memref<128x16xf32, #tpu.memory_space<vmem>>)
      %dma_wait3A_368 = arith.constant 768 : i32
      %dma_wait3A_369 = arith.constant 0 : i32
      %dma_wait3A_370 = tpu.memref_slice %arg8[%dma_wait3A_368, %dma_wait3A_369] : memref<1000x16xf32, #tpu.memory_space<vmem>> -> memref<128x16xf32, #tpu.memory_space<vmem>>
      %dma_wait3A_371 = arith.constant 768 : i32
      %dma_wait3A_372 = tpu.memref_slice %arg6[%dma_wait3A_371] : memref<1000xi32, #tpu.memory_space<vmem>> -> memref<128xi32, #tpu.memory_space<vmem>>
      %dma_wait3A_373 = arith.constant 0 : i32
      %dma_wait3A_374 = arith.constant 0 : i32
      %dma_wait3A_375 = tpu.memref_slice %arg2[%dma_wait3A_373, %dma_wait3A_374] : memref<10000x16xf32, #tpu.memory_space<hbm>> -> memref<10000x16xf32, #tpu.memory_space<hbm>>
      tpu.wait_indirect_dma semaphore(%arg11 : memref<!tpu.dma_semaphore, #tpu.memory_space<semaphore_mem>>) src(%dma_wait3A_375 : memref<10000x16xf32, #tpu.memory_space<hbm>>) dst(%dma_wait3A_370 : memref<128x16xf32, #tpu.memory_space<vmem>>)
      %dma_wait3A_376 = arith.constant 896 : i32
      %dma_wait3A_377 = arith.constant 0 : i32
      %dma_wait3A_378 = tpu.memref_slice %arg8[%dma_wait3A_376, %dma_wait3A_377] : memref<1000x16xf32, #tpu.memory_space<vmem>> -> memref<104x16xf32, #tpu.memory_space<vmem>>
      %dma_wait3A_379 = arith.constant 896 : i32
      %dma_wait3A_380 = tpu.memref_slice %arg6[%dma_wait3A_379] : memref<1000xi32, #tpu.memory_space<vmem>> -> memref<104xi32, #tpu.memory_space<vmem>>
      %dma_wait3A_381 = arith.constant 0 : i32
      %dma_wait3A_382 = arith.constant 0 : i32
      %dma_wait3A_383 = tpu.memref_slice %arg2[%dma_wait3A_381, %dma_wait3A_382] : memref<10000x16xf32, #tpu.memory_space<hbm>> -> memref<10000x16xf32, #tpu.memory_space<hbm>>
      tpu.wait_indirect_dma semaphore(%arg11 : memref<!tpu.dma_semaphore, #tpu.memory_space<semaphore_mem>>) src(%dma_wait3A_383 : memref<10000x16xf32, #tpu.memory_space<hbm>>) dst(%dma_wait3A_378 : memref<104x16xf32, #tpu.memory_space<vmem>>)
      %mul3A_384 = arith.constant 10000 : i32
      %mul3A_385 = arith.muli %add3A, %mul3A_384 : i32
      %mul3A_386 = arith.constant 1000 : i32
      %mul3A_387 = arith.muli %add3A_239, %mul3A_386 : i32
      %add3A_388 = arith.addi %mul3A_385, %mul3A_387 : i32
      %jit3A_389 = arith.constant 1000 : i32
      %div3A_390 = arith.divsi %add3A_388, %jit3A_389 : i32
      %sign3A_391 = arith.constant 0 : i32
      %sign3A_392 = arith.cmpi sgt, %add3A_388, %sign3A_391 : i32
      %sign3A_393 = arith.extui %sign3A_392 : i1 to i32
      %sign3A_394 = arith.constant 0 : i32
      %sign3A_395 = arith.cmpi slt, %add3A_388, %sign3A_394 : i32
      %sign3A_396 = arith.extui %sign3A_395 : i1 to i32
      %sign3A_397 = arith.subi %sign3A_393, %sign3A_396 : i32
      %sign3A_398 = arith.constant 0 : i32
      %sign3A_399 = arith.cmpi sgt, %jit3A_389, %sign3A_398 : i32
      %sign3A_400 = arith.extui %sign3A_399 : i1 to i32
      %sign3A_401 = arith.constant 0 : i32
      %sign3A_402 = arith.cmpi slt, %jit3A_389, %sign3A_401 : i32
      %sign3A_403 = arith.extui %sign3A_402 : i1 to i32
      %sign3A_404 = arith.subi %sign3A_400, %sign3A_403 : i32
      %ne3A_405 = arith.cmpi ne, %sign3A_397, %sign3A_404 : i32
      %rem3A_406 = arith.remsi %add3A_388, %jit3A_389 : i32
      %ne3A_407 = arith.constant 0 : i32
      %ne3A_408 = arith.cmpi ne, %rem3A_406, %ne3A_407 : i32
      %and3A_409 = arith.andi %ne3A_405, %ne3A_408 : i1
      %sub3A_410 = arith.constant 1 : i32
      %sub3A_411 = arith.subi %div3A_390, %sub3A_410 : i32
      %select_n3A_412 = arith.select %and3A_409, %sub3A_411, %div3A_390 : i32
      %jit3A_413 = arith.constant 8 : i32
      %div3A_414 = arith.divsi %select_n3A_412, %jit3A_413 : i32
      %sign3A_415 = arith.constant 0 : i32
      %sign3A_416 = arith.cmpi sgt, %select_n3A_412, %sign3A_415 : i32
      %sign3A_417 = arith.extui %sign3A_416 : i1 to i32
      %sign3A_418 = arith.constant 0 : i32
      %sign3A_419 = arith.cmpi slt, %select_n3A_412, %sign3A_418 : i32
      %sign3A_420 = arith.extui %sign3A_419 : i1 to i32
      %sign3A_421 = arith.subi %sign3A_417, %sign3A_420 : i32
      %sign3A_422 = arith.constant 0 : i32
      %sign3A_423 = arith.cmpi sgt, %jit3A_413, %sign3A_422 : i32
      %sign3A_424 = arith.extui %sign3A_423 : i1 to i32
      %sign3A_425 = arith.constant 0 : i32
      %sign3A_426 = arith.cmpi slt, %jit3A_413, %sign3A_425 : i32
      %sign3A_427 = arith.extui %sign3A_426 : i1 to i32
      %sign3A_428 = arith.subi %sign3A_424, %sign3A_427 : i32
      %ne3A_429 = arith.cmpi ne, %sign3A_421, %sign3A_428 : i32
      %rem3A_430 = arith.remsi %select_n3A_412, %jit3A_413 : i32
      %ne3A_431 = arith.constant 0 : i32
      %ne3A_432 = arith.cmpi ne, %rem3A_430, %ne3A_431 : i32
      %and3A_433 = arith.andi %ne3A_429, %ne3A_432 : i1
      %sub3A_434 = arith.constant 1 : i32
      %sub3A_435 = arith.subi %div3A_414, %sub3A_434 : i32
      %select_n3A_436 = arith.select %and3A_433, %sub3A_435, %div3A_414 : i32
      %mul3A_437 = arith.constant 1000 : i32
      %mul3A_438 = arith.muli %select_n3A_436, %mul3A_437 : i32
      %jit3A_439 = arith.constant 8 : i32
      %eq3A_440 = arith.constant 0 : i32
      %eq3A_441 = arith.cmpi eq, %jit3A_439, %eq3A_440 : i32
      %jit3A_442 = arith.constant 1 : i32
      %select_n3A_443 = arith.select %eq3A_441, %jit3A_442, %jit3A_439 : i32
      %rem3A_444 = arith.remsi %select_n3A_412, %select_n3A_443 : i32
      %ne3A_445 = arith.constant 0 : i32
      %ne3A_446 = arith.cmpi ne, %rem3A_444, %ne3A_445 : i32
      %lt3A_447 = arith.constant 0 : i32
      %lt3A_448 = arith.cmpi slt, %rem3A_444, %lt3A_447 : i32
      %lt3A_449 = arith.constant 0 : i32
      %lt3A_450 = arith.cmpi slt, %select_n3A_443, %lt3A_449 : i32
      %ne3A_451 = arith.xori %lt3A_448, %lt3A_450 : i1
      %and3A_452 = arith.andi %ne3A_451, %ne3A_446 : i1
      %add3A_453 = arith.addi %rem3A_444, %select_n3A_443 : i32
      %select_n3A_454 = arith.select %and3A_452, %add3A_453, %rem3A_444 : i32
      %mul3A_455 = arith.constant 16 : i32
      %mul3A_456 = arith.muli %select_n3A_454, %mul3A_455 : i32
      %dma_start3A_457 = tpu.memref_slice %arg4[%mul3A_438, %mul3A_456] : memref<40000x128xf32, #tpu.memory_space<hbm>> -> memref<1000x16xf32, #tpu.memory_space<hbm>>
      %dma_start3A_458 = tpu.memref_slice %arg4[%mul3A_438, %mul3A_456] : memref<40000x128xf32, #tpu.memory_space<hbm>> -> memref<1000x16xf32, #tpu.memory_space<hbm>>
      tpu.enqueue_dma source(%arg8 : memref<1000x16xf32, #tpu.memory_space<vmem>>) target(%dma_start3A_458 : memref<1000x16xf32, #tpu.memory_space<hbm>>) target_semaphore(%arg13 : memref<!tpu.dma_semaphore, #tpu.memory_space<semaphore_mem>>)
    }
    %scan3A_9 = arith.constant 5 : i32
    %dma_wait3A = arith.constant 0 : i32
    %dma_wait3A_10 = arith.constant 0 : i32
    %dma_wait3A_11 = tpu.memref_slice %arg4[%dma_wait3A, %dma_wait3A_10] : memref<40000x128xf32, #tpu.memory_space<hbm>> -> memref<1000x16xf32, #tpu.memory_space<hbm>>
    %dma_wait3A_12 = arith.constant 0 : i32
    %dma_wait3A_13 = arith.constant 0 : i32
    %dma_wait3A_14 = tpu.memref_slice %arg4[%dma_wait3A_12, %dma_wait3A_13] : memref<40000x128xf32, #tpu.memory_space<hbm>> -> memref<1000x16xf32, #tpu.memory_space<hbm>>
    tpu.wait_dma2 semaphore(%arg12 : memref<!tpu.dma_semaphore, #tpu.memory_space<semaphore_mem>>) src(%arg7 : memref<1000x16xf32, #tpu.memory_space<vmem>>) dst(%dma_wait3A_14 : memref<1000x16xf32, #tpu.memory_space<hbm>>)
    %dma_wait3A_15 = arith.constant 0 : i32
    %dma_wait3A_16 = arith.constant 0 : i32
    %dma_wait3A_17 = tpu.memref_slice %arg4[%dma_wait3A_15, %dma_wait3A_16] : memref<40000x128xf32, #tpu.memory_space<hbm>> -> memref<1000x16xf32, #tpu.memory_space<hbm>>
    %dma_wait3A_18 = arith.constant 0 : i32
    %dma_wait3A_19 = arith.constant 0 : i32
    %dma_wait3A_20 = tpu.memref_slice %arg4[%dma_wait3A_18, %dma_wait3A_19] : memref<40000x128xf32, #tpu.memory_space<hbm>> -> memref<1000x16xf32, #tpu.memory_space<hbm>>
    tpu.wait_dma2 semaphore(%arg13 : memref<!tpu.dma_semaphore, #tpu.memory_space<semaphore_mem>>) src(%arg8 : memref<1000x16xf32, #tpu.memory_space<vmem>>) dst(%dma_wait3A_20 : memref<1000x16xf32, #tpu.memory_space<hbm>>)
    return
  }
}

#map = affine_map<(d0, d1) -> (0, 0)>
#map1 = affine_map<(d0, d1) -> (0)>
#map2 = affine_map<(d0, d1) -> (0, 0, 0)>
module attributes {stable_mosaic.version = 14 : i64} {
  func.func @_scatter_body(%arg0: i32, %arg1: i32, %arg2: memref<40000x128xf32, #tpu.memory_space<hbm>>, %arg3: memref<320000xi32, #tpu.memory_space<hbm>>, %arg4: memref<2x16x80000xf32, #tpu.memory_space<hbm>>, %arg5: memref<80016xf32, #tpu.memory_space<vmem>>, %arg6: memref<1000xi32, #tpu.memory_space<vmem>>, %arg7: memref<1000xi32, #tpu.memory_space<vmem>>, %arg8: memref<1000x16xf32, #tpu.memory_space<vmem>>, %arg9: memref<1000x16xf32, #tpu.memory_space<vmem>>, %arg10: memref<!tpu.dma_semaphore, #tpu.memory_space<semaphore_mem>>, %arg11: memref<!tpu.dma_semaphore, #tpu.memory_space<semaphore_mem>>) attributes {dimension_semantics = [#tpu.dimension_semantics<core_parallel>, #tpu.dimension_semantics<subcore_parallel>], iteration_bounds = array<i64: 2, 16>, scalar_prefetch = 0 : i64, scratch_operands = 7 : i64, tpu.core_type = #tpu.core_type<sc_vector_subcore>, window_params = [{transform_indices = #map}, {transform_indices = #map1}, {transform_indices = #map2}]} {
    %mul3A = arith.constant 2 : i32
    %mul3A_0 = arith.muli %arg1, %mul3A : i32
    %add3A = arith.addi %mul3A_0, %arg0 : i32
    %jit3A = arith.constant 2 : i32
    %div3A = arith.divsi %add3A, %jit3A : i32
    %sign3A = arith.constant 0 : i32
    %sign3A_1 = arith.cmpi sgt, %add3A, %sign3A : i32
    %sign3A_2 = arith.extui %sign3A_1 : i1 to i32
    %sign3A_3 = arith.constant 0 : i32
    %sign3A_4 = arith.cmpi slt, %add3A, %sign3A_3 : i32
    %sign3A_5 = arith.extui %sign3A_4 : i1 to i32
    %sign3A_6 = arith.subi %sign3A_2, %sign3A_5 : i32
    %sign3A_7 = arith.constant 0 : i32
    %sign3A_8 = arith.cmpi sgt, %jit3A, %sign3A_7 : i32
    %sign3A_9 = arith.extui %sign3A_8 : i1 to i32
    %sign3A_10 = arith.constant 0 : i32
    %sign3A_11 = arith.cmpi slt, %jit3A, %sign3A_10 : i32
    %sign3A_12 = arith.extui %sign3A_11 : i1 to i32
    %sign3A_13 = arith.subi %sign3A_9, %sign3A_12 : i32
    %ne3A = arith.cmpi ne, %sign3A_6, %sign3A_13 : i32
    %rem3A = arith.remsi %add3A, %jit3A : i32
    %ne3A_14 = arith.constant 0 : i32
    %ne3A_15 = arith.cmpi ne, %rem3A, %ne3A_14 : i32
    %and3A = arith.andi %ne3A, %ne3A_15 : i1
    %sub3A = arith.constant 1 : i32
    %sub3A_16 = arith.subi %div3A, %sub3A : i32
    %select_n3A = arith.select %and3A, %sub3A_16, %div3A : i32
    %jit3A_17 = arith.constant 2 : i32
    %eq3A = arith.constant 0 : i32
    %eq3A_18 = arith.cmpi eq, %jit3A_17, %eq3A : i32
    %jit3A_19 = arith.constant 1 : i32
    %select_n3A_20 = arith.select %eq3A_18, %jit3A_19, %jit3A_17 : i32
    %rem3A_21 = arith.remsi %add3A, %select_n3A_20 : i32
    %ne3A_22 = arith.constant 0 : i32
    %ne3A_23 = arith.cmpi ne, %rem3A_21, %ne3A_22 : i32
    %lt3A = arith.constant 0 : i32
    %lt3A_24 = arith.cmpi slt, %rem3A_21, %lt3A : i32
    %lt3A_25 = arith.constant 0 : i32
    %lt3A_26 = arith.cmpi slt, %select_n3A_20, %lt3A_25 : i32
    %ne3A_27 = arith.xori %lt3A_24, %lt3A_26 : i1
    %and3A_28 = arith.andi %ne3A_27, %ne3A_23 : i1
    %add3A_29 = arith.addi %rem3A_21, %select_n3A_20 : i32
    %select_n3A_30 = arith.select %and3A_28, %add3A_29, %rem3A_21 : i32
    %iota3A = tpu.iota {dimensions = array<i32: 0>} : vector<16xi32>
    %broadcast_in_dim3A = arith.constant 0xFF800000 : f32
    %broadcast_in_dim3A_31 = vector.broadcast %broadcast_in_dim3A : f32 to vector<16xf32>
    %scan3A = arith.constant 0 : i32
    %scan3A_32 = arith.constant 5001 : i32
    %scan3A_33 = arith.addi %scan3A, %scan3A_32 : i32
    %scan3A_34 = arith.constant 1 : i32
    scf.for %scan3A_116 = %scan3A to %scan3A_33 step %scan3A_34  : i32 {
      %mul3A_117 = arith.constant 1 : i32
      %mul3A_118 = arith.muli %scan3A_116, %mul3A_117 : i32
      %add3A_119 = arith.constant 0 : i32
      %add3A_120 = arith.addi %add3A_119, %mul3A_118 : i32
      %mul3A_121 = arith.constant 16 : i32
      %mul3A_122 = arith.muli %add3A_120, %mul3A_121 : i32
      %swap3A = arith.index_cast %mul3A_122 : i32 to index
      %swap3A_123 = tpu.vector_load %arg5[%swap3A] {strides = array<i32>} : memref<80016xf32, #tpu.memory_space<vmem>>, vector<16xf32>,
      tpu.vector_store %arg5[%swap3A], %broadcast_in_dim3A_31 {strides = array<i32>} : memref<80016xf32, #tpu.memory_space<vmem>>, vector<16xf32>,
    }
    %scan3A_35 = arith.constant 5001 : i32
    %mul3A_36 = arith.constant 20000 : i32
    %mul3A_37 = arith.muli %select_n3A, %mul3A_36 : i32
    %add3A_38 = arith.constant 0 : i32
    %add3A_39 = arith.addi %mul3A_37, %add3A_38 : i32
    %jit3A_40 = arith.constant 1000 : i32
    %div3A_41 = arith.divsi %add3A_39, %jit3A_40 : i32
    %sign3A_42 = arith.constant 0 : i32
    %sign3A_43 = arith.cmpi sgt, %add3A_39, %sign3A_42 : i32
    %sign3A_44 = arith.extui %sign3A_43 : i1 to i32
    %sign3A_45 = arith.constant 0 : i32
    %sign3A_46 = arith.cmpi slt, %add3A_39, %sign3A_45 : i32
    %sign3A_47 = arith.extui %sign3A_46 : i1 to i32
    %sign3A_48 = arith.subi %sign3A_44, %sign3A_47 : i32
    %sign3A_49 = arith.constant 0 : i32
    %sign3A_50 = arith.cmpi sgt, %jit3A_40, %sign3A_49 : i32
    %sign3A_51 = arith.extui %sign3A_50 : i1 to i32
    %sign3A_52 = arith.constant 0 : i32
    %sign3A_53 = arith.cmpi slt, %jit3A_40, %sign3A_52 : i32
    %sign3A_54 = arith.extui %sign3A_53 : i1 to i32
    %sign3A_55 = arith.subi %sign3A_51, %sign3A_54 : i32
    %ne3A_56 = arith.cmpi ne, %sign3A_48, %sign3A_55 : i32
    %rem3A_57 = arith.remsi %add3A_39, %jit3A_40 : i32
    %ne3A_58 = arith.constant 0 : i32
    %ne3A_59 = arith.cmpi ne, %rem3A_57, %ne3A_58 : i32
    %and3A_60 = arith.andi %ne3A_56, %ne3A_59 : i1
    %sub3A_61 = arith.constant 1 : i32
    %sub3A_62 = arith.subi %div3A_41, %sub3A_61 : i32
    %select_n3A_63 = arith.select %and3A_60, %sub3A_62, %div3A_41 : i32
    %jit3A_64 = arith.constant 8 : i32
    %div3A_65 = arith.divsi %select_n3A_63, %jit3A_64 : i32
    %sign3A_66 = arith.constant 0 : i32
    %sign3A_67 = arith.cmpi sgt, %select_n3A_63, %sign3A_66 : i32
    %sign3A_68 = arith.extui %sign3A_67 : i1 to i32
    %sign3A_69 = arith.constant 0 : i32
    %sign3A_70 = arith.cmpi slt, %select_n3A_63, %sign3A_69 : i32
    %sign3A_71 = arith.extui %sign3A_70 : i1 to i32
    %sign3A_72 = arith.subi %sign3A_68, %sign3A_71 : i32
    %sign3A_73 = arith.constant 0 : i32
    %sign3A_74 = arith.cmpi sgt, %jit3A_64, %sign3A_73 : i32
    %sign3A_75 = arith.extui %sign3A_74 : i1 to i32
    %sign3A_76 = arith.constant 0 : i32
    %sign3A_77 = arith.cmpi slt, %jit3A_64, %sign3A_76 : i32
    %sign3A_78 = arith.extui %sign3A_77 : i1 to i32
    %sign3A_79 = arith.subi %sign3A_75, %sign3A_78 : i32
    %ne3A_80 = arith.cmpi ne, %sign3A_72, %sign3A_79 : i32
    %rem3A_81 = arith.remsi %select_n3A_63, %jit3A_64 : i32
    %ne3A_82 = arith.constant 0 : i32
    %ne3A_83 = arith.cmpi ne, %rem3A_81, %ne3A_82 : i32
    %and3A_84 = arith.andi %ne3A_80, %ne3A_83 : i1
    %sub3A_85 = arith.constant 1 : i32
    %sub3A_86 = arith.subi %div3A_65, %sub3A_85 : i32
    %select_n3A_87 = arith.select %and3A_84, %sub3A_86, %div3A_65 : i32
    %mul3A_88 = arith.constant 1000 : i32
    %mul3A_89 = arith.muli %select_n3A_87, %mul3A_88 : i32
    %jit3A_90 = arith.constant 8 : i32
    %eq3A_91 = arith.constant 0 : i32
    %eq3A_92 = arith.cmpi eq, %jit3A_90, %eq3A_91 : i32
    %jit3A_93 = arith.constant 1 : i32
    %select_n3A_94 = arith.select %eq3A_92, %jit3A_93, %jit3A_90 : i32
    %rem3A_95 = arith.remsi %select_n3A_63, %select_n3A_94 : i32
    %ne3A_96 = arith.constant 0 : i32
    %ne3A_97 = arith.cmpi ne, %rem3A_95, %ne3A_96 : i32
    %lt3A_98 = arith.constant 0 : i32
    %lt3A_99 = arith.cmpi slt, %rem3A_95, %lt3A_98 : i32
    %lt3A_100 = arith.constant 0 : i32
    %lt3A_101 = arith.cmpi slt, %select_n3A_94, %lt3A_100 : i32
    %ne3A_102 = arith.xori %lt3A_99, %lt3A_101 : i1
    %and3A_103 = arith.andi %ne3A_102, %ne3A_97 : i1
    %add3A_104 = arith.addi %rem3A_95, %select_n3A_94 : i32
    %select_n3A_105 = arith.select %and3A_103, %add3A_104, %rem3A_95 : i32
    %mul3A_106 = arith.constant 16 : i32
    %mul3A_107 = arith.muli %select_n3A_105, %mul3A_106 : i32
    %dma_start3A = tpu.memref_slice %arg3[%add3A_39] : memref<320000xi32, #tpu.memory_space<hbm>> -> memref<1000xi32, #tpu.memory_space<hbm>>
    %dma_start3A_108 = tpu.memref_slice %arg3[%add3A_39] : memref<320000xi32, #tpu.memory_space<hbm>> -> memref<1000xi32, #tpu.memory_space<hbm>>
    tpu.enqueue_dma source(%dma_start3A_108 : memref<1000xi32, #tpu.memory_space<hbm>>) target(%arg6 : memref<1000xi32, #tpu.memory_space<vmem>>) target_semaphore(%arg10 : memref<!tpu.dma_semaphore, #tpu.memory_space<semaphore_mem>>)
    %dma_start3A_109 = tpu.memref_slice %arg2[%mul3A_89, %mul3A_107] : memref<40000x128xf32, #tpu.memory_space<hbm>> -> memref<1000x16xf32, #tpu.memory_space<hbm>>
    %dma_start3A_110 = tpu.memref_slice %arg2[%mul3A_89, %mul3A_107] : memref<40000x128xf32, #tpu.memory_space<hbm>> -> memref<1000x16xf32, #tpu.memory_space<hbm>>
    tpu.enqueue_dma source(%dma_start3A_110 : memref<1000x16xf32, #tpu.memory_space<hbm>>) target(%arg8 : memref<1000x16xf32, #tpu.memory_space<vmem>>) target_semaphore(%arg10 : memref<!tpu.dma_semaphore, #tpu.memory_space<semaphore_mem>>)
    %scan3A_111 = arith.constant 0 : i32
    %scan3A_112 = arith.constant 10 : i32
    %scan3A_113 = arith.addi %scan3A_111, %scan3A_112 : i32
    %scan3A_114 = arith.constant 1 : i32
    scf.for %scan3A_116 = %scan3A_111 to %scan3A_113 step %scan3A_114  : i32 {
      %mul3A_117 = arith.constant 1 : i32
      %mul3A_118 = arith.muli %scan3A_116, %mul3A_117 : i32
      %add3A_119 = arith.constant 0 : i32
      %add3A_120 = arith.addi %add3A_119, %mul3A_118 : i32
      %mul3A_121 = arith.constant 2 : i32
      %mul3A_122 = arith.muli %mul3A_121, %add3A_120 : i32
      %add3A_123 = arith.constant 0 : i32
      %add3A_124 = arith.addi %mul3A_122, %add3A_123 : i32
      %add3A_125 = arith.constant 1 : i32
      %add3A_126 = arith.addi %add3A_124, %add3A_125 : i32
      %lt3A_127 = arith.constant 20 : i32
      %lt3A_128 = arith.cmpi slt, %add3A_126, %lt3A_127 : i32
      %convert_element_type3A = arith.extui %lt3A_128 : i1 to i32
      %cond3A = arith.constant 0 : i32
      %cond3A_129 = arith.cmpi ne, %convert_element_type3A, %cond3A : i32
      scf.if %cond3A_129 {
        %add3A_170 = arith.constant 1 : i32
        %add3A_171 = arith.addi %add3A_124, %add3A_170 : i32
        %mul3A_172 = arith.constant 20000 : i32
        %mul3A_173 = arith.muli %select_n3A, %mul3A_172 : i32
        %mul3A_174 = arith.constant 1000 : i32
        %mul3A_175 = arith.muli %add3A_171, %mul3A_174 : i32
        %add3A_176 = arith.addi %mul3A_173, %mul3A_175 : i32
        %jit3A_177 = arith.constant 1000 : i32
        %div3A_178 = arith.divsi %add3A_176, %jit3A_177 : i32
        %sign3A_179 = arith.constant 0 : i32
        %sign3A_180 = arith.cmpi sgt, %add3A_176, %sign3A_179 : i32
        %sign3A_181 = arith.extui %sign3A_180 : i1 to i32
        %sign3A_182 = arith.constant 0 : i32
        %sign3A_183 = arith.cmpi slt, %add3A_176, %sign3A_182 : i32
        %sign3A_184 = arith.extui %sign3A_183 : i1 to i32
        %sign3A_185 = arith.subi %sign3A_181, %sign3A_184 : i32
        %sign3A_186 = arith.constant 0 : i32
        %sign3A_187 = arith.cmpi sgt, %jit3A_177, %sign3A_186 : i32
        %sign3A_188 = arith.extui %sign3A_187 : i1 to i32
        %sign3A_189 = arith.constant 0 : i32
        %sign3A_190 = arith.cmpi slt, %jit3A_177, %sign3A_189 : i32
        %sign3A_191 = arith.extui %sign3A_190 : i1 to i32
        %sign3A_192 = arith.subi %sign3A_188, %sign3A_191 : i32
        %ne3A_193 = arith.cmpi ne, %sign3A_185, %sign3A_192 : i32
        %rem3A_194 = arith.remsi %add3A_176, %jit3A_177 : i32
        %ne3A_195 = arith.constant 0 : i32
        %ne3A_196 = arith.cmpi ne, %rem3A_194, %ne3A_195 : i32
        %and3A_197 = arith.andi %ne3A_193, %ne3A_196 : i1
        %sub3A_198 = arith.constant 1 : i32
        %sub3A_199 = arith.subi %div3A_178, %sub3A_198 : i32
        %select_n3A_200 = arith.select %and3A_197, %sub3A_199, %div3A_178 : i32
        %jit3A_201 = arith.constant 8 : i32
        %div3A_202 = arith.divsi %select_n3A_200, %jit3A_201 : i32
        %sign3A_203 = arith.constant 0 : i32
        %sign3A_204 = arith.cmpi sgt, %select_n3A_200, %sign3A_203 : i32
        %sign3A_205 = arith.extui %sign3A_204 : i1 to i32
        %sign3A_206 = arith.constant 0 : i32
        %sign3A_207 = arith.cmpi slt, %select_n3A_200, %sign3A_206 : i32
        %sign3A_208 = arith.extui %sign3A_207 : i1 to i32
        %sign3A_209 = arith.subi %sign3A_205, %sign3A_208 : i32
        %sign3A_210 = arith.constant 0 : i32
        %sign3A_211 = arith.cmpi sgt, %jit3A_201, %sign3A_210 : i32
        %sign3A_212 = arith.extui %sign3A_211 : i1 to i32
        %sign3A_213 = arith.constant 0 : i32
        %sign3A_214 = arith.cmpi slt, %jit3A_201, %sign3A_213 : i32
        %sign3A_215 = arith.extui %sign3A_214 : i1 to i32
        %sign3A_216 = arith.subi %sign3A_212, %sign3A_215 : i32
        %ne3A_217 = arith.cmpi ne, %sign3A_209, %sign3A_216 : i32
        %rem3A_218 = arith.remsi %select_n3A_200, %jit3A_201 : i32
        %ne3A_219 = arith.constant 0 : i32
        %ne3A_220 = arith.cmpi ne, %rem3A_218, %ne3A_219 : i32
        %and3A_221 = arith.andi %ne3A_217, %ne3A_220 : i1
        %sub3A_222 = arith.constant 1 : i32
        %sub3A_223 = arith.subi %div3A_202, %sub3A_222 : i32
        %select_n3A_224 = arith.select %and3A_221, %sub3A_223, %div3A_202 : i32
        %mul3A_225 = arith.constant 1000 : i32
        %mul3A_226 = arith.muli %select_n3A_224, %mul3A_225 : i32
        %jit3A_227 = arith.constant 8 : i32
        %eq3A_228 = arith.constant 0 : i32
        %eq3A_229 = arith.cmpi eq, %jit3A_227, %eq3A_228 : i32
        %jit3A_230 = arith.constant 1 : i32
        %select_n3A_231 = arith.select %eq3A_229, %jit3A_230, %jit3A_227 : i32
        %rem3A_232 = arith.remsi %select_n3A_200, %select_n3A_231 : i32
        %ne3A_233 = arith.constant 0 : i32
        %ne3A_234 = arith.cmpi ne, %rem3A_232, %ne3A_233 : i32
        %lt3A_235 = arith.constant 0 : i32
        %lt3A_236 = arith.cmpi slt, %rem3A_232, %lt3A_235 : i32
        %lt3A_237 = arith.constant 0 : i32
        %lt3A_238 = arith.cmpi slt, %select_n3A_231, %lt3A_237 : i32
        %ne3A_239 = arith.xori %lt3A_236, %lt3A_238 : i1
        %and3A_240 = arith.andi %ne3A_239, %ne3A_234 : i1
        %add3A_241 = arith.addi %rem3A_232, %select_n3A_231 : i32
        %select_n3A_242 = arith.select %and3A_240, %add3A_241, %rem3A_232 : i32
        %mul3A_243 = arith.constant 16 : i32
        %mul3A_244 = arith.muli %select_n3A_242, %mul3A_243 : i32
        %dma_start3A_245 = tpu.memref_slice %arg3[%add3A_176] : memref<320000xi32, #tpu.memory_space<hbm>> -> memref<1000xi32, #tpu.memory_space<hbm>>
        %dma_start3A_246 = tpu.memref_slice %arg3[%add3A_176] : memref<320000xi32, #tpu.memory_space<hbm>> -> memref<1000xi32, #tpu.memory_space<hbm>>
        tpu.enqueue_dma source(%dma_start3A_246 : memref<1000xi32, #tpu.memory_space<hbm>>) target(%arg7 : memref<1000xi32, #tpu.memory_space<vmem>>) target_semaphore(%arg11 : memref<!tpu.dma_semaphore, #tpu.memory_space<semaphore_mem>>)
        %dma_start3A_247 = tpu.memref_slice %arg2[%mul3A_226, %mul3A_244] : memref<40000x128xf32, #tpu.memory_space<hbm>> -> memref<1000x16xf32, #tpu.memory_space<hbm>>
        %dma_start3A_248 = tpu.memref_slice %arg2[%mul3A_226, %mul3A_244] : memref<40000x128xf32, #tpu.memory_space<hbm>> -> memref<1000x16xf32, #tpu.memory_space<hbm>>
        tpu.enqueue_dma source(%dma_start3A_248 : memref<1000x16xf32, #tpu.memory_space<hbm>>) target(%arg9 : memref<1000x16xf32, #tpu.memory_space<vmem>>) target_semaphore(%arg11 : memref<!tpu.dma_semaphore, #tpu.memory_space<semaphore_mem>>)
      } else {
      }
      %dma_wait3A = arith.constant 0 : i32
      %dma_wait3A_130 = tpu.memref_slice %arg3[%dma_wait3A] : memref<320000xi32, #tpu.memory_space<hbm>> -> memref<1000xi32, #tpu.memory_space<hbm>>
      %dma_wait3A_131 = arith.constant 0 : i32
      %dma_wait3A_132 = tpu.memref_slice %arg3[%dma_wait3A_131] : memref<320000xi32, #tpu.memory_space<hbm>> -> memref<1000xi32, #tpu.memory_space<hbm>>
      tpu.wait_dma2 semaphore(%arg10 : memref<!tpu.dma_semaphore, #tpu.memory_space<semaphore_mem>>) src(%dma_wait3A_132 : memref<1000xi32, #tpu.memory_space<hbm>>) dst(%arg6 : memref<1000xi32, #tpu.memory_space<vmem>>)
      %dma_wait3A_133 = arith.constant 0 : i32
      %dma_wait3A_134 = arith.constant 0 : i32
      %dma_wait3A_135 = tpu.memref_slice %arg2[%dma_wait3A_133, %dma_wait3A_134] : memref<40000x128xf32, #tpu.memory_space<hbm>> -> memref<1000x16xf32, #tpu.memory_space<hbm>>
      %dma_wait3A_136 = arith.constant 0 : i32
      %dma_wait3A_137 = arith.constant 0 : i32
      %dma_wait3A_138 = tpu.memref_slice %arg2[%dma_wait3A_136, %dma_wait3A_137] : memref<40000x128xf32, #tpu.memory_space<hbm>> -> memref<1000x16xf32, #tpu.memory_space<hbm>>
      tpu.wait_dma2 semaphore(%arg10 : memref<!tpu.dma_semaphore, #tpu.memory_space<semaphore_mem>>) src(%dma_wait3A_138 : memref<1000x16xf32, #tpu.memory_space<hbm>>) dst(%arg8 : memref<1000x16xf32, #tpu.memory_space<vmem>>)
      %scan3A_139 = arith.constant 0 : i32
      %scan3A_140 = arith.constant 63 : i32
      %scan3A_141 = arith.addi %scan3A_139, %scan3A_140 : i32
      %scan3A_142 = arith.constant 1 : i32
      scf.for %scan3A_170 = %scan3A_139 to %scan3A_141 step %scan3A_142  : i32 {
        %mul3A_171 = arith.constant 1 : i32
        %mul3A_172 = arith.muli %scan3A_170, %mul3A_171 : i32
        %add3A_173 = arith.constant 0 : i32
        %add3A_174 = arith.addi %add3A_173, %mul3A_172 : i32
        %mul3A_175 = arith.constant 16 : i32
        %mul3A_176 = arith.muli %add3A_174, %mul3A_175 : i32
        %min3A = arith.constant 984 : i32
        %min3A_177 = arith.minsi %mul3A_176, %min3A : i32
        %get3A = arith.index_cast %min3A_177 : i32 to index
        %get3A_178 = tpu.vector_load %arg6[%get3A] {strides = array<i32>} : memref<1000xi32, #tpu.memory_space<vmem>>, vector<16xi32>,
        %mul3A_179 = arith.constant 5000 : i32
        %mul3A_180 = arith.muli %select_n3A_30, %mul3A_179 : i32
        %sub3A_181 = vector.broadcast %mul3A_180 : i32 to vector<16xi32>
        %sub3A_182 = arith.subi %get3A_178, %sub3A_181 : vector<16xi32>
        %ge3A = arith.constant 0 : i32
        %ge3A_183 = vector.broadcast %ge3A : i32 to vector<16xi32>
        %ge3A_184 = arith.cmpi sge, %sub3A_182, %ge3A_183 : vector<16xi32>
        %lt3A_185 = arith.constant 5000 : i32
        %lt3A_186 = vector.broadcast %lt3A_185 : i32 to vector<16xi32>
        %lt3A_187 = arith.cmpi slt, %sub3A_182, %lt3A_186 : vector<16xi32>
        %and3A_188 = arith.andi %ge3A_184, %lt3A_187 : vector<16xi1>
        %jit3A_189 = arith.constant 5000 : i32
        %broadcast_in_dim3A_190 = vector.broadcast %jit3A_189 : i32 to vector<16xi32>
        %select_n3A_191 = arith.select %and3A_188, %sub3A_182, %broadcast_in_dim3A_190 : vector<16xi1>, vector<16xi32>
        %mul3A_192 = arith.constant 16 : i32
        %mul3A_193 = vector.broadcast %mul3A_192 : i32 to vector<16xi32>
        %mul3A_194 = arith.muli %select_n3A_191, %mul3A_193 : vector<16xi32>
        %broadcast_in_dim3A_195 = arith.constant 0 : i32
        %broadcast_in_dim3A_196 = vector.broadcast %broadcast_in_dim3A_195 : i32 to vector<16x1xi32>
        %gather3A = vector.shape_cast %broadcast_in_dim3A_196 : vector<16x1xi32> to vector<16xi32>
        %gather3A_197 = tpu.dynamic_gather %mul3A_194[%gather3A] in [0] : vector<16xi32>, vector<16xi32> -> vector<16xi32>
        %add3A_198 = arith.addi %gather3A_197, %iota3A : vector<16xi32>
        %add3A_199 = arith.constant 0 : i32
        %add3A_200 = arith.addi %min3A_177, %add3A_199 : i32
        %broadcast_in_dim3A_201 = vector.broadcast %add3A_200 : i32 to vector<16xi32>
        %gather3A_202 = tpu.vector_load_idx %arg8[%broadcast_in_dim3A_201, %iota3A] : memref<1000x16xf32, #tpu.memory_space<vmem>>[vector<16xi32>, vector<16xi32>], vector<16xf32>,
        %gather3A_203 = tpu.vector_load_idx %arg5[%add3A_198] : memref<80016xf32, #tpu.memory_space<vmem>>[vector<16xi32>], vector<16xf32>,
        %max3A = arith.maximumf %gather3A_203, %gather3A_202 : vector<16xf32>
        tpu.vector_store_idx %arg5[%add3A_198], %max3A : memref<80016xf32, #tpu.memory_space<vmem>>[vector<16xi32>], vector<16xf32>,
        %broadcast_in_dim3A_204 = arith.constant 1 : i32
        %broadcast_in_dim3A_205 = vector.broadcast %broadcast_in_dim3A_204 : i32 to vector<16x1xi32>
        %gather3A_206 = vector.shape_cast %broadcast_in_dim3A_205 : vector<16x1xi32> to vector<16xi32>
        %gather3A_207 = tpu.dynamic_gather %mul3A_194[%gather3A_206] in [0] : vector<16xi32>, vector<16xi32> -> vector<16xi32>
        %add3A_208 = arith.addi %gather3A_207, %iota3A : vector<16xi32>
        %add3A_209 = arith.constant 1 : i32
        %add3A_210 = arith.addi %min3A_177, %add3A_209 : i32
        %broadcast_in_dim3A_211 = vector.broadcast %add3A_210 : i32 to vector<16xi32>
        %gather3A_212 = tpu.vector_load_idx %arg8[%broadcast_in_dim3A_211, %iota3A] : memref<1000x16xf32, #tpu.memory_space<vmem>>[vector<16xi32>, vector<16xi32>], vector<16xf32>,
        %gather3A_213 = tpu.vector_load_idx %arg5[%add3A_208] : memref<80016xf32, #tpu.memory_space<vmem>>[vector<16xi32>], vector<16xf32>,
        %max3A_214 = arith.maximumf %gather3A_213, %gather3A_212 : vector<16xf32>
        tpu.vector_store_idx %arg5[%add3A_208], %max3A_214 : memref<80016xf32, #tpu.memory_space<vmem>>[vector<16xi32>], vector<16xf32>,
        %broadcast_in_dim3A_215 = arith.constant 2 : i32
        %broadcast_in_dim3A_216 = vector.broadcast %broadcast_in_dim3A_215 : i32 to vector<16x1xi32>
        %gather3A_217 = vector.shape_cast %broadcast_in_dim3A_216 : vector<16x1xi32> to vector<16xi32>
        %gather3A_218 = tpu.dynamic_gather %mul3A_194[%gather3A_217] in [0] : vector<16xi32>, vector<16xi32> -> vector<16xi32>
        %add3A_219 = arith.addi %gather3A_218, %iota3A : vector<16xi32>
        %add3A_220 = arith.constant 2 : i32
        %add3A_221 = arith.addi %min3A_177, %add3A_220 : i32
        %broadcast_in_dim3A_222 = vector.broadcast %add3A_221 : i32 to vector<16xi32>
        %gather3A_223 = tpu.vector_load_idx %arg8[%broadcast_in_dim3A_222, %iota3A] : memref<1000x16xf32, #tpu.memory_space<vmem>>[vector<16xi32>, vector<16xi32>], vector<16xf32>,
        %gather3A_224 = tpu.vector_load_idx %arg5[%add3A_219] : memref<80016xf32, #tpu.memory_space<vmem>>[vector<16xi32>], vector<16xf32>,
        %max3A_225 = arith.maximumf %gather3A_224, %gather3A_223 : vector<16xf32>
        tpu.vector_store_idx %arg5[%add3A_219], %max3A_225 : memref<80016xf32, #tpu.memory_space<vmem>>[vector<16xi32>], vector<16xf32>,
        %broadcast_in_dim3A_226 = arith.constant 3 : i32
        %broadcast_in_dim3A_227 = vector.broadcast %broadcast_in_dim3A_226 : i32 to vector<16x1xi32>
        %gather3A_228 = vector.shape_cast %broadcast_in_dim3A_227 : vector<16x1xi32> to vector<16xi32>
        %gather3A_229 = tpu.dynamic_gather %mul3A_194[%gather3A_228] in [0] : vector<16xi32>, vector<16xi32> -> vector<16xi32>
        %add3A_230 = arith.addi %gather3A_229, %iota3A : vector<16xi32>
        %add3A_231 = arith.constant 3 : i32
        %add3A_232 = arith.addi %min3A_177, %add3A_231 : i32
        %broadcast_in_dim3A_233 = vector.broadcast %add3A_232 : i32 to vector<16xi32>
        %gather3A_234 = tpu.vector_load_idx %arg8[%broadcast_in_dim3A_233, %iota3A] : memref<1000x16xf32, #tpu.memory_space<vmem>>[vector<16xi32>, vector<16xi32>], vector<16xf32>,
        %gather3A_235 = tpu.vector_load_idx %arg5[%add3A_230] : memref<80016xf32, #tpu.memory_space<vmem>>[vector<16xi32>], vector<16xf32>,
        %max3A_236 = arith.maximumf %gather3A_235, %gather3A_234 : vector<16xf32>
        tpu.vector_store_idx %arg5[%add3A_230], %max3A_236 : memref<80016xf32, #tpu.memory_space<vmem>>[vector<16xi32>], vector<16xf32>,
        %broadcast_in_dim3A_237 = arith.constant 4 : i32
        %broadcast_in_dim3A_238 = vector.broadcast %broadcast_in_dim3A_237 : i32 to vector<16x1xi32>
        %gather3A_239 = vector.shape_cast %broadcast_in_dim3A_238 : vector<16x1xi32> to vector<16xi32>
        %gather3A_240 = tpu.dynamic_gather %mul3A_194[%gather3A_239] in [0] : vector<16xi32>, vector<16xi32> -> vector<16xi32>
        %add3A_241 = arith.addi %gather3A_240, %iota3A : vector<16xi32>
        %add3A_242 = arith.constant 4 : i32
        %add3A_243 = arith.addi %min3A_177, %add3A_242 : i32
        %broadcast_in_dim3A_244 = vector.broadcast %add3A_243 : i32 to vector<16xi32>
        %gather3A_245 = tpu.vector_load_idx %arg8[%broadcast_in_dim3A_244, %iota3A] : memref<1000x16xf32, #tpu.memory_space<vmem>>[vector<16xi32>, vector<16xi32>], vector<16xf32>,
        %gather3A_246 = tpu.vector_load_idx %arg5[%add3A_241] : memref<80016xf32, #tpu.memory_space<vmem>>[vector<16xi32>], vector<16xf32>,
        %max3A_247 = arith.maximumf %gather3A_246, %gather3A_245 : vector<16xf32>
        tpu.vector_store_idx %arg5[%add3A_241], %max3A_247 : memref<80016xf32, #tpu.memory_space<vmem>>[vector<16xi32>], vector<16xf32>,
        %broadcast_in_dim3A_248 = arith.constant 5 : i32
        %broadcast_in_dim3A_249 = vector.broadcast %broadcast_in_dim3A_248 : i32 to vector<16x1xi32>
        %gather3A_250 = vector.shape_cast %broadcast_in_dim3A_249 : vector<16x1xi32> to vector<16xi32>
        %gather3A_251 = tpu.dynamic_gather %mul3A_194[%gather3A_250] in [0] : vector<16xi32>, vector<16xi32> -> vector<16xi32>
        %add3A_252 = arith.addi %gather3A_251, %iota3A : vector<16xi32>
        %add3A_253 = arith.constant 5 : i32
        %add3A_254 = arith.addi %min3A_177, %add3A_253 : i32
        %broadcast_in_dim3A_255 = vector.broadcast %add3A_254 : i32 to vector<16xi32>
        %gather3A_256 = tpu.vector_load_idx %arg8[%broadcast_in_dim3A_255, %iota3A] : memref<1000x16xf32, #tpu.memory_space<vmem>>[vector<16xi32>, vector<16xi32>], vector<16xf32>,
        %gather3A_257 = tpu.vector_load_idx %arg5[%add3A_252] : memref<80016xf32, #tpu.memory_space<vmem>>[vector<16xi32>], vector<16xf32>,
        %max3A_258 = arith.maximumf %gather3A_257, %gather3A_256 : vector<16xf32>
        tpu.vector_store_idx %arg5[%add3A_252], %max3A_258 : memref<80016xf32, #tpu.memory_space<vmem>>[vector<16xi32>], vector<16xf32>,
        %broadcast_in_dim3A_259 = arith.constant 6 : i32
        %broadcast_in_dim3A_260 = vector.broadcast %broadcast_in_dim3A_259 : i32 to vector<16x1xi32>
        %gather3A_261 = vector.shape_cast %broadcast_in_dim3A_260 : vector<16x1xi32> to vector<16xi32>
        %gather3A_262 = tpu.dynamic_gather %mul3A_194[%gather3A_261] in [0] : vector<16xi32>, vector<16xi32> -> vector<16xi32>
        %add3A_263 = arith.addi %gather3A_262, %iota3A : vector<16xi32>
        %add3A_264 = arith.constant 6 : i32
        %add3A_265 = arith.addi %min3A_177, %add3A_264 : i32
        %broadcast_in_dim3A_266 = vector.broadcast %add3A_265 : i32 to vector<16xi32>
        %gather3A_267 = tpu.vector_load_idx %arg8[%broadcast_in_dim3A_266, %iota3A] : memref<1000x16xf32, #tpu.memory_space<vmem>>[vector<16xi32>, vector<16xi32>], vector<16xf32>,
        %gather3A_268 = tpu.vector_load_idx %arg5[%add3A_263] : memref<80016xf32, #tpu.memory_space<vmem>>[vector<16xi32>], vector<16xf32>,
        %max3A_269 = arith.maximumf %gather3A_268, %gather3A_267 : vector<16xf32>
        tpu.vector_store_idx %arg5[%add3A_263], %max3A_269 : memref<80016xf32, #tpu.memory_space<vmem>>[vector<16xi32>], vector<16xf32>,
        %broadcast_in_dim3A_270 = arith.constant 7 : i32
        %broadcast_in_dim3A_271 = vector.broadcast %broadcast_in_dim3A_270 : i32 to vector<16x1xi32>
        %gather3A_272 = vector.shape_cast %broadcast_in_dim3A_271 : vector<16x1xi32> to vector<16xi32>
        %gather3A_273 = tpu.dynamic_gather %mul3A_194[%gather3A_272] in [0] : vector<16xi32>, vector<16xi32> -> vector<16xi32>
        %add3A_274 = arith.addi %gather3A_273, %iota3A : vector<16xi32>
        %add3A_275 = arith.constant 7 : i32
        %add3A_276 = arith.addi %min3A_177, %add3A_275 : i32
        %broadcast_in_dim3A_277 = vector.broadcast %add3A_276 : i32 to vector<16xi32>
        %gather3A_278 = tpu.vector_load_idx %arg8[%broadcast_in_dim3A_277, %iota3A] : memref<1000x16xf32, #tpu.memory_space<vmem>>[vector<16xi32>, vector<16xi32>], vector<16xf32>,
        %gather3A_279 = tpu.vector_load_idx %arg5[%add3A_274] : memref<80016xf32, #tpu.memory_space<vmem>>[vector<16xi32>], vector<16xf32>,
        %max3A_280 = arith.maximumf %gather3A_279, %gather3A_278 : vector<16xf32>
        tpu.vector_store_idx %arg5[%add3A_274], %max3A_280 : memref<80016xf32, #tpu.memory_space<vmem>>[vector<16xi32>], vector<16xf32>,
        %broadcast_in_dim3A_281 = arith.constant 8 : i32
        %broadcast_in_dim3A_282 = vector.broadcast %broadcast_in_dim3A_281 : i32 to vector<16x1xi32>
        %gather3A_283 = vector.shape_cast %broadcast_in_dim3A_282 : vector<16x1xi32> to vector<16xi32>
        %gather3A_284 = tpu.dynamic_gather %mul3A_194[%gather3A_283] in [0] : vector<16xi32>, vector<16xi32> -> vector<16xi32>
        %add3A_285 = arith.addi %gather3A_284, %iota3A : vector<16xi32>
        %add3A_286 = arith.constant 8 : i32
        %add3A_287 = arith.addi %min3A_177, %add3A_286 : i32
        %broadcast_in_dim3A_288 = vector.broadcast %add3A_287 : i32 to vector<16xi32>
        %gather3A_289 = tpu.vector_load_idx %arg8[%broadcast_in_dim3A_288, %iota3A] : memref<1000x16xf32, #tpu.memory_space<vmem>>[vector<16xi32>, vector<16xi32>], vector<16xf32>,
        %gather3A_290 = tpu.vector_load_idx %arg5[%add3A_285] : memref<80016xf32, #tpu.memory_space<vmem>>[vector<16xi32>], vector<16xf32>,
        %max3A_291 = arith.maximumf %gather3A_290, %gather3A_289 : vector<16xf32>
        tpu.vector_store_idx %arg5[%add3A_285], %max3A_291 : memref<80016xf32, #tpu.memory_space<vmem>>[vector<16xi32>], vector<16xf32>,
        %broadcast_in_dim3A_292 = arith.constant 9 : i32
        %broadcast_in_dim3A_293 = vector.broadcast %broadcast_in_dim3A_292 : i32 to vector<16x1xi32>
        %gather3A_294 = vector.shape_cast %broadcast_in_dim3A_293 : vector<16x1xi32> to vector<16xi32>
        %gather3A_295 = tpu.dynamic_gather %mul3A_194[%gather3A_294] in [0] : vector<16xi32>, vector<16xi32> -> vector<16xi32>
        %add3A_296 = arith.addi %gather3A_295, %iota3A : vector<16xi32>
        %add3A_297 = arith.constant 9 : i32
        %add3A_298 = arith.addi %min3A_177, %add3A_297 : i32
        %broadcast_in_dim3A_299 = vector.broadcast %add3A_298 : i32 to vector<16xi32>
        %gather3A_300 = tpu.vector_load_idx %arg8[%broadcast_in_dim3A_299, %iota3A] : memref<1000x16xf32, #tpu.memory_space<vmem>>[vector<16xi32>, vector<16xi32>], vector<16xf32>,
        %gather3A_301 = tpu.vector_load_idx %arg5[%add3A_296] : memref<80016xf32, #tpu.memory_space<vmem>>[vector<16xi32>], vector<16xf32>,
        %max3A_302 = arith.maximumf %gather3A_301, %gather3A_300 : vector<16xf32>
        tpu.vector_store_idx %arg5[%add3A_296], %max3A_302 : memref<80016xf32, #tpu.memory_space<vmem>>[vector<16xi32>], vector<16xf32>,
        %broadcast_in_dim3A_303 = arith.constant 10 : i32
        %broadcast_in_dim3A_304 = vector.broadcast %broadcast_in_dim3A_303 : i32 to vector<16x1xi32>
        %gather3A_305 = vector.shape_cast %broadcast_in_dim3A_304 : vector<16x1xi32> to vector<16xi32>
        %gather3A_306 = tpu.dynamic_gather %mul3A_194[%gather3A_305] in [0] : vector<16xi32>, vector<16xi32> -> vector<16xi32>
        %add3A_307 = arith.addi %gather3A_306, %iota3A : vector<16xi32>
        %add3A_308 = arith.constant 10 : i32
        %add3A_309 = arith.addi %min3A_177, %add3A_308 : i32
        %broadcast_in_dim3A_310 = vector.broadcast %add3A_309 : i32 to vector<16xi32>
        %gather3A_311 = tpu.vector_load_idx %arg8[%broadcast_in_dim3A_310, %iota3A] : memref<1000x16xf32, #tpu.memory_space<vmem>>[vector<16xi32>, vector<16xi32>], vector<16xf32>,
        %gather3A_312 = tpu.vector_load_idx %arg5[%add3A_307] : memref<80016xf32, #tpu.memory_space<vmem>>[vector<16xi32>], vector<16xf32>,
        %max3A_313 = arith.maximumf %gather3A_312, %gather3A_311 : vector<16xf32>
        tpu.vector_store_idx %arg5[%add3A_307], %max3A_313 : memref<80016xf32, #tpu.memory_space<vmem>>[vector<16xi32>], vector<16xf32>,
        %broadcast_in_dim3A_314 = arith.constant 11 : i32
        %broadcast_in_dim3A_315 = vector.broadcast %broadcast_in_dim3A_314 : i32 to vector<16x1xi32>
        %gather3A_316 = vector.shape_cast %broadcast_in_dim3A_315 : vector<16x1xi32> to vector<16xi32>
        %gather3A_317 = tpu.dynamic_gather %mul3A_194[%gather3A_316] in [0] : vector<16xi32>, vector<16xi32> -> vector<16xi32>
        %add3A_318 = arith.addi %gather3A_317, %iota3A : vector<16xi32>
        %add3A_319 = arith.constant 11 : i32
        %add3A_320 = arith.addi %min3A_177, %add3A_319 : i32
        %broadcast_in_dim3A_321 = vector.broadcast %add3A_320 : i32 to vector<16xi32>
        %gather3A_322 = tpu.vector_load_idx %arg8[%broadcast_in_dim3A_321, %iota3A] : memref<1000x16xf32, #tpu.memory_space<vmem>>[vector<16xi32>, vector<16xi32>], vector<16xf32>,
        %gather3A_323 = tpu.vector_load_idx %arg5[%add3A_318] : memref<80016xf32, #tpu.memory_space<vmem>>[vector<16xi32>], vector<16xf32>,
        %max3A_324 = arith.maximumf %gather3A_323, %gather3A_322 : vector<16xf32>
        tpu.vector_store_idx %arg5[%add3A_318], %max3A_324 : memref<80016xf32, #tpu.memory_space<vmem>>[vector<16xi32>], vector<16xf32>,
        %broadcast_in_dim3A_325 = arith.constant 12 : i32
        %broadcast_in_dim3A_326 = vector.broadcast %broadcast_in_dim3A_325 : i32 to vector<16x1xi32>
        %gather3A_327 = vector.shape_cast %broadcast_in_dim3A_326 : vector<16x1xi32> to vector<16xi32>
        %gather3A_328 = tpu.dynamic_gather %mul3A_194[%gather3A_327] in [0] : vector<16xi32>, vector<16xi32> -> vector<16xi32>
        %add3A_329 = arith.addi %gather3A_328, %iota3A : vector<16xi32>
        %add3A_330 = arith.constant 12 : i32
        %add3A_331 = arith.addi %min3A_177, %add3A_330 : i32
        %broadcast_in_dim3A_332 = vector.broadcast %add3A_331 : i32 to vector<16xi32>
        %gather3A_333 = tpu.vector_load_idx %arg8[%broadcast_in_dim3A_332, %iota3A] : memref<1000x16xf32, #tpu.memory_space<vmem>>[vector<16xi32>, vector<16xi32>], vector<16xf32>,
        %gather3A_334 = tpu.vector_load_idx %arg5[%add3A_329] : memref<80016xf32, #tpu.memory_space<vmem>>[vector<16xi32>], vector<16xf32>,
        %max3A_335 = arith.maximumf %gather3A_334, %gather3A_333 : vector<16xf32>
        tpu.vector_store_idx %arg5[%add3A_329], %max3A_335 : memref<80016xf32, #tpu.memory_space<vmem>>[vector<16xi32>], vector<16xf32>,
        %broadcast_in_dim3A_336 = arith.constant 13 : i32
        %broadcast_in_dim3A_337 = vector.broadcast %broadcast_in_dim3A_336 : i32 to vector<16x1xi32>
        %gather3A_338 = vector.shape_cast %broadcast_in_dim3A_337 : vector<16x1xi32> to vector<16xi32>
        %gather3A_339 = tpu.dynamic_gather %mul3A_194[%gather3A_338] in [0] : vector<16xi32>, vector<16xi32> -> vector<16xi32>
        %add3A_340 = arith.addi %gather3A_339, %iota3A : vector<16xi32>
        %add3A_341 = arith.constant 13 : i32
        %add3A_342 = arith.addi %min3A_177, %add3A_341 : i32
        %broadcast_in_dim3A_343 = vector.broadcast %add3A_342 : i32 to vector<16xi32>
        %gather3A_344 = tpu.vector_load_idx %arg8[%broadcast_in_dim3A_343, %iota3A] : memref<1000x16xf32, #tpu.memory_space<vmem>>[vector<16xi32>, vector<16xi32>], vector<16xf32>,
        %gather3A_345 = tpu.vector_load_idx %arg5[%add3A_340] : memref<80016xf32, #tpu.memory_space<vmem>>[vector<16xi32>], vector<16xf32>,
        %max3A_346 = arith.maximumf %gather3A_345, %gather3A_344 : vector<16xf32>
        tpu.vector_store_idx %arg5[%add3A_340], %max3A_346 : memref<80016xf32, #tpu.memory_space<vmem>>[vector<16xi32>], vector<16xf32>,
        %broadcast_in_dim3A_347 = arith.constant 14 : i32
        %broadcast_in_dim3A_348 = vector.broadcast %broadcast_in_dim3A_347 : i32 to vector<16x1xi32>
        %gather3A_349 = vector.shape_cast %broadcast_in_dim3A_348 : vector<16x1xi32> to vector<16xi32>
        %gather3A_350 = tpu.dynamic_gather %mul3A_194[%gather3A_349] in [0] : vector<16xi32>, vector<16xi32> -> vector<16xi32>
        %add3A_351 = arith.addi %gather3A_350, %iota3A : vector<16xi32>
        %add3A_352 = arith.constant 14 : i32
        %add3A_353 = arith.addi %min3A_177, %add3A_352 : i32
        %broadcast_in_dim3A_354 = vector.broadcast %add3A_353 : i32 to vector<16xi32>
        %gather3A_355 = tpu.vector_load_idx %arg8[%broadcast_in_dim3A_354, %iota3A] : memref<1000x16xf32, #tpu.memory_space<vmem>>[vector<16xi32>, vector<16xi32>], vector<16xf32>,
        %gather3A_356 = tpu.vector_load_idx %arg5[%add3A_351] : memref<80016xf32, #tpu.memory_space<vmem>>[vector<16xi32>], vector<16xf32>,
        %max3A_357 = arith.maximumf %gather3A_356, %gather3A_355 : vector<16xf32>
        tpu.vector_store_idx %arg5[%add3A_351], %max3A_357 : memref<80016xf32, #tpu.memory_space<vmem>>[vector<16xi32>], vector<16xf32>,
        %broadcast_in_dim3A_358 = arith.constant 15 : i32
        %broadcast_in_dim3A_359 = vector.broadcast %broadcast_in_dim3A_358 : i32 to vector<16x1xi32>
        %gather3A_360 = vector.shape_cast %broadcast_in_dim3A_359 : vector<16x1xi32> to vector<16xi32>
        %gather3A_361 = tpu.dynamic_gather %mul3A_194[%gather3A_360] in [0] : vector<16xi32>, vector<16xi32> -> vector<16xi32>
        %add3A_362 = arith.addi %gather3A_361, %iota3A : vector<16xi32>
        %add3A_363 = arith.constant 15 : i32
        %add3A_364 = arith.addi %min3A_177, %add3A_363 : i32
        %broadcast_in_dim3A_365 = vector.broadcast %add3A_364 : i32 to vector<16xi32>
        %gather3A_366 = tpu.vector_load_idx %arg8[%broadcast_in_dim3A_365, %iota3A] : memref<1000x16xf32, #tpu.memory_space<vmem>>[vector<16xi32>, vector<16xi32>], vector<16xf32>,
        %gather3A_367 = tpu.vector_load_idx %arg5[%add3A_362] : memref<80016xf32, #tpu.memory_space<vmem>>[vector<16xi32>], vector<16xf32>,
        %max3A_368 = arith.maximumf %gather3A_367, %gather3A_366 : vector<16xf32>
        tpu.vector_store_idx %arg5[%add3A_362], %max3A_368 : memref<80016xf32, #tpu.memory_space<vmem>>[vector<16xi32>], vector<16xf32>,
      }
      %scan3A_143 = arith.constant 63 : i32
      %mul3A_144 = arith.constant 2 : i32
      %mul3A_145 = arith.muli %mul3A_144, %add3A_120 : i32
      %add3A_146 = arith.constant 1 : i32
      %add3A_147 = arith.addi %mul3A_145, %add3A_146 : i32
      %add3A_148 = arith.constant 1 : i32
      %add3A_149 = arith.addi %add3A_147, %add3A_148 : i32
      %lt3A_150 = arith.constant 20 : i32
      %lt3A_151 = arith.cmpi slt, %add3A_149, %lt3A_150 : i32
      %convert_element_type3A_152 = arith.extui %lt3A_151 : i1 to i32
      %cond3A_153 = arith.constant 0 : i32
      %cond3A_154 = arith.cmpi ne, %convert_element_type3A_152, %cond3A_153 : i32
      scf.if %cond3A_154 {
        %add3A_170 = arith.constant 1 : i32
        %add3A_171 = arith.addi %add3A_147, %add3A_170 : i32
        %mul3A_172 = arith.constant 20000 : i32
        %mul3A_173 = arith.muli %select_n3A, %mul3A_172 : i32
        %mul3A_174 = arith.constant 1000 : i32
        %mul3A_175 = arith.muli %add3A_171, %mul3A_174 : i32
        %add3A_176 = arith.addi %mul3A_173, %mul3A_175 : i32
        %jit3A_177 = arith.constant 1000 : i32
        %div3A_178 = arith.divsi %add3A_176, %jit3A_177 : i32
        %sign3A_179 = arith.constant 0 : i32
        %sign3A_180 = arith.cmpi sgt, %add3A_176, %sign3A_179 : i32
        %sign3A_181 = arith.extui %sign3A_180 : i1 to i32
        %sign3A_182 = arith.constant 0 : i32
        %sign3A_183 = arith.cmpi slt, %add3A_176, %sign3A_182 : i32
        %sign3A_184 = arith.extui %sign3A_183 : i1 to i32
        %sign3A_185 = arith.subi %sign3A_181, %sign3A_184 : i32
        %sign3A_186 = arith.constant 0 : i32
        %sign3A_187 = arith.cmpi sgt, %jit3A_177, %sign3A_186 : i32
        %sign3A_188 = arith.extui %sign3A_187 : i1 to i32
        %sign3A_189 = arith.constant 0 : i32
        %sign3A_190 = arith.cmpi slt, %jit3A_177, %sign3A_189 : i32
        %sign3A_191 = arith.extui %sign3A_190 : i1 to i32
        %sign3A_192 = arith.subi %sign3A_188, %sign3A_191 : i32
        %ne3A_193 = arith.cmpi ne, %sign3A_185, %sign3A_192 : i32
        %rem3A_194 = arith.remsi %add3A_176, %jit3A_177 : i32
        %ne3A_195 = arith.constant 0 : i32
        %ne3A_196 = arith.cmpi ne, %rem3A_194, %ne3A_195 : i32
        %and3A_197 = arith.andi %ne3A_193, %ne3A_196 : i1
        %sub3A_198 = arith.constant 1 : i32
        %sub3A_199 = arith.subi %div3A_178, %sub3A_198 : i32
        %select_n3A_200 = arith.select %and3A_197, %sub3A_199, %div3A_178 : i32
        %jit3A_201 = arith.constant 8 : i32
        %div3A_202 = arith.divsi %select_n3A_200, %jit3A_201 : i32
        %sign3A_203 = arith.constant 0 : i32
        %sign3A_204 = arith.cmpi sgt, %select_n3A_200, %sign3A_203 : i32
        %sign3A_205 = arith.extui %sign3A_204 : i1 to i32
        %sign3A_206 = arith.constant 0 : i32
        %sign3A_207 = arith.cmpi slt, %select_n3A_200, %sign3A_206 : i32
        %sign3A_208 = arith.extui %sign3A_207 : i1 to i32
        %sign3A_209 = arith.subi %sign3A_205, %sign3A_208 : i32
        %sign3A_210 = arith.constant 0 : i32
        %sign3A_211 = arith.cmpi sgt, %jit3A_201, %sign3A_210 : i32
        %sign3A_212 = arith.extui %sign3A_211 : i1 to i32
        %sign3A_213 = arith.constant 0 : i32
        %sign3A_214 = arith.cmpi slt, %jit3A_201, %sign3A_213 : i32
        %sign3A_215 = arith.extui %sign3A_214 : i1 to i32
        %sign3A_216 = arith.subi %sign3A_212, %sign3A_215 : i32
        %ne3A_217 = arith.cmpi ne, %sign3A_209, %sign3A_216 : i32
        %rem3A_218 = arith.remsi %select_n3A_200, %jit3A_201 : i32
        %ne3A_219 = arith.constant 0 : i32
        %ne3A_220 = arith.cmpi ne, %rem3A_218, %ne3A_219 : i32
        %and3A_221 = arith.andi %ne3A_217, %ne3A_220 : i1
        %sub3A_222 = arith.constant 1 : i32
        %sub3A_223 = arith.subi %div3A_202, %sub3A_222 : i32
        %select_n3A_224 = arith.select %and3A_221, %sub3A_223, %div3A_202 : i32
        %mul3A_225 = arith.constant 1000 : i32
        %mul3A_226 = arith.muli %select_n3A_224, %mul3A_225 : i32
        %jit3A_227 = arith.constant 8 : i32
        %eq3A_228 = arith.constant 0 : i32
        %eq3A_229 = arith.cmpi eq, %jit3A_227, %eq3A_228 : i32
        %jit3A_230 = arith.constant 1 : i32
        %select_n3A_231 = arith.select %eq3A_229, %jit3A_230, %jit3A_227 : i32
        %rem3A_232 = arith.remsi %select_n3A_200, %select_n3A_231 : i32
        %ne3A_233 = arith.constant 0 : i32
        %ne3A_234 = arith.cmpi ne, %rem3A_232, %ne3A_233 : i32
        %lt3A_235 = arith.constant 0 : i32
        %lt3A_236 = arith.cmpi slt, %rem3A_232, %lt3A_235 : i32
        %lt3A_237 = arith.constant 0 : i32
        %lt3A_238 = arith.cmpi slt, %select_n3A_231, %lt3A_237 : i32
        %ne3A_239 = arith.xori %lt3A_236, %lt3A_238 : i1
        %and3A_240 = arith.andi %ne3A_239, %ne3A_234 : i1
        %add3A_241 = arith.addi %rem3A_232, %select_n3A_231 : i32
        %select_n3A_242 = arith.select %and3A_240, %add3A_241, %rem3A_232 : i32
        %mul3A_243 = arith.constant 16 : i32
        %mul3A_244 = arith.muli %select_n3A_242, %mul3A_243 : i32
        %dma_start3A_245 = tpu.memref_slice %arg3[%add3A_176] : memref<320000xi32, #tpu.memory_space<hbm>> -> memref<1000xi32, #tpu.memory_space<hbm>>
        %dma_start3A_246 = tpu.memref_slice %arg3[%add3A_176] : memref<320000xi32, #tpu.memory_space<hbm>> -> memref<1000xi32, #tpu.memory_space<hbm>>
        tpu.enqueue_dma source(%dma_start3A_246 : memref<1000xi32, #tpu.memory_space<hbm>>) target(%arg6 : memref<1000xi32, #tpu.memory_space<vmem>>) target_semaphore(%arg10 : memref<!tpu.dma_semaphore, #tpu.memory_space<semaphore_mem>>)
        %dma_start3A_247 = tpu.memref_slice %arg2[%mul3A_226, %mul3A_244] : memref<40000x128xf32, #tpu.memory_space<hbm>> -> memref<1000x16xf32, #tpu.memory_space<hbm>>
        %dma_start3A_248 = tpu.memref_slice %arg2[%mul3A_226, %mul3A_244] : memref<40000x128xf32, #tpu.memory_space<hbm>> -> memref<1000x16xf32, #tpu.memory_space<hbm>>
        tpu.enqueue_dma source(%dma_start3A_248 : memref<1000x16xf32, #tpu.memory_space<hbm>>) target(%arg8 : memref<1000x16xf32, #tpu.memory_space<vmem>>) target_semaphore(%arg10 : memref<!tpu.dma_semaphore, #tpu.memory_space<semaphore_mem>>)
      } else {
      }
      %dma_wait3A_155 = arith.constant 0 : i32
      %dma_wait3A_156 = tpu.memref_slice %arg3[%dma_wait3A_155] : memref<320000xi32, #tpu.memory_space<hbm>> -> memref<1000xi32, #tpu.memory_space<hbm>>
      %dma_wait3A_157 = arith.constant 0 : i32
      %dma_wait3A_158 = tpu.memref_slice %arg3[%dma_wait3A_157] : memref<320000xi32, #tpu.memory_space<hbm>> -> memref<1000xi32, #tpu.memory_space<hbm>>
      tpu.wait_dma2 semaphore(%arg11 : memref<!tpu.dma_semaphore, #tpu.memory_space<semaphore_mem>>) src(%dma_wait3A_158 : memref<1000xi32, #tpu.memory_space<hbm>>) dst(%arg7 : memref<1000xi32, #tpu.memory_space<vmem>>)
      %dma_wait3A_159 = arith.constant 0 : i32
      %dma_wait3A_160 = arith.constant 0 : i32
      %dma_wait3A_161 = tpu.memref_slice %arg2[%dma_wait3A_159, %dma_wait3A_160] : memref<40000x128xf32, #tpu.memory_space<hbm>> -> memref<1000x16xf32, #tpu.memory_space<hbm>>
      %dma_wait3A_162 = arith.constant 0 : i32
      %dma_wait3A_163 = arith.constant 0 : i32
      %dma_wait3A_164 = tpu.memref_slice %arg2[%dma_wait3A_162, %dma_wait3A_163] : memref<40000x128xf32, #tpu.memory_space<hbm>> -> memref<1000x16xf32, #tpu.memory_space<hbm>>
      tpu.wait_dma2 semaphore(%arg11 : memref<!tpu.dma_semaphore, #tpu.memory_space<semaphore_mem>>) src(%dma_wait3A_164 : memref<1000x16xf32, #tpu.memory_space<hbm>>) dst(%arg9 : memref<1000x16xf32, #tpu.memory_space<vmem>>)
      %scan3A_165 = arith.constant 0 : i32
      %scan3A_166 = arith.constant 63 : i32
      %scan3A_167 = arith.addi %scan3A_165, %scan3A_166 : i32
      %scan3A_168 = arith.constant 1 : i32
      scf.for %scan3A_170 = %scan3A_165 to %scan3A_167 step %scan3A_168  : i32 {
        %mul3A_171 = arith.constant 1 : i32
        %mul3A_172 = arith.muli %scan3A_170, %mul3A_171 : i32
        %add3A_173 = arith.constant 0 : i32
        %add3A_174 = arith.addi %add3A_173, %mul3A_172 : i32
        %mul3A_175 = arith.constant 16 : i32
        %mul3A_176 = arith.muli %add3A_174, %mul3A_175 : i32
        %min3A = arith.constant 984 : i32
        %min3A_177 = arith.minsi %mul3A_176, %min3A : i32
        %get3A = arith.index_cast %min3A_177 : i32 to index
        %get3A_178 = tpu.vector_load %arg7[%get3A] {strides = array<i32>} : memref<1000xi32, #tpu.memory_space<vmem>>, vector<16xi32>,
        %mul3A_179 = arith.constant 5000 : i32
        %mul3A_180 = arith.muli %select_n3A_30, %mul3A_179 : i32
        %sub3A_181 = vector.broadcast %mul3A_180 : i32 to vector<16xi32>
        %sub3A_182 = arith.subi %get3A_178, %sub3A_181 : vector<16xi32>
        %ge3A = arith.constant 0 : i32
        %ge3A_183 = vector.broadcast %ge3A : i32 to vector<16xi32>
        %ge3A_184 = arith.cmpi sge, %sub3A_182, %ge3A_183 : vector<16xi32>
        %lt3A_185 = arith.constant 5000 : i32
        %lt3A_186 = vector.broadcast %lt3A_185 : i32 to vector<16xi32>
        %lt3A_187 = arith.cmpi slt, %sub3A_182, %lt3A_186 : vector<16xi32>
        %and3A_188 = arith.andi %ge3A_184, %lt3A_187 : vector<16xi1>
        %jit3A_189 = arith.constant 5000 : i32
        %broadcast_in_dim3A_190 = vector.broadcast %jit3A_189 : i32 to vector<16xi32>
        %select_n3A_191 = arith.select %and3A_188, %sub3A_182, %broadcast_in_dim3A_190 : vector<16xi1>, vector<16xi32>
        %mul3A_192 = arith.constant 16 : i32
        %mul3A_193 = vector.broadcast %mul3A_192 : i32 to vector<16xi32>
        %mul3A_194 = arith.muli %select_n3A_191, %mul3A_193 : vector<16xi32>
        %broadcast_in_dim3A_195 = arith.constant 0 : i32
        %broadcast_in_dim3A_196 = vector.broadcast %broadcast_in_dim3A_195 : i32 to vector<16x1xi32>
        %gather3A = vector.shape_cast %broadcast_in_dim3A_196 : vector<16x1xi32> to vector<16xi32>
        %gather3A_197 = tpu.dynamic_gather %mul3A_194[%gather3A] in [0] : vector<16xi32>, vector<16xi32> -> vector<16xi32>
        %add3A_198 = arith.addi %gather3A_197, %iota3A : vector<16xi32>
        %add3A_199 = arith.constant 0 : i32
        %add3A_200 = arith.addi %min3A_177, %add3A_199 : i32
        %broadcast_in_dim3A_201 = vector.broadcast %add3A_200 : i32 to vector<16xi32>
        %gather3A_202 = tpu.vector_load_idx %arg9[%broadcast_in_dim3A_201, %iota3A] : memref<1000x16xf32, #tpu.memory_space<vmem>>[vector<16xi32>, vector<16xi32>], vector<16xf32>,
        %gather3A_203 = tpu.vector_load_idx %arg5[%add3A_198] : memref<80016xf32, #tpu.memory_space<vmem>>[vector<16xi32>], vector<16xf32>,
        %max3A = arith.maximumf %gather3A_203, %gather3A_202 : vector<16xf32>
        tpu.vector_store_idx %arg5[%add3A_198], %max3A : memref<80016xf32, #tpu.memory_space<vmem>>[vector<16xi32>], vector<16xf32>,
        %broadcast_in_dim3A_204 = arith.constant 1 : i32
        %broadcast_in_dim3A_205 = vector.broadcast %broadcast_in_dim3A_204 : i32 to vector<16x1xi32>
        %gather3A_206 = vector.shape_cast %broadcast_in_dim3A_205 : vector<16x1xi32> to vector<16xi32>
        %gather3A_207 = tpu.dynamic_gather %mul3A_194[%gather3A_206] in [0] : vector<16xi32>, vector<16xi32> -> vector<16xi32>
        %add3A_208 = arith.addi %gather3A_207, %iota3A : vector<16xi32>
        %add3A_209 = arith.constant 1 : i32
        %add3A_210 = arith.addi %min3A_177, %add3A_209 : i32
        %broadcast_in_dim3A_211 = vector.broadcast %add3A_210 : i32 to vector<16xi32>
        %gather3A_212 = tpu.vector_load_idx %arg9[%broadcast_in_dim3A_211, %iota3A] : memref<1000x16xf32, #tpu.memory_space<vmem>>[vector<16xi32>, vector<16xi32>], vector<16xf32>,
        %gather3A_213 = tpu.vector_load_idx %arg5[%add3A_208] : memref<80016xf32, #tpu.memory_space<vmem>>[vector<16xi32>], vector<16xf32>,
        %max3A_214 = arith.maximumf %gather3A_213, %gather3A_212 : vector<16xf32>
        tpu.vector_store_idx %arg5[%add3A_208], %max3A_214 : memref<80016xf32, #tpu.memory_space<vmem>>[vector<16xi32>], vector<16xf32>,
        %broadcast_in_dim3A_215 = arith.constant 2 : i32
        %broadcast_in_dim3A_216 = vector.broadcast %broadcast_in_dim3A_215 : i32 to vector<16x1xi32>
        %gather3A_217 = vector.shape_cast %broadcast_in_dim3A_216 : vector<16x1xi32> to vector<16xi32>
        %gather3A_218 = tpu.dynamic_gather %mul3A_194[%gather3A_217] in [0] : vector<16xi32>, vector<16xi32> -> vector<16xi32>
        %add3A_219 = arith.addi %gather3A_218, %iota3A : vector<16xi32>
        %add3A_220 = arith.constant 2 : i32
        %add3A_221 = arith.addi %min3A_177, %add3A_220 : i32
        %broadcast_in_dim3A_222 = vector.broadcast %add3A_221 : i32 to vector<16xi32>
        %gather3A_223 = tpu.vector_load_idx %arg9[%broadcast_in_dim3A_222, %iota3A] : memref<1000x16xf32, #tpu.memory_space<vmem>>[vector<16xi32>, vector<16xi32>], vector<16xf32>,
        %gather3A_224 = tpu.vector_load_idx %arg5[%add3A_219] : memref<80016xf32, #tpu.memory_space<vmem>>[vector<16xi32>], vector<16xf32>,
        %max3A_225 = arith.maximumf %gather3A_224, %gather3A_223 : vector<16xf32>
        tpu.vector_store_idx %arg5[%add3A_219], %max3A_225 : memref<80016xf32, #tpu.memory_space<vmem>>[vector<16xi32>], vector<16xf32>,
        %broadcast_in_dim3A_226 = arith.constant 3 : i32
        %broadcast_in_dim3A_227 = vector.broadcast %broadcast_in_dim3A_226 : i32 to vector<16x1xi32>
        %gather3A_228 = vector.shape_cast %broadcast_in_dim3A_227 : vector<16x1xi32> to vector<16xi32>
        %gather3A_229 = tpu.dynamic_gather %mul3A_194[%gather3A_228] in [0] : vector<16xi32>, vector<16xi32> -> vector<16xi32>
        %add3A_230 = arith.addi %gather3A_229, %iota3A : vector<16xi32>
        %add3A_231 = arith.constant 3 : i32
        %add3A_232 = arith.addi %min3A_177, %add3A_231 : i32
        %broadcast_in_dim3A_233 = vector.broadcast %add3A_232 : i32 to vector<16xi32>
        %gather3A_234 = tpu.vector_load_idx %arg9[%broadcast_in_dim3A_233, %iota3A] : memref<1000x16xf32, #tpu.memory_space<vmem>>[vector<16xi32>, vector<16xi32>], vector<16xf32>,
        %gather3A_235 = tpu.vector_load_idx %arg5[%add3A_230] : memref<80016xf32, #tpu.memory_space<vmem>>[vector<16xi32>], vector<16xf32>,
        %max3A_236 = arith.maximumf %gather3A_235, %gather3A_234 : vector<16xf32>
        tpu.vector_store_idx %arg5[%add3A_230], %max3A_236 : memref<80016xf32, #tpu.memory_space<vmem>>[vector<16xi32>], vector<16xf32>,
        %broadcast_in_dim3A_237 = arith.constant 4 : i32
        %broadcast_in_dim3A_238 = vector.broadcast %broadcast_in_dim3A_237 : i32 to vector<16x1xi32>
        %gather3A_239 = vector.shape_cast %broadcast_in_dim3A_238 : vector<16x1xi32> to vector<16xi32>
        %gather3A_240 = tpu.dynamic_gather %mul3A_194[%gather3A_239] in [0] : vector<16xi32>, vector<16xi32> -> vector<16xi32>
        %add3A_241 = arith.addi %gather3A_240, %iota3A : vector<16xi32>
        %add3A_242 = arith.constant 4 : i32
        %add3A_243 = arith.addi %min3A_177, %add3A_242 : i32
        %broadcast_in_dim3A_244 = vector.broadcast %add3A_243 : i32 to vector<16xi32>
        %gather3A_245 = tpu.vector_load_idx %arg9[%broadcast_in_dim3A_244, %iota3A] : memref<1000x16xf32, #tpu.memory_space<vmem>>[vector<16xi32>, vector<16xi32>], vector<16xf32>,
        %gather3A_246 = tpu.vector_load_idx %arg5[%add3A_241] : memref<80016xf32, #tpu.memory_space<vmem>>[vector<16xi32>], vector<16xf32>,
        %max3A_247 = arith.maximumf %gather3A_246, %gather3A_245 : vector<16xf32>
        tpu.vector_store_idx %arg5[%add3A_241], %max3A_247 : memref<80016xf32, #tpu.memory_space<vmem>>[vector<16xi32>], vector<16xf32>,
        %broadcast_in_dim3A_248 = arith.constant 5 : i32
        %broadcast_in_dim3A_249 = vector.broadcast %broadcast_in_dim3A_248 : i32 to vector<16x1xi32>
        %gather3A_250 = vector.shape_cast %broadcast_in_dim3A_249 : vector<16x1xi32> to vector<16xi32>
        %gather3A_251 = tpu.dynamic_gather %mul3A_194[%gather3A_250] in [0] : vector<16xi32>, vector<16xi32> -> vector<16xi32>
        %add3A_252 = arith.addi %gather3A_251, %iota3A : vector<16xi32>
        %add3A_253 = arith.constant 5 : i32
        %add3A_254 = arith.addi %min3A_177, %add3A_253 : i32
        %broadcast_in_dim3A_255 = vector.broadcast %add3A_254 : i32 to vector<16xi32>
        %gather3A_256 = tpu.vector_load_idx %arg9[%broadcast_in_dim3A_255, %iota3A] : memref<1000x16xf32, #tpu.memory_space<vmem>>[vector<16xi32>, vector<16xi32>], vector<16xf32>,
        %gather3A_257 = tpu.vector_load_idx %arg5[%add3A_252] : memref<80016xf32, #tpu.memory_space<vmem>>[vector<16xi32>], vector<16xf32>,
        %max3A_258 = arith.maximumf %gather3A_257, %gather3A_256 : vector<16xf32>
        tpu.vector_store_idx %arg5[%add3A_252], %max3A_258 : memref<80016xf32, #tpu.memory_space<vmem>>[vector<16xi32>], vector<16xf32>,
        %broadcast_in_dim3A_259 = arith.constant 6 : i32
        %broadcast_in_dim3A_260 = vector.broadcast %broadcast_in_dim3A_259 : i32 to vector<16x1xi32>
        %gather3A_261 = vector.shape_cast %broadcast_in_dim3A_260 : vector<16x1xi32> to vector<16xi32>
        %gather3A_262 = tpu.dynamic_gather %mul3A_194[%gather3A_261] in [0] : vector<16xi32>, vector<16xi32> -> vector<16xi32>
        %add3A_263 = arith.addi %gather3A_262, %iota3A : vector<16xi32>
        %add3A_264 = arith.constant 6 : i32
        %add3A_265 = arith.addi %min3A_177, %add3A_264 : i32
        %broadcast_in_dim3A_266 = vector.broadcast %add3A_265 : i32 to vector<16xi32>
        %gather3A_267 = tpu.vector_load_idx %arg9[%broadcast_in_dim3A_266, %iota3A] : memref<1000x16xf32, #tpu.memory_space<vmem>>[vector<16xi32>, vector<16xi32>], vector<16xf32>,
        %gather3A_268 = tpu.vector_load_idx %arg5[%add3A_263] : memref<80016xf32, #tpu.memory_space<vmem>>[vector<16xi32>], vector<16xf32>,
        %max3A_269 = arith.maximumf %gather3A_268, %gather3A_267 : vector<16xf32>
        tpu.vector_store_idx %arg5[%add3A_263], %max3A_269 : memref<80016xf32, #tpu.memory_space<vmem>>[vector<16xi32>], vector<16xf32>,
        %broadcast_in_dim3A_270 = arith.constant 7 : i32
        %broadcast_in_dim3A_271 = vector.broadcast %broadcast_in_dim3A_270 : i32 to vector<16x1xi32>
        %gather3A_272 = vector.shape_cast %broadcast_in_dim3A_271 : vector<16x1xi32> to vector<16xi32>
        %gather3A_273 = tpu.dynamic_gather %mul3A_194[%gather3A_272] in [0] : vector<16xi32>, vector<16xi32> -> vector<16xi32>
        %add3A_274 = arith.addi %gather3A_273, %iota3A : vector<16xi32>
        %add3A_275 = arith.constant 7 : i32
        %add3A_276 = arith.addi %min3A_177, %add3A_275 : i32
        %broadcast_in_dim3A_277 = vector.broadcast %add3A_276 : i32 to vector<16xi32>
        %gather3A_278 = tpu.vector_load_idx %arg9[%broadcast_in_dim3A_277, %iota3A] : memref<1000x16xf32, #tpu.memory_space<vmem>>[vector<16xi32>, vector<16xi32>], vector<16xf32>,
        %gather3A_279 = tpu.vector_load_idx %arg5[%add3A_274] : memref<80016xf32, #tpu.memory_space<vmem>>[vector<16xi32>], vector<16xf32>,
        %max3A_280 = arith.maximumf %gather3A_279, %gather3A_278 : vector<16xf32>
        tpu.vector_store_idx %arg5[%add3A_274], %max3A_280 : memref<80016xf32, #tpu.memory_space<vmem>>[vector<16xi32>], vector<16xf32>,
        %broadcast_in_dim3A_281 = arith.constant 8 : i32
        %broadcast_in_dim3A_282 = vector.broadcast %broadcast_in_dim3A_281 : i32 to vector<16x1xi32>
        %gather3A_283 = vector.shape_cast %broadcast_in_dim3A_282 : vector<16x1xi32> to vector<16xi32>
        %gather3A_284 = tpu.dynamic_gather %mul3A_194[%gather3A_283] in [0] : vector<16xi32>, vector<16xi32> -> vector<16xi32>
        %add3A_285 = arith.addi %gather3A_284, %iota3A : vector<16xi32>
        %add3A_286 = arith.constant 8 : i32
        %add3A_287 = arith.addi %min3A_177, %add3A_286 : i32
        %broadcast_in_dim3A_288 = vector.broadcast %add3A_287 : i32 to vector<16xi32>
        %gather3A_289 = tpu.vector_load_idx %arg9[%broadcast_in_dim3A_288, %iota3A] : memref<1000x16xf32, #tpu.memory_space<vmem>>[vector<16xi32>, vector<16xi32>], vector<16xf32>,
        %gather3A_290 = tpu.vector_load_idx %arg5[%add3A_285] : memref<80016xf32, #tpu.memory_space<vmem>>[vector<16xi32>], vector<16xf32>,
        %max3A_291 = arith.maximumf %gather3A_290, %gather3A_289 : vector<16xf32>
        tpu.vector_store_idx %arg5[%add3A_285], %max3A_291 : memref<80016xf32, #tpu.memory_space<vmem>>[vector<16xi32>], vector<16xf32>,
        %broadcast_in_dim3A_292 = arith.constant 9 : i32
        %broadcast_in_dim3A_293 = vector.broadcast %broadcast_in_dim3A_292 : i32 to vector<16x1xi32>
        %gather3A_294 = vector.shape_cast %broadcast_in_dim3A_293 : vector<16x1xi32> to vector<16xi32>
        %gather3A_295 = tpu.dynamic_gather %mul3A_194[%gather3A_294] in [0] : vector<16xi32>, vector<16xi32> -> vector<16xi32>
        %add3A_296 = arith.addi %gather3A_295, %iota3A : vector<16xi32>
        %add3A_297 = arith.constant 9 : i32
        %add3A_298 = arith.addi %min3A_177, %add3A_297 : i32
        %broadcast_in_dim3A_299 = vector.broadcast %add3A_298 : i32 to vector<16xi32>
        %gather3A_300 = tpu.vector_load_idx %arg9[%broadcast_in_dim3A_299, %iota3A] : memref<1000x16xf32, #tpu.memory_space<vmem>>[vector<16xi32>, vector<16xi32>], vector<16xf32>,
        %gather3A_301 = tpu.vector_load_idx %arg5[%add3A_296] : memref<80016xf32, #tpu.memory_space<vmem>>[vector<16xi32>], vector<16xf32>,
        %max3A_302 = arith.maximumf %gather3A_301, %gather3A_300 : vector<16xf32>
        tpu.vector_store_idx %arg5[%add3A_296], %max3A_302 : memref<80016xf32, #tpu.memory_space<vmem>>[vector<16xi32>], vector<16xf32>,
        %broadcast_in_dim3A_303 = arith.constant 10 : i32
        %broadcast_in_dim3A_304 = vector.broadcast %broadcast_in_dim3A_303 : i32 to vector<16x1xi32>
        %gather3A_305 = vector.shape_cast %broadcast_in_dim3A_304 : vector<16x1xi32> to vector<16xi32>
        %gather3A_306 = tpu.dynamic_gather %mul3A_194[%gather3A_305] in [0] : vector<16xi32>, vector<16xi32> -> vector<16xi32>
        %add3A_307 = arith.addi %gather3A_306, %iota3A : vector<16xi32>
        %add3A_308 = arith.constant 10 : i32
        %add3A_309 = arith.addi %min3A_177, %add3A_308 : i32
        %broadcast_in_dim3A_310 = vector.broadcast %add3A_309 : i32 to vector<16xi32>
        %gather3A_311 = tpu.vector_load_idx %arg9[%broadcast_in_dim3A_310, %iota3A] : memref<1000x16xf32, #tpu.memory_space<vmem>>[vector<16xi32>, vector<16xi32>], vector<16xf32>,
        %gather3A_312 = tpu.vector_load_idx %arg5[%add3A_307] : memref<80016xf32, #tpu.memory_space<vmem>>[vector<16xi32>], vector<16xf32>,
        %max3A_313 = arith.maximumf %gather3A_312, %gather3A_311 : vector<16xf32>
        tpu.vector_store_idx %arg5[%add3A_307], %max3A_313 : memref<80016xf32, #tpu.memory_space<vmem>>[vector<16xi32>], vector<16xf32>,
        %broadcast_in_dim3A_314 = arith.constant 11 : i32
        %broadcast_in_dim3A_315 = vector.broadcast %broadcast_in_dim3A_314 : i32 to vector<16x1xi32>
        %gather3A_316 = vector.shape_cast %broadcast_in_dim3A_315 : vector<16x1xi32> to vector<16xi32>
        %gather3A_317 = tpu.dynamic_gather %mul3A_194[%gather3A_316] in [0] : vector<16xi32>, vector<16xi32> -> vector<16xi32>
        %add3A_318 = arith.addi %gather3A_317, %iota3A : vector<16xi32>
        %add3A_319 = arith.constant 11 : i32
        %add3A_320 = arith.addi %min3A_177, %add3A_319 : i32
        %broadcast_in_dim3A_321 = vector.broadcast %add3A_320 : i32 to vector<16xi32>
        %gather3A_322 = tpu.vector_load_idx %arg9[%broadcast_in_dim3A_321, %iota3A] : memref<1000x16xf32, #tpu.memory_space<vmem>>[vector<16xi32>, vector<16xi32>], vector<16xf32>,
        %gather3A_323 = tpu.vector_load_idx %arg5[%add3A_318] : memref<80016xf32, #tpu.memory_space<vmem>>[vector<16xi32>], vector<16xf32>,
        %max3A_324 = arith.maximumf %gather3A_323, %gather3A_322 : vector<16xf32>
        tpu.vector_store_idx %arg5[%add3A_318], %max3A_324 : memref<80016xf32, #tpu.memory_space<vmem>>[vector<16xi32>], vector<16xf32>,
        %broadcast_in_dim3A_325 = arith.constant 12 : i32
        %broadcast_in_dim3A_326 = vector.broadcast %broadcast_in_dim3A_325 : i32 to vector<16x1xi32>
        %gather3A_327 = vector.shape_cast %broadcast_in_dim3A_326 : vector<16x1xi32> to vector<16xi32>
        %gather3A_328 = tpu.dynamic_gather %mul3A_194[%gather3A_327] in [0] : vector<16xi32>, vector<16xi32> -> vector<16xi32>
        %add3A_329 = arith.addi %gather3A_328, %iota3A : vector<16xi32>
        %add3A_330 = arith.constant 12 : i32
        %add3A_331 = arith.addi %min3A_177, %add3A_330 : i32
        %broadcast_in_dim3A_332 = vector.broadcast %add3A_331 : i32 to vector<16xi32>
        %gather3A_333 = tpu.vector_load_idx %arg9[%broadcast_in_dim3A_332, %iota3A] : memref<1000x16xf32, #tpu.memory_space<vmem>>[vector<16xi32>, vector<16xi32>], vector<16xf32>,
        %gather3A_334 = tpu.vector_load_idx %arg5[%add3A_329] : memref<80016xf32, #tpu.memory_space<vmem>>[vector<16xi32>], vector<16xf32>,
        %max3A_335 = arith.maximumf %gather3A_334, %gather3A_333 : vector<16xf32>
        tpu.vector_store_idx %arg5[%add3A_329], %max3A_335 : memref<80016xf32, #tpu.memory_space<vmem>>[vector<16xi32>], vector<16xf32>,
        %broadcast_in_dim3A_336 = arith.constant 13 : i32
        %broadcast_in_dim3A_337 = vector.broadcast %broadcast_in_dim3A_336 : i32 to vector<16x1xi32>
        %gather3A_338 = vector.shape_cast %broadcast_in_dim3A_337 : vector<16x1xi32> to vector<16xi32>
        %gather3A_339 = tpu.dynamic_gather %mul3A_194[%gather3A_338] in [0] : vector<16xi32>, vector<16xi32> -> vector<16xi32>
        %add3A_340 = arith.addi %gather3A_339, %iota3A : vector<16xi32>
        %add3A_341 = arith.constant 13 : i32
        %add3A_342 = arith.addi %min3A_177, %add3A_341 : i32
        %broadcast_in_dim3A_343 = vector.broadcast %add3A_342 : i32 to vector<16xi32>
        %gather3A_344 = tpu.vector_load_idx %arg9[%broadcast_in_dim3A_343, %iota3A] : memref<1000x16xf32, #tpu.memory_space<vmem>>[vector<16xi32>, vector<16xi32>], vector<16xf32>,
        %gather3A_345 = tpu.vector_load_idx %arg5[%add3A_340] : memref<80016xf32, #tpu.memory_space<vmem>>[vector<16xi32>], vector<16xf32>,
        %max3A_346 = arith.maximumf %gather3A_345, %gather3A_344 : vector<16xf32>
        tpu.vector_store_idx %arg5[%add3A_340], %max3A_346 : memref<80016xf32, #tpu.memory_space<vmem>>[vector<16xi32>], vector<16xf32>,
        %broadcast_in_dim3A_347 = arith.constant 14 : i32
        %broadcast_in_dim3A_348 = vector.broadcast %broadcast_in_dim3A_347 : i32 to vector<16x1xi32>
        %gather3A_349 = vector.shape_cast %broadcast_in_dim3A_348 : vector<16x1xi32> to vector<16xi32>
        %gather3A_350 = tpu.dynamic_gather %mul3A_194[%gather3A_349] in [0] : vector<16xi32>, vector<16xi32> -> vector<16xi32>
        %add3A_351 = arith.addi %gather3A_350, %iota3A : vector<16xi32>
        %add3A_352 = arith.constant 14 : i32
        %add3A_353 = arith.addi %min3A_177, %add3A_352 : i32
        %broadcast_in_dim3A_354 = vector.broadcast %add3A_353 : i32 to vector<16xi32>
        %gather3A_355 = tpu.vector_load_idx %arg9[%broadcast_in_dim3A_354, %iota3A] : memref<1000x16xf32, #tpu.memory_space<vmem>>[vector<16xi32>, vector<16xi32>], vector<16xf32>,
        %gather3A_356 = tpu.vector_load_idx %arg5[%add3A_351] : memref<80016xf32, #tpu.memory_space<vmem>>[vector<16xi32>], vector<16xf32>,
        %max3A_357 = arith.maximumf %gather3A_356, %gather3A_355 : vector<16xf32>
        tpu.vector_store_idx %arg5[%add3A_351], %max3A_357 : memref<80016xf32, #tpu.memory_space<vmem>>[vector<16xi32>], vector<16xf32>,
        %broadcast_in_dim3A_358 = arith.constant 15 : i32
        %broadcast_in_dim3A_359 = vector.broadcast %broadcast_in_dim3A_358 : i32 to vector<16x1xi32>
        %gather3A_360 = vector.shape_cast %broadcast_in_dim3A_359 : vector<16x1xi32> to vector<16xi32>
        %gather3A_361 = tpu.dynamic_gather %mul3A_194[%gather3A_360] in [0] : vector<16xi32>, vector<16xi32> -> vector<16xi32>
        %add3A_362 = arith.addi %gather3A_361, %iota3A : vector<16xi32>
        %add3A_363 = arith.constant 15 : i32
        %add3A_364 = arith.addi %min3A_177, %add3A_363 : i32
        %broadcast_in_dim3A_365 = vector.broadcast %add3A_364 : i32 to vector<16xi32>
        %gather3A_366 = tpu.vector_load_idx %arg9[%broadcast_in_dim3A_365, %iota3A] : memref<1000x16xf32, #tpu.memory_space<vmem>>[vector<16xi32>, vector<16xi32>], vector<16xf32>,
        %gather3A_367 = tpu.vector_load_idx %arg5[%add3A_362] : memref<80016xf32, #tpu.memory_space<vmem>>[vector<16xi32>], vector<16xf32>,
        %max3A_368 = arith.maximumf %gather3A_367, %gather3A_366 : vector<16xf32>
        tpu.vector_store_idx %arg5[%add3A_362], %max3A_368 : memref<80016xf32, #tpu.memory_space<vmem>>[vector<16xi32>], vector<16xf32>,
      }
      %scan3A_169 = arith.constant 63 : i32
    }
    %scan3A_115 = arith.constant 10 : i32
    "tpu.region"() ({
      %run_scoped3A = tpu.sem_alloc : memref<!tpu.dma_semaphore, #tpu.memory_space<semaphore_mem>>
      %dma_start3A_116 = arith.constant 0 : i32
      %dma_start3A_117 = tpu.memref_slice %arg5[%dma_start3A_116] : memref<80016xf32, #tpu.memory_space<vmem>> -> memref<80000xf32, #tpu.memory_space<vmem>>
      %dma_start3A_118 = arith.constant 0 : i32
      %dma_start3A_119 = tpu.memref_slice %arg4[%select_n3A_30, %select_n3A, %dma_start3A_118] : memref<2x16x80000xf32, #tpu.memory_space<hbm>> -> memref<1x1x80000xf32, #tpu.memory_space<hbm>>
      %dma_start3A_120 = tpu.memref_squeeze %dma_start3A_119 : memref<1x1x80000xf32, #tpu.memory_space<hbm>> -> memref<80000xf32, #tpu.memory_space<hbm>>
      %dma_start3A_121 = arith.constant 0 : i32
      %dma_start3A_122 = tpu.memref_slice %arg4[%select_n3A_30, %select_n3A, %dma_start3A_121] : memref<2x16x80000xf32, #tpu.memory_space<hbm>> -> memref<1x1x80000xf32, #tpu.memory_space<hbm>>
      %dma_start3A_123 = tpu.memref_squeeze %dma_start3A_122 : memref<1x1x80000xf32, #tpu.memory_space<hbm>> -> memref<80000xf32, #tpu.memory_space<hbm>>
      %dma_start3A_124 = arith.constant 0 : i32
      %dma_start3A_125 = tpu.memref_slice %arg5[%dma_start3A_124] : memref<80016xf32, #tpu.memory_space<vmem>> -> memref<80000xf32, #tpu.memory_space<vmem>>
      tpu.enqueue_dma source(%dma_start3A_125 : memref<80000xf32, #tpu.memory_space<vmem>>) target(%dma_start3A_123 : memref<80000xf32, #tpu.memory_space<hbm>>) target_semaphore(%run_scoped3A : memref<!tpu.dma_semaphore, #tpu.memory_space<semaphore_mem>>)
      %dma_wait3A = arith.constant 0 : i32
      %dma_wait3A_126 = tpu.memref_slice %arg5[%dma_wait3A] : memref<80016xf32, #tpu.memory_space<vmem>> -> memref<80000xf32, #tpu.memory_space<vmem>>
      %dma_wait3A_127 = arith.constant 0 : i32
      %dma_wait3A_128 = tpu.memref_slice %arg4[%select_n3A_30, %select_n3A, %dma_wait3A_127] : memref<2x16x80000xf32, #tpu.memory_space<hbm>> -> memref<1x1x80000xf32, #tpu.memory_space<hbm>>
      %dma_wait3A_129 = tpu.memref_squeeze %dma_wait3A_128 : memref<1x1x80000xf32, #tpu.memory_space<hbm>> -> memref<80000xf32, #tpu.memory_space<hbm>>
      %dma_wait3A_130 = arith.constant 0 : i32
      %dma_wait3A_131 = tpu.memref_slice %arg4[%select_n3A_30, %select_n3A, %dma_wait3A_130] : memref<2x16x80000xf32, #tpu.memory_space<hbm>> -> memref<1x1x80000xf32, #tpu.memory_space<hbm>>
      %dma_wait3A_132 = tpu.memref_squeeze %dma_wait3A_131 : memref<1x1x80000xf32, #tpu.memory_space<hbm>> -> memref<80000xf32, #tpu.memory_space<hbm>>
      %dma_wait3A_133 = arith.constant 0 : i32
      %dma_wait3A_134 = tpu.memref_slice %arg5[%dma_wait3A_133] : memref<80016xf32, #tpu.memory_space<vmem>> -> memref<80000xf32, #tpu.memory_space<vmem>>
      tpu.wait_dma2 semaphore(%run_scoped3A : memref<!tpu.dma_semaphore, #tpu.memory_space<semaphore_mem>>) src(%dma_wait3A_134 : memref<80000xf32, #tpu.memory_space<vmem>>) dst(%dma_wait3A_132 : memref<80000xf32, #tpu.memory_space<hbm>>)
      tpu.yield
    }) : () -> ()
    return
  }
}

module attributes {stable_mosaic.version = 14 : i64} {
  func.func @_proj_body(%arg0: i32, %arg1: memref<1250x1024xf32, #tpu.memory_space<vmem>>, %arg2: memref<1024x128xf32, #tpu.memory_space<vmem>>, %arg3: memref<1x128xf32, #tpu.memory_space<vmem>>, %arg4: memref<1250x128xf32, #tpu.memory_space<vmem>>) attributes {dimension_semantics = [#tpu.dimension_semantics<arbitrary>], iteration_bounds = array<i64: 1>, scalar_prefetch = 0 : i64, scratch_operands = 0 : i64, tpu.core_type = #tpu.core_type<tc>, window_params = [{pipeline_mode = #tpu.pipeline_mode<synchronous>, transform_indices = @transform_0, window_bounds = array<i64: 1250, 1024>}, {pipeline_mode = #tpu.pipeline_mode<synchronous>, transform_indices = @transform_1, window_bounds = array<i64: 1024, 128>}, {pipeline_mode = #tpu.pipeline_mode<synchronous>, transform_indices = @transform_2, window_bounds = array<i64: 1, 128>}, {pipeline_mode = #tpu.pipeline_mode<synchronous>, transform_indices = @transform_3, window_bounds = array<i64: 1250, 128>}]} {
    %get3A = arith.constant 0 : index
    %get3A_0 = arith.constant 0 : index
    %get3A_1 = vector.load %arg1[%get3A, %get3A_0] : memref<1250x1024xf32, #tpu.memory_space<vmem>>, vector<1250x1024xf32>
    %get3A_2 = arith.constant 0 : index
    %get3A_3 = arith.constant 0 : index
    %get3A_4 = vector.load %arg2[%get3A_2, %get3A_3] : memref<1024x128xf32, #tpu.memory_space<vmem>>, vector<1024x128xf32>
    %dot_general3A = arith.constant dense<0.000000e+00> : vector<1250x128xf32>
    %dot_general3A_5 = tpu.matmul %get3A_1, %get3A_4, %dot_general3A {dimension_numbers = #tpu.dot_dimension_numbers<[1], [0], [0], [1], [0, 0, 1, 1], [], []>, transpose_lhs_hint = false} : vector<1250x1024xf32>, vector<1024x128xf32>, vector<1250x128xf32> -> vector<1250x128xf32>
    %get3A_6 = arith.constant 0 : index
    %get3A_7 = arith.constant 0 : index
    %get3A_8 = vector.load %arg3[%get3A_6, %get3A_7] : memref<1x128xf32, #tpu.memory_space<vmem>>, vector<1x128xf32>
    %add3A = vector.broadcast %get3A_8 : vector<1x128xf32> to vector<1250x128xf32>
    %add3A_9 = arith.addf %dot_general3A_5, %add3A : vector<1250x128xf32>
    %swap3A = arith.constant 0 : index
    %swap3A_10 = arith.constant 0 : index
    %swap3A_11 = vector.load %arg4[%swap3A, %swap3A_10] : memref<1250x128xf32, #tpu.memory_space<vmem>>, vector<1250x128xf32>
    tpu.vector_store %arg4[%swap3A, %swap3A_10], %add3A_9 {strides = array<i32>} : memref<1250x128xf32, #tpu.memory_space<vmem>>, vector<1250x128xf32>,
    return
  }
  func.func @transform_0(%arg0: i32) -> (i32, i32) {
    %c0_i32 = arith.constant 0 : i32
    %c0_i32_0 = arith.constant 0 : i32
    %c0_i32_1 = arith.constant 0 : i32
    return %c0_i32, %c0_i32_0 : i32, i32
  }
  func.func @transform_1(%arg0: i32) -> (i32, i32) {
    %c0_i32 = arith.constant 0 : i32
    %c0_i32_0 = arith.constant 0 : i32
    %c0_i32_1 = arith.constant 0 : i32
    return %c0_i32, %c0_i32_0 : i32, i32
  }
  func.func @transform_2(%arg0: i32) -> (i32, i32) {
    %c0_i32 = arith.constant 0 : i32
    %c0_i32_0 = arith.constant 0 : i32
    %c0_i32_1 = arith.constant 0 : i32
    return %c0_i32, %c0_i32_0 : i32, i32
  }
  func.func @transform_3(%arg0: i32) -> (i32, i32) {
    %c0_i32 = arith.constant 0 : i32
    %c0_i32_0 = arith.constant 0 : i32
    %c0_i32_1 = arith.constant 0 : i32
    return %c0_i32, %c0_i32_0 : i32, i32
  }
}

module attributes {stable_mosaic.version = 14 : i64} {
  func.func @_msg_body(%arg0: i32, %arg1: memref<16x16000xf32, #tpu.memory_space<vmem>>, %arg2: memref<2000x128xf32, #tpu.memory_space<vmem>>, %arg3: memref<16x16xf32, #tpu.memory_space<vmem>>, %arg4: memref<128x128xf32, #tpu.memory_space<vmem>>, %arg5: memref<1x128xf32, #tpu.memory_space<vmem>>, %arg6: memref<2000x128xf32, #tpu.memory_space<vmem>>) attributes {dimension_semantics = [#tpu.dimension_semantics<arbitrary>], iteration_bounds = array<i64: 20>, scalar_prefetch = 0 : i64, scratch_operands = 0 : i64, tpu.core_type = #tpu.core_type<tc>, window_params = [{transform_indices = @transform_0, window_bounds = array<i64: 16, 16000>}, {transform_indices = @transform_1, window_bounds = array<i64: 2000, 128>}, {pipeline_mode = #tpu.pipeline_mode<synchronous>, transform_indices = @transform_2, window_bounds = array<i64: 16, 16>}, {pipeline_mode = #tpu.pipeline_mode<synchronous>, transform_indices = @transform_3, window_bounds = array<i64: 128, 128>}, {pipeline_mode = #tpu.pipeline_mode<synchronous>, transform_indices = @transform_4, window_bounds = array<i64: 1, 128>}, {transform_indices = @transform_5, window_bounds = array<i64: 2000, 128>}]} {
    %get3A = arith.constant 0 : index
    %get3A_0 = arith.constant 0 : index
    %get3A_1 = vector.load %arg1[%get3A, %get3A_0] : memref<16x16000xf32, #tpu.memory_space<vmem>>, vector<16x16000xf32>
    %get3A_2 = arith.constant 0 : index
    %get3A_3 = arith.constant 0 : index
    %get3A_4 = vector.load %arg3[%get3A_2, %get3A_3] : memref<16x16xf32, #tpu.memory_space<vmem>>, vector<16x16xf32>
    %dot_general3A = arith.constant dense<0.000000e+00> : vector<16000x16xf32>
    %dot_general3A_5 = tpu.matmul %get3A_1, %get3A_4, %dot_general3A {dimension_numbers = #tpu.dot_dimension_numbers<[0], [0], [1], [1], [0, 1, 1, 1], [], []>, transpose_lhs_hint = true} : vector<16x16000xf32>, vector<16x16xf32>, vector<16000x16xf32> -> vector<16000x16xf32>
    %slice3A = vector.extract_strided_slice %dot_general3A_5 {offsets = [0, 0], sizes = [1000, 16], strides = [1, 1]} : vector<16000x16xf32> to vector<1000x16xf32>
    %slice3A_6 = vector.extract_strided_slice %dot_general3A_5 {offsets = [1000, 0], sizes = [1000, 16], strides = [1, 1]} : vector<16000x16xf32> to vector<1000x16xf32>
    %slice3A_7 = vector.extract_strided_slice %dot_general3A_5 {offsets = [2000, 0], sizes = [1000, 16], strides = [1, 1]} : vector<16000x16xf32> to vector<1000x16xf32>
    %slice3A_8 = vector.extract_strided_slice %dot_general3A_5 {offsets = [3000, 0], sizes = [1000, 16], strides = [1, 1]} : vector<16000x16xf32> to vector<1000x16xf32>
    %slice3A_9 = vector.extract_strided_slice %dot_general3A_5 {offsets = [4000, 0], sizes = [1000, 16], strides = [1, 1]} : vector<16000x16xf32> to vector<1000x16xf32>
    %slice3A_10 = vector.extract_strided_slice %dot_general3A_5 {offsets = [5000, 0], sizes = [1000, 16], strides = [1, 1]} : vector<16000x16xf32> to vector<1000x16xf32>
    %slice3A_11 = vector.extract_strided_slice %dot_general3A_5 {offsets = [6000, 0], sizes = [1000, 16], strides = [1, 1]} : vector<16000x16xf32> to vector<1000x16xf32>
    %slice3A_12 = vector.extract_strided_slice %dot_general3A_5 {offsets = [7000, 0], sizes = [1000, 16], strides = [1, 1]} : vector<16000x16xf32> to vector<1000x16xf32>
    %concatenate3A = tpu.concatenate %slice3A, %slice3A_6, %slice3A_7, %slice3A_8, %slice3A_9, %slice3A_10, %slice3A_11, %slice3A_12 in 1 : vector<1000x16xf32>, vector<1000x16xf32>, vector<1000x16xf32>, vector<1000x16xf32>, vector<1000x16xf32>, vector<1000x16xf32>, vector<1000x16xf32>, vector<1000x16xf32> -> vector<1000x128xf32>
    %slice3A_13 = vector.extract_strided_slice %dot_general3A_5 {offsets = [8000, 0], sizes = [1000, 16], strides = [1, 1]} : vector<16000x16xf32> to vector<1000x16xf32>
    %slice3A_14 = vector.extract_strided_slice %dot_general3A_5 {offsets = [9000, 0], sizes = [1000, 16], strides = [1, 1]} : vector<16000x16xf32> to vector<1000x16xf32>
    %slice3A_15 = vector.extract_strided_slice %dot_general3A_5 {offsets = [10000, 0], sizes = [1000, 16], strides = [1, 1]} : vector<16000x16xf32> to vector<1000x16xf32>
    %slice3A_16 = vector.extract_strided_slice %dot_general3A_5 {offsets = [11000, 0], sizes = [1000, 16], strides = [1, 1]} : vector<16000x16xf32> to vector<1000x16xf32>
    %slice3A_17 = vector.extract_strided_slice %dot_general3A_5 {offsets = [12000, 0], sizes = [1000, 16], strides = [1, 1]} : vector<16000x16xf32> to vector<1000x16xf32>
    %slice3A_18 = vector.extract_strided_slice %dot_general3A_5 {offsets = [13000, 0], sizes = [1000, 16], strides = [1, 1]} : vector<16000x16xf32> to vector<1000x16xf32>
    %slice3A_19 = vector.extract_strided_slice %dot_general3A_5 {offsets = [14000, 0], sizes = [1000, 16], strides = [1, 1]} : vector<16000x16xf32> to vector<1000x16xf32>
    %slice3A_20 = vector.extract_strided_slice %dot_general3A_5 {offsets = [15000, 0], sizes = [1000, 16], strides = [1, 1]} : vector<16000x16xf32> to vector<1000x16xf32>
    %concatenate3A_21 = tpu.concatenate %slice3A_13, %slice3A_14, %slice3A_15, %slice3A_16, %slice3A_17, %slice3A_18, %slice3A_19, %slice3A_20 in 1 : vector<1000x16xf32>, vector<1000x16xf32>, vector<1000x16xf32>, vector<1000x16xf32>, vector<1000x16xf32>, vector<1000x16xf32>, vector<1000x16xf32>, vector<1000x16xf32> -> vector<1000x128xf32>
    %concatenate3A_22 = tpu.concatenate %concatenate3A, %concatenate3A_21 in 0 : vector<1000x128xf32>, vector<1000x128xf32> -> vector<2000x128xf32>
    %get3A_23 = arith.constant 0 : index
    %get3A_24 = arith.constant 0 : index
    %get3A_25 = vector.load %arg2[%get3A_23, %get3A_24] : memref<2000x128xf32, #tpu.memory_space<vmem>>, vector<2000x128xf32>
    %add3A = arith.addf %concatenate3A_22, %get3A_25 : vector<2000x128xf32>
    %max3A = arith.constant 0.000000e+00 : f32
    %max3A_26 = vector.broadcast %max3A : f32 to vector<2000x128xf32>
    %max3A_27 = arith.maximumf %add3A, %max3A_26 : vector<2000x128xf32>
    %get3A_28 = arith.constant 0 : index
    %get3A_29 = arith.constant 0 : index
    %get3A_30 = vector.load %arg4[%get3A_28, %get3A_29] : memref<128x128xf32, #tpu.memory_space<vmem>>, vector<128x128xf32>
    %dot_general3A_31 = arith.constant dense<0.000000e+00> : vector<2000x128xf32>
    %dot_general3A_32 = tpu.matmul %max3A_27, %get3A_30, %dot_general3A_31 {dimension_numbers = #tpu.dot_dimension_numbers<[1], [0], [0], [1], [0, 0, 1, 1], [], []>, transpose_lhs_hint = false} : vector<2000x128xf32>, vector<128x128xf32>, vector<2000x128xf32> -> vector<2000x128xf32>
    %get3A_33 = arith.constant 0 : index
    %get3A_34 = arith.constant 0 : index
    %get3A_35 = vector.load %arg5[%get3A_33, %get3A_34] : memref<1x128xf32, #tpu.memory_space<vmem>>, vector<1x128xf32>
    %add3A_36 = vector.broadcast %get3A_35 : vector<1x128xf32> to vector<2000x128xf32>
    %add3A_37 = arith.addf %dot_general3A_32, %add3A_36 : vector<2000x128xf32>
    %swap3A = arith.constant 0 : index
    %swap3A_38 = arith.constant 0 : index
    %swap3A_39 = vector.load %arg6[%swap3A, %swap3A_38] : memref<2000x128xf32, #tpu.memory_space<vmem>>, vector<2000x128xf32>
    tpu.vector_store %arg6[%swap3A, %swap3A_38], %add3A_37 {strides = array<i32>} : memref<2000x128xf32, #tpu.memory_space<vmem>>, vector<2000x128xf32>,
    return
  }
  func.func @transform_0(%arg0: i32) -> (i32, i32) {
    %c0_i32 = arith.constant 0 : i32
    %c0_i32_0 = arith.constant 0 : i32
    return %c0_i32, %arg0 : i32, i32
  }
  func.func @transform_1(%arg0: i32) -> (i32, i32) {
    %c0_i32 = arith.constant 0 : i32
    %c0_i32_0 = arith.constant 0 : i32
    return %arg0, %c0_i32 : i32, i32
  }
  func.func @transform_2(%arg0: i32) -> (i32, i32) {
    %c0_i32 = arith.constant 0 : i32
    %c0_i32_0 = arith.constant 0 : i32
    %c0_i32_1 = arith.constant 0 : i32
    return %c0_i32, %c0_i32_0 : i32, i32
  }
  func.func @transform_3(%arg0: i32) -> (i32, i32) {
    %c0_i32 = arith.constant 0 : i32
    %c0_i32_0 = arith.constant 0 : i32
    %c0_i32_1 = arith.constant 0 : i32
    return %c0_i32, %c0_i32_0 : i32, i32
  }
  func.func @transform_4(%arg0: i32) -> (i32, i32) {
    %c0_i32 = arith.constant 0 : i32
    %c0_i32_0 = arith.constant 0 : i32
    %c0_i32_1 = arith.constant 0 : i32
    return %c0_i32, %c0_i32_0 : i32, i32
  }
  func.func @transform_5(%arg0: i32) -> (i32, i32) {
    %c0_i32 = arith.constant 0 : i32
    %c0_i32_0 = arith.constant 0 : i32
    return %arg0, %c0_i32 : i32, i32
  }
}

module attributes {stable_mosaic.version = 14 : i64} {
  func.func @_update_body(%arg0: i32, %arg1: memref<1x625x1024xf32, #tpu.memory_space<vmem>>, %arg2: memref<1x16x625x128xf32, #tpu.memory_space<vmem>>, %arg3: memref<1024x128xf32, #tpu.memory_space<vmem>>, %arg4: memref<128x128xf32, #tpu.memory_space<vmem>>, %arg5: memref<1x128xf32, #tpu.memory_space<vmem>>, %arg6: memref<128x1024xf32, #tpu.memory_space<vmem>>, %arg7: memref<1x1024xf32, #tpu.memory_space<vmem>>, %arg8: memref<1x625x1024xf32, #tpu.memory_space<vmem>>) attributes {dimension_semantics = [#tpu.dimension_semantics<arbitrary>], iteration_bounds = array<i64: 2>, scalar_prefetch = 0 : i64, scratch_operands = 0 : i64, tpu.core_type = #tpu.core_type<tc>, window_params = [{transform_indices = @transform_0, window_bounds = array<i64: 1, 625, 1024>}, {transform_indices = @transform_1, window_bounds = array<i64: 1, 16, 625, 128>}, {pipeline_mode = #tpu.pipeline_mode<synchronous>, transform_indices = @transform_2, window_bounds = array<i64: 1024, 128>}, {pipeline_mode = #tpu.pipeline_mode<synchronous>, transform_indices = @transform_3, window_bounds = array<i64: 128, 128>}, {pipeline_mode = #tpu.pipeline_mode<synchronous>, transform_indices = @transform_4, window_bounds = array<i64: 1, 128>}, {pipeline_mode = #tpu.pipeline_mode<synchronous>, transform_indices = @transform_5, window_bounds = array<i64: 128, 1024>}, {pipeline_mode = #tpu.pipeline_mode<synchronous>, transform_indices = @transform_6, window_bounds = array<i64: 1, 1024>}, {transform_indices = @transform_7, window_bounds = array<i64: 1, 625, 1024>}]} {
    %get3A = arith.constant 0 : index
    %get3A_0 = arith.constant 0 : index
    %get3A_1 = arith.constant 0 : index
    %get3A_2 = arith.constant 0 : index
    %get3A_3 = vector.load %arg2[%get3A, %get3A_0, %get3A_1, %get3A_2] : memref<1x16x625x128xf32, #tpu.memory_space<vmem>>, vector<1x16x625x128xf32>
    %get3A_4 = vector.shape_cast %get3A_3 : vector<1x16x625x128xf32> to vector<16x625x128xf32>
    %reduce_max3A = arith.constant dense<0xFF800000> : vector<625x128xf32>
    %reduce_max3A_5 = vector.multi_reduction <maximumf>, %get3A_4, %reduce_max3A [0] : vector<16x625x128xf32> to vector<625x128xf32>
    %is_finite3A = tpu.weird %reduce_max3A_5 : vector<625x128xf32> -> vector<625x128xi1>
    %is_finite3A_6 = arith.constant dense<true> : vector<625x128xi1>
    %is_finite3A_7 = arith.xori %is_finite3A, %is_finite3A_6 : vector<625x128xi1>
    %jit3A = arith.constant 0.000000e+00 : f32
    %broadcast_in_dim3A = vector.broadcast %jit3A : f32 to vector<625x128xf32>
    %select_n3A = arith.select %is_finite3A_7, %reduce_max3A_5, %broadcast_in_dim3A : vector<625x128xi1>, vector<625x128xf32>
    %get3A_8 = arith.constant 0 : index
    %get3A_9 = arith.constant 0 : index
    %get3A_10 = arith.constant 0 : index
    %get3A_11 = vector.load %arg1[%get3A_8, %get3A_9, %get3A_10] : memref<1x625x1024xf32, #tpu.memory_space<vmem>>, vector<1x625x1024xf32>
    %get3A_12 = vector.shape_cast %get3A_11 : vector<1x625x1024xf32> to vector<625x1024xf32>
    %get3A_13 = arith.constant 0 : index
    %get3A_14 = arith.constant 0 : index
    %get3A_15 = vector.load %arg3[%get3A_13, %get3A_14] : memref<1024x128xf32, #tpu.memory_space<vmem>>, vector<1024x128xf32>
    %dot_general3A = arith.constant dense<0.000000e+00> : vector<625x128xf32>
    %dot_general3A_16 = tpu.matmul %get3A_12, %get3A_15, %dot_general3A {dimension_numbers = #tpu.dot_dimension_numbers<[1], [0], [0], [1], [0, 0, 1, 1], [], []>, transpose_lhs_hint = false} : vector<625x1024xf32>, vector<1024x128xf32>, vector<625x128xf32> -> vector<625x128xf32>
    %get3A_17 = arith.constant 0 : index
    %get3A_18 = arith.constant 0 : index
    %get3A_19 = vector.load %arg4[%get3A_17, %get3A_18] : memref<128x128xf32, #tpu.memory_space<vmem>>, vector<128x128xf32>
    %dot_general3A_20 = arith.constant dense<0.000000e+00> : vector<625x128xf32>
    %dot_general3A_21 = tpu.matmul %select_n3A, %get3A_19, %dot_general3A_20 {dimension_numbers = #tpu.dot_dimension_numbers<[1], [0], [0], [1], [0, 0, 1, 1], [], []>, transpose_lhs_hint = false} : vector<625x128xf32>, vector<128x128xf32>, vector<625x128xf32> -> vector<625x128xf32>
    %add3A = arith.addf %dot_general3A_16, %dot_general3A_21 : vector<625x128xf32>
    %get3A_22 = arith.constant 0 : index
    %get3A_23 = arith.constant 0 : index
    %get3A_24 = vector.load %arg5[%get3A_22, %get3A_23] : memref<1x128xf32, #tpu.memory_space<vmem>>, vector<1x128xf32>
    %add3A_25 = vector.broadcast %get3A_24 : vector<1x128xf32> to vector<625x128xf32>
    %add3A_26 = arith.addf %add3A, %add3A_25 : vector<625x128xf32>
    %max3A = arith.constant 0.000000e+00 : f32
    %max3A_27 = vector.broadcast %max3A : f32 to vector<625x128xf32>
    %max3A_28 = arith.maximumf %add3A_26, %max3A_27 : vector<625x128xf32>
    %get3A_29 = arith.constant 0 : index
    %get3A_30 = arith.constant 0 : index
    %get3A_31 = vector.load %arg6[%get3A_29, %get3A_30] : memref<128x1024xf32, #tpu.memory_space<vmem>>, vector<128x1024xf32>
    %dot_general3A_32 = arith.constant dense<0.000000e+00> : vector<625x1024xf32>
    %dot_general3A_33 = tpu.matmul %max3A_28, %get3A_31, %dot_general3A_32 {dimension_numbers = #tpu.dot_dimension_numbers<[1], [0], [0], [1], [0, 0, 1, 1], [], []>, transpose_lhs_hint = false} : vector<625x128xf32>, vector<128x1024xf32>, vector<625x1024xf32> -> vector<625x1024xf32>
    %get3A_34 = arith.constant 0 : index
    %get3A_35 = arith.constant 0 : index
    %get3A_36 = vector.load %arg7[%get3A_34, %get3A_35] : memref<1x1024xf32, #tpu.memory_space<vmem>>, vector<1x1024xf32>
    %add3A_37 = vector.broadcast %get3A_36 : vector<1x1024xf32> to vector<625x1024xf32>
    %add3A_38 = arith.addf %dot_general3A_33, %add3A_37 : vector<625x1024xf32>
    %swap3A = arith.constant 0 : index
    %swap3A_39 = arith.constant 0 : index
    %swap3A_40 = arith.constant 0 : index
    %swap3A_41 = vector.load %arg8[%swap3A, %swap3A_39, %swap3A_40] : memref<1x625x1024xf32, #tpu.memory_space<vmem>>, vector<1x625x1024xf32>
    %swap3A_42 = vector.shape_cast %swap3A_41 : vector<1x625x1024xf32> to vector<625x1024xf32>
    %swap3A_43 = vector.shape_cast %add3A_38 : vector<625x1024xf32> to vector<1x625x1024xf32>
    tpu.vector_store %arg8[%swap3A, %swap3A_39, %swap3A_40], %swap3A_43 {strides = array<i32>} : memref<1x625x1024xf32, #tpu.memory_space<vmem>>, vector<1x625x1024xf32>,
    return
  }
  func.func @transform_0(%arg0: i32) -> (i32, i32, i32) {
    %c0_i32 = arith.constant 0 : i32
    %c0_i32_0 = arith.constant 0 : i32
    %c0_i32_1 = arith.constant 0 : i32
    return %arg0, %c0_i32, %c0_i32_0 : i32, i32, i32
  }
  func.func @transform_1(%arg0: i32) -> (i32, i32, i32, i32) {
    %c0_i32 = arith.constant 0 : i32
    %c0_i32_0 = arith.constant 0 : i32
    %c0_i32_1 = arith.constant 0 : i32
    %c0_i32_2 = arith.constant 0 : i32
    return %arg0, %c0_i32, %c0_i32_0, %c0_i32_1 : i32, i32, i32, i32
  }
  func.func @transform_2(%arg0: i32) -> (i32, i32) {
    %c0_i32 = arith.constant 0 : i32
    %c0_i32_0 = arith.constant 0 : i32
    %c0_i32_1 = arith.constant 0 : i32
    return %c0_i32, %c0_i32_0 : i32, i32
  }
  func.func @transform_3(%arg0: i32) -> (i32, i32) {
    %c0_i32 = arith.constant 0 : i32
    %c0_i32_0 = arith.constant 0 : i32
    %c0_i32_1 = arith.constant 0 : i32
    return %c0_i32, %c0_i32_0 : i32, i32
  }
  func.func @transform_4(%arg0: i32) -> (i32, i32) {
    %c0_i32 = arith.constant 0 : i32
    %c0_i32_0 = arith.constant 0 : i32
    %c0_i32_1 = arith.constant 0 : i32
    return %c0_i32, %c0_i32_0 : i32, i32
  }
  func.func @transform_5(%arg0: i32) -> (i32, i32) {
    %c0_i32 = arith.constant 0 : i32
    %c0_i32_0 = arith.constant 0 : i32
    %c0_i32_1 = arith.constant 0 : i32
    return %c0_i32, %c0_i32_0 : i32, i32
  }
  func.func @transform_6(%arg0: i32) -> (i32, i32) {
    %c0_i32 = arith.constant 0 : i32
    %c0_i32_0 = arith.constant 0 : i32
    %c0_i32_1 = arith.constant 0 : i32
    return %c0_i32, %c0_i32_0 : i32, i32
  }
  func.func @transform_7(%arg0: i32) -> (i32, i32, i32) {
    %c0_i32 = arith.constant 0 : i32
    %c0_i32_0 = arith.constant 0 : i32
    %c0_i32_1 = arith.constant 0 : i32
    return %arg0, %c0_i32, %c0_i32_0 : i32, i32, i32
  }
}

</mosaic_0001>

<sc_bundles>
// kernel: kernel.10.cloned.1.call-start
scs
__scs_entry_jumppad:
0x0: {  	(pc) =	sbr.rel $0x88, $3  }
0x1: {  	(tag) =	ssettag $0x0;
	lr =	simm.s32 $0x1  }
0x2: {  	[smem:$0x3F96] =	sst lr;
	_ =	strace $0xD0000000  }
0x3: {  	_ = 	snop  }
0x4: {  	_ = 	snop  }
0x5: {  	_ = 	snop  }
0x6: {  	_ = 	snop  }
0x7: {  	_ = 	snop  }
__scs_overlays_trampoline_lowered:
0x8: {  	[smem:$0x3FA5] =	sst s0  }
0x9: {  	[smem:$0x3FA6] =	sst s1  }
0xa: {  	[smem:$0x3FA7] =	sst s2  }
0xb: {  	[smem:$0x3FA8] =	sst s3  }
0xc: {  	[smem:$0x3FA9] =	sst s4  }
0xd: {  	[smem:$0x3FAA] =	sst s5  }
0xe: {  	[smem:$0x3FAB] =	sst s6  }
0xf: {  	[smem:$0x3FAC] =	sst s7  }
0x10: {  	[smem:$0x3FAD] =	sst s8  }
0x11: {  	[smem:$0x3FAE] =	sst s9;
	s0 =	simm.s32 @!p0 $0x0  }
0x12: {  	s1 =	sld [smem:$0x3F94];
	s0 =	simm.s32 @p0 $0x1  }
0x13: {  	[smem:$0x3FAF] =	sst s0;
	s0 =	simm.s32 @!p1 $0x0  }
0x14: {  	s2 =	sld [smem:$0x3F93];
	s0 =	simm.s32 @p1 $0x1  }
0x15: {  	[smem:$0x3FB0] =	sst s0;
	s0 =	simm.s32 @!p2 $0x0  }
0x16: {  	s3 =	sld [smem:$0x3FDB];
	s0 =	simm.s32 @p2 $0x1  }
0x17: {  	s4 =	simm.s32 $0x1BF5;
	[smem:$0x3FB2] =	sst s0  }
0x18: {  	s0 =	sld [smem:$0x3F95];
	_ =	swait.ge [sflag:s4], $0x0  }
0x19: {  	s7 =	sld [smem:$0x3F96]  }
0x1a: {  	s8 =	sadd.s32 $0xFFFFE003, lr  }
0x1b: {  	s9 =	sadd.s32 $0xFFFFFEF7, lr;
	s5 =	simm.s32 $0xFFFFFFFF;
	p2 =	slt.u32 s8, $0xFFFFF086  }
0x1c: {  	p1 =	slt.u32 s9, $0xF7A;
	s5 =	simm.s32 @!p2 $0x0  }
0x1d: {  	s5 =	simm.s32 @p1 $0x1;
	p0 =	seq.s32 s7, s2  }
0x1e: {  	s7 =	smul.u32 @!p0 $0xF7A, s2;
	p2 =	seq.s32 @!p0 s5, $0x0  }
0x1f: {  	s9 =	smul.u32 $0xF7A, s1;
	s8 =	simm.s32 @!p0 $0x1BF5;
	p2 =	por !p2, p0  }
0x20: {  	[sflag:s8] =	ssyncset.s32 @!p0 $0xFFFFF086;
	s6 =	sadd.s32 @!p0 s3, s7;
	s7 =	simm.s32 @!p0 $0x108  }
0x21: {  	s3 =	sadd.s32 s3, s9;
	s6 =	sadd.s32 @!p0 $0x88, s6;
	s7 =	simm.s32 @p2 $0x1082  }
0x22: {  	[simem:s7], [sflag:s8] =	dma.local @!p0 [hbm:s6], $0xF7A  }
0x23: {  	s9 =	sor.u32 $0xD0000000, s2;
	s6 =	simm.s32 $0x108;
	_ =	swait.ge @!p0 [sflag:s8], $0x0  }
0x24: {  	s3 =	sadd.s32 $0x88, s3;
	s6 =	simm.s32 @!p1 $0x1082;
	[sflag:s4] =	ssyncset.s32 $0xFFFFF086  }
0x25: {  	[simem:s6], [sflag:s4] =	dma.local [hbm:s3], $0xF7A  }
0x26: {  	[smem:$0x3F96] =	sst s1;
	(tag) =	ssettag s2;
	_ =	strace s9  }
0x27: {  	s1 =	sld [smem:$0x3FA6]  }
0x28: {  	s2 =	sld [smem:$0x3FA7]  }
0x29: {  	s4 =	sld [smem:$0x3FA9]  }
0x2a: {  	p0 =	seq.s32 s5, $0x0;
	s5 =	sld [smem:$0x3FAA]  }
0x2b: {  	s6 =	sld [smem:$0x3FAB]  }
0x2c: {  	s7 =	sld [smem:$0x3FAC]  }
0x2d: {  	s3 =	simm.s32 $0x108;
	s8 =	sld [smem:$0x3FAD]  }
0x2e: {  	s3 =	simm.s32 @!p0 $0x1082;
	s9 =	sld [smem:$0x3FAE]  }
0x2f: {  	lr =	sadd.s32 s0, s3;
	s0 =	sld [smem:$0x3FA5]  }
0x30: {  	s3 =	sld [smem:$0x3FA8]  }
0x31: {  	[smem:$0x3FB1] =	sst s10  }
0x32: {  	s10 =	sld [smem:$0x3FAF];
	_ =	sdelay $0x3  }
0x33: {  	p0 =	seq.s32 s10, $0x1;
	s10 =	sld [smem:$0x3FB1];
	_ =	sdelay $0x3  }
0x34: {  	[smem:$0x3FB1] =	sst s10  }
0x35: {  	s10 =	sld [smem:$0x3FB0];
	_ =	sdelay $0x3  }
0x36: {  	p1 =	seq.s32 s10, $0x1;
	s10 =	sld [smem:$0x3FB1];
	_ =	sdelay $0x3  }
0x37: {  	[smem:$0x3FB1] =	sst s10  }
0x38: {  	s10 =	sld [smem:$0x3FB2]  }
0x39: {  	_ = 	snop;
	(pc) =	sbr.ind lr, $3  }
0x3a: {  	_ = 	snop  }
0x3b: {  	_ = 	snop  }
0x3c: {  	p2 =	seq.s32 s10, $0x1;
	s10 =	sld [smem:$0x3FB1]  }
0x3d: {  	_ =	shalt  }
0x3e: {  	_ =	shalt  }
0x3f: {  	_ =	shalt  }
0x40: {  	_ =	shalt  }
0x41: {  	_ =	shalt  }
0x42: {  	_ =	shalt  }
0x43: {  	_ =	shalt  }
0x44: {  	_ =	shalt  }
0x45: {  	_ =	shalt  }
0x46: {  	_ =	shalt  }
0x47: {  	_ =	shalt  }
0x48: {  	_ =	shalt  }
0x49: {  	_ =	shalt  }
0x4a: {  	_ =	shalt  }
0x4b: {  	_ =	shalt  }
0x4c: {  	_ =	shalt  }
0x4d: {  	_ =	shalt  }
0x4e: {  	_ =	shalt  }
0x4f: {  	_ =	shalt  }
0x50: {  	_ =	shalt  }
0x51: {  	_ =	shalt  }
0x52: {  	_ =	shalt  }
0x53: {  	_ =	shalt  }
0x54: {  	_ =	shalt  }
0x55: {  	_ =	shalt  }
0x56: {  	_ =	shalt  }
0x57: {  	_ =	shalt  }
0x58: {  	_ =	shalt  }
0x59: {  	_ =	shalt  }
0x5a: {  	_ =	shalt  }
0x5b: {  	_ =	shalt  }
0x5c: {  	_ =	shalt  }
0x5d: {  	_ =	shalt  }
0x5e: {  	_ =	shalt  }
0x5f: {  	_ =	shalt  }
0x60: {  	_ =	shalt  }
0x61: {  	_ =	shalt  }
0x62: {  	_ =	shalt  }
0x63: {  	_ =	shalt  }
0x64: {  	_ =	shalt  }
0x65: {  	_ =	shalt  }
0x66: {  	_ =	shalt  }
0x67: {  	_ =	shalt  }
0x68: {  	_ =	shalt  }
0x69: {  	_ =	shalt  }
0x6a: {  	_ =	shalt  }
0x6b: {  	_ =	shalt  }
0x6c: {  	_ =	shalt  }
0x6d: {  	_ =	shalt  }
0x6e: {  	_ =	shalt  }
0x6f: {  	_ =	shalt  }
0x70: {  	_ =	shalt  }
0x71: {  	_ =	shalt  }
0x72: {  	_ =	shalt  }
0x73: {  	_ =	shalt  }
0x74: {  	_ =	shalt  }
0x75: {  	_ =	shalt  }
0x76: {  	_ =	shalt  }
0x77: {  	_ =	shalt  }
0x78: {  	_ =	shalt  }
0x79: {  	_ =	shalt  }
0x7a: {  	_ =	shalt  }
0x7b: {  	_ =	shalt  }
0x7c: {  	_ =	shalt  }
0x7d: {  	_ =	shalt  }
0x7e: {  	_ =	shalt  }
0x7f: {  	_ =	shalt  }
0x80: {  	_ =	shalt  }
0x81: {  	_ =	shalt  }
0x82: {  	_ =	shalt  }
0x83: {  	_ =	shalt  }
0x84: {  	_ =	shalt  }
0x85: {  	_ =	shalt  }
0x86: {  	_ =	shalt  }
0x87: {  	_ =	shalt  }
.Lfunc_end0:
.L_simem_size_0:
called_computation.1_lowered:
.L_overlay_start_0:
0x88: {  	s2 =	sld [smem:$0x3FD9]  }
0x89: {  	s3 =	sld [smem:$0x3FFE];
	_ =	sdelay $0x1  }
0x8a: {  	s1 =	srdreg.scid  }
0x8b: {  	s0 =	sand.u32 $0x1, s1  }
0x8c: {  	s17 =	sshll.u32 s0, $0xA;
	s2 =	sadd.s32 s3, s2  }
0x8d: {  	s2 =	sadd.s32 s2, s17  }
0x8e: {  	[smem:$0x3FBD] =	sst s2  }
0x8f: {  	_ = 	snop  }
0x90: {  	s2 =	sld [smem:$0x3FD0];
	(tm) =	ssettm $0x1  }
0x91: {  	s18 =	sld [smem:$0x3FFB];
	_ =	sdelay $0x3  }
0x92: {  	_ =	strace s18  }
0x93: {  	s3 =	sld [smem:$0x3FFC];
	_ =	sdelay $0x3  }
0x94: {  	_ =	strace s3  }
0x95: {  	s3 =	sld [smem:$0x3FFD];
	_ =	sdelay $0x3  }
0x96: {  	_ =	strace s3  }
0x97: {  	_ =	strace $0x8FFFFFFF  }
0x98: {  	s19 =	sld [smem:$0x3FDB];
	_ =	sdelay $0x1  }
0x99: {  	s4 =	simm.s32 $_scs_section_size  }
0x9a: {  	s5 =	simm.s32 $_size__tile_overlayer_lowered;
	s6 =	simm.s32 $_tile_overlayer_lowered  }
0x9b: {  	s22 =	simm.s32 $0x1BFF;
	s21 =	sshll.u32 s6, $0x1;
	s3 =	sadd.s32 s4, s19  }
0x9c: {  	s7 =	simm.s32 $0x0;
	s20 =	sshll.u32 s5, $0x1;
	s5 =	sadd.s32 s21, s3  }
0x9d: {  	[timem:s7], [sflag:s22] =	dma.local [hbm:s5], s20  }
0x9e: {  	_ =	swait.ge [sflag:s22], s20  }
0x9f: {  	s4 =	ssub.s32 $0x0, s20;
	[sflag:s22] =	ssyncset.done $0x0  }
0xa0: {  	[sflag:s22] =	ssyncadd.s32 s4;
	_ =	sdelay $0x1  }
0xa1: {  	s23 =	simm.s32 $0x1B8B  }
0xa2: {  	_ =	swait.ge [sflag:s23], $0x1  }
0xa3: {  	[sflag:s23] =	ssyncset.done $0x0  }
0xa4: {  	s25 =	simm.s32 $0x1B8E;
	s24 =	sld [smem:$0x3FFE];
	[sflag:s23] =	ssyncadd.s32 $0xFFFFFFFF  }
0xa5: {  	s26 =	simm.s32 $execute0_lowered;
	[smem:$0x3FD2] =	sst s25  }
0xa6: {  	s5 =	sshll.u32 s26, $0x1;
	_ =	strace $0x80000049;
	[dreg:$0x1] =	wrdreg $0xFFFFFFFF  }
0xa7: {  	s28 =	simm.s32 $_size_execute0_lowered;
	s3 =	sadd.s32 s3, s5;
	[dreg:$0x0] =	wrdreg $0x0  }
0xa8: {  	s5 =	sshll.u32 s28, $0x1;
	[dreg:$0x2] =	wrdreg s3  }
0xa9: {  	[dreg:$0x3] =	wrdreg s5  }
0xaa: {  	[dreg:$0x4] =	wrdreg $0xC0  }
0xab: {  	_ =	task [dreg:s7], $0x5FFFF  }
0xac: {  	[dreg:$0x1] =	wrdreg $0xFFFFFFFF  }
0xad: {  	[dreg:$0x0] =	wrdreg $0x60  }
0xae: {  	[dreg:$0x2] =	wrdreg s24  }
0xaf: {  	[dreg:$0x3] =	wrdreg s2  }
0xb0: {  	[dreg:$0x4] =	wrdreg $0x9  }
0xb1: {  	_ =	task.clear_ibuf [dreg:s7], $0x5FFFF;
	_ =	strace $0x90000049  }
0xb2: {  	s29 =	simm.s32 $0x9;
	_ =	strace $0x8000004B  }
0xb3: {  	_ =	swait.ge [sflag:s29], $0x1  }
0xb4: {  	[sflag:s29] =	ssyncadd.s32 $0xFFFFFFFF  }
0xb5: {  	_ =	strace $0x9000004B  }
0xb6: {  	_ =	sfence  }
0xb7: {  	s30 =	sld [smem:$0x0];
	_ =	sdelay $0x2  }
0xb8: {  	s31 =	sshll.u32 s1, $0xD;
	s1 =	sshrl.u32 s1, $0x2  }
0xb9: {  	s3 =	sand.u32 $0x4000, s31;
	s1 =	sadd.s32 s1, s30  }
0xba: {  	s0 =	sor.u32 s3, s0;
	s1 =	sshll.u32 s1, $0x11  }
0xbb: {  	s0 =	sor.u32 s1, s0  }
0xbc: {  	s0 =	sadd.s32 $0x8F2B, s0  }
0xbd: {  	[sflag:s0] =	ssyncadd.remote.s32 $0x1  }
0xbe: {  	_ =	sfence.sel $0xFFFF  }
0xbf: {  	[dreg:$0x0] =	wrdreg $0xFFFFFFFF;
	(pc) =	sbr.abs _section_cstart, $3  }
0xc0: {  	[dreg:$0x1] =	wrdreg $0xFFFFFFFF  }
0xc1: {  	_ =	task.clear_ibuf [dreg:s7], $0x2FFFF;
	_ =	strace $0x9FFFFFFF  }
0xc2: {  	(tm) =	ssettm $0x7FFFFFFF  }
0xc3: {  	_ =	shalt  }
tec
execute0_lowered:
.L_overlay_start_1:
0x0: {  	(tag) =	ssettag $0x1  }
0x1: {  	s0 =	srdreg.scid  }
0x2: {  	s2 =	stileid.u32;
	s0 =	sand.u32 $0x1, s0  }
0x3: {  	s1 =	sor.u32 s0, s2  }
0x4: {  	p1 =	seq.s32 s0, $0x1;
	p0 =	seq.s32 s1, $0x0  }
0x5: {  	p0 =	por !p0, !p1  }
0x6: {  	s1 =	simm.s32 $0x1;
	p0 =	por !p0, !p0  }
0x7: {  	s1 =	simm.s32 @!p0 $0x0  }
0x8: {  	s6 =	rddreg [dreg:$0x0];
	s1 =	ssub.s32 s2, s1  }
0x9: {  	s13 =	simm.s32 $0x10;
	s14 =	simm.s32 $0x80;
	s3 =	smul.u32 $0x14, s1  }
0xa: {  	s15 =	simm.s32 $0x14060;
	s16 =	simm.s32 $0x13C78;
	s17 =	simm.s32 $0x17EE0  }
0xb: {  	s18 =	simm.s32 $0x2;
	s8 =	smul.u32 $0x138800, s0;
	s25 =	sand.u32 $0xE000, s3  }
0xc: {  	s28 =	smul.u32 $0xFFFFEC78, s0;
	s0 =	ssub.s32 $0x2, s0;
	s2 =	sshrl.u32 s25, $0xD  }
0xd: {  	s21 =	simm.s32 $0x0;
	s29 =	sshrl.u32 s0, $0x1;
	s4 =	sadd.s32 s2, s3  }
0xe: {  	s0 =	ssub.s32 s0, s29;
	s9 =	smul.u32 $0x13880, s1;
	s5 =	sand.u32 $0xFFFFFFF8, s4  }
0xf: {  	p5 =	slt.s32 s1, $0x1;
	s1 =	smul.u32 $0x4E20, s1;
	s7 =	ssub.s32 s3, s5  }
0x10: {  	s0 =	smax.u32 s0, $0x1;
	s8 =	sadd.s32 s8, s9;
	p6 =	sne.s32 s7, $0x0  }
0x11: {  	s30 =	sshrl.u32 s1, $0x3;
	s8 =	sshrl.u32 s8, $0x3;
	p0 =	por !p5, !p6  }
0x12: {  	s2 =	rddreg [dreg:$0x1];
	s5 =	simm.s32 $0x1;
	p0 =	por !p0, !p0  }
0x13: {  	s10 =	sshrl.u32 s4, $0x3;
	s4 =	sadd.s32 $0x2600, s6;
	s5 =	simm.s32 @!p0 $0x0  }
0x14: {  	v1 =	vimm.f32 $-Inf;
	s6 =	sadd.s32 s8, s6;
	s8 =	sadd.s32 s2, s30;
	s10 =	ssub.s32 s10, s5  }
0x15: {  	v2 =	vimm.s32 $0x4;
	v3 =	vimm.s32 $0x0;
	v4 =	vlaneseq.u32;
	s3 =	simm.s32 $0x0;
	s7 =	sshll.u32 s7, $0x4;
	s26 =	smul.u32 $0x1F400, s10  }
0x16: {  	v5 =	vimm.s32 $0x1;
	v6 =	vimm.s32 $0x2;
	v7 =	vimm.s32 $0x3;
	s31 =	sadd.s32 $0x9EA00, s6;
	[smem:$0x7FF] =	sst s3;
	s7 =	sand.u32 $0x40, s7  }
0x17: {  	v8 =	vimm.s32 $0x5;
	v9 =	vimm.s32 $0x6;
	v10 =	vimm.s32 $0x7;
	_ =	strace $0x8000004A;
	[dreg:$0x3] =	wrdreg s8;
	s7 =	sor.u32 s7, s26  }
0x18: {  	v11 =	vimm.s32 $0x8;
	v12 =	vimm.s32 $0x9;
	v13 =	vimm.s32 $0xA;
	s9 =	sadd.s32 $0x7D0, s1;
	[dreg:$0x5] =	wrdreg s31;
	s7 =	sshrl.u32 s7, $0x3  }
0x19: {  	v14 =	vimm.s32 $0xB;
	v15 =	vimm.s32 $0xC;
	v16 =	vimm.s32 $0xD;
	s6 =	simm.s32 $0x0;
	[dreg:$0x6] =	wrdreg s0;
	s7 =	sadd.s32 s4, s7  }
0x1a: {  	v17 =	vimm.s32 $0xE;
	v18 =	vimm.s32 $0xF;
	v0 =	vmov s28;
	s8 =	sadd.s32 $0x3E8, s1;
	s5 =	simm.s32 $0x1;
	[dreg:$0x4] =	wrdreg s7  }
.LBB2_1:
0x1b: {  	[dreg:$0x7] =	wrdreg s6;
	s0 =	simm.s32 $0x40;
	s1 =	simm.s32 $0x0  }
.LBB2_2:
0x1c: {  	p0 =	sne.s32 s0, $0x4E200;
	[tilespmem:s1+$0x0] =	vst v1;
	s1 =	smov.u32 s0;
	s0 =	sadd.s32 $0x40, s0  }
.Ltmp0:
0x1d: {  	(pc) =	sbr.rel @p0 .LBB2_2-.Ltmp0, $2  }
0x1e: {  	_ =	sdelay $0x2  }
0x1f: {  	s1 =	sshra.s32 s1, $0x2  }
0x20: {  	[tilespmem:s1+$0x0] =	vst v1;
	s0 =	rddreg [dreg:$0x3];
	s30 =	simm.s32 $0x13890  }
0x21: {  	[tilespmem:s30], [sflag:$0x1] =	stream.linear.gather [hbm4b:s0+s21], $0x3E8, $0x38;
	[tilespmem:$0x1BD60] =	vst v63  }
0x22: {  	s31 =	rddreg [dreg:$0x4];
	s22 =	simm.s32 $0x0  }
0x23: {  	[tilespmem:s15], [sflag:$0x1] =	stream.strided.gather [hbm4b:s31+s13], $0x3E80, s14, s13, $0x38;
	[tilespmem:$0x1BD60] =	vst v63  }
.LBB2_4:
0x24: {  	s23 =	smul.u32 $0x7D0, s22;
	_ =	sdelay $0x1  }
0x25: {  	s0 =	sadd.s32 s23, s8  }
0x26: {  	s1 =	sshrl.u32 s0, $0x3;
	s6 =	smulhi.u32 $0x10624DD3, s0;
	s7 =	sshra.s32 s0, $0x1F  }
0x27: {  	s1 =	sadd.s32 s2, s1;
	s7 =	smul.u32 $0x10624DD3, s7  }
0x28: {  	[tilespmem:s16], [sflag:$0x2] =	stream.linear.gather [hbm4b:s1+s21], $0x3E8, $0x38;
	[tilespmem:$0x1BD60] =	vst v63  }
0x29: {  	s29 =	sadd.s32 s7, s6  }
0x2a: {  	s6 =	sshrl.u32 s29, $0x1F;
	s1 =	sshra.s32 s29, $0x6  }
0x2b: {  	s1 =	sadd.s32 s6, s1  }
0x2c: {  	s6 =	smul.u32 $0xFFFFFC18, s1  }
0x2d: {  	s30 =	ssub.s32 $0x0, s0  }
0x2e: {  	p0 =	slt.s32 s0, $0x0;
	p1 =	sne.s32 s6, s30  }
0x2f: {  	p0 =	por !p0, !p1  }
0x30: {  	s0 =	simm.s32 $0x1;
	p0 =	por !p0, !p0  }
0x31: {  	s0 =	simm.s32 @!p0 $0x0  }
0x32: {  	s0 =	ssub.s32 s1, s0  }
0x33: {  	s1 =	sshrl.u32 s0, $0x1D  }
0x34: {  	s1 =	sadd.s32 s1, s0  }
0x35: {  	s31 =	sand.u32 $0xFFFFFFF8, s1  }
0x36: {  	p5 =	slt.s32 s0, $0x1;
	p6 =	sne.s32 s0, s31  }
0x37: {  	p0 =	por !p5, !p6  }
0x38: {  	s6 =	simm.s32 $0x1;
	p0 =	por !p0, !p0  }
0x39: {  	s1 =	sshrl.u32 s1, $0x3;
	s6 =	simm.s32 @!p0 $0x0  }
0x3a: {  	s0 =	sshll.u32 s0, $0x4;
	s1 =	ssub.s32 s1, s6  }
0x3b: {  	s0 =	sadd.s32 $0x80, s0;
	s1 =	smul.u32 $0x1F400, s1  }
0x3c: {  	s0 =	sand.u32 $0x70, s0  }
0x3d: {  	s0 =	sor.u32 s0, s1  }
0x3e: {  	s0 =	sshrl.u32 s0, $0x3  }
0x3f: {  	s0 =	sadd.s32 s4, s0  }
0x40: {  	[tilespmem:s17], [sflag:$0x2] =	stream.strided.gather [hbm4b:s0+s13], $0x3E80, s14, s13, $0x38;
	[tilespmem:$0x1BD60] =	vst v63  }
0x41: {  	_ =	swait.ge [sflag:s5], $0x3E8  }
0x42: {  	[sflag:s5] =	ssyncset.done $0x0  }
0x43: {  	[sflag:s5] =	ssyncadd.s32 $0xFFFFFC18  }
0x44: {  	_ =	swait.ge [sflag:s5], $0x3E80  }
0x45: {  	[sflag:s5] =	ssyncset.done $0x0  }
0x46: {  	s1 =	smin.u32 s21, $0x3D8;
	[sflag:s5] =	ssyncadd.s32 $0xFFFFC180  }
0x47: {  	v19 =	vld [tilespmem:s1+$0x13890];
	_ =	sdelay $0x4  }
0x48: {  	v19 =	vadd.s32 v0, v19  }
0x49: {  	v19 =	vmin.u32 v19, $0x1388  }
0x4a: {  	v19 =	vshll.u32 v19, $0x4  }
0x4b: {  	s0 =	sshll.u32 s1, $0x4;
	v20 =	vperm.xlane v19, v3  }
0x4c: {  	v21 =	vor.u32 s0, v4  }
0x4d: {  	v20 =	vadd.s32 v4, v20;
	_ =	sdelay $0x3  }
0x4e: {  	v21 =	vld.idx.msk [tilespmem:v21+s15+$0x0], $0xffff  }
0x4f: {  	v22 =	vld.idx.msk [tilespmem:v20+s3+$0x0], $0xffff  }
0x50: {  	s6 =	sor.u32 $0x10, s0;
	v23 =	vperm.xlane v19, v5  }
0x51: {  	v24 =	vor.u32 s6, v4  }
0x52: {  	v23 =	vadd.s32 v4, v23;
	_ =	sdelay $0x1  }
0x53: {  	v21 =	vmax.f32 v22, v21  }
0x54: {  	[tilespmem:v20+s3+$0x0] =	vst.idx.msk $0xffff, v21  }
0x55: {  	v20 =	vld.idx.msk [tilespmem:v24+s15+$0x0], $0xffff  }
0x56: {  	v21 =	vld.idx.msk [tilespmem:v23+s3+$0x0], $0xffff  }
0x57: {  	s7 =	sor.u32 $0x20, s0;
	v22 =	vperm.xlane v19, v6  }
0x58: {  	v51 =	vor.u32 s7, v4  }
0x59: {  	v22 =	vadd.s32 v4, v22;
	_ =	sdelay $0x1  }
0x5a: {  	v20 =	vmax.f32 v21, v20  }
0x5b: {  	[tilespmem:v23+s3+$0x0] =	vst.idx.msk $0xffff, v20  }
0x5c: {  	v20 =	vld.idx.msk [tilespmem:v51+s15+$0x0], $0xffff  }
0x5d: {  	v21 =	vld.idx.msk [tilespmem:v22+s3+$0x0], $0xffff  }
0x5e: {  	s10 =	sor.u32 $0x30, s0;
	v23 =	vperm.xlane v19, v7  }
0x5f: {  	v52 =	vor.u32 s10, v4  }
0x60: {  	v23 =	vadd.s32 v4, v23;
	_ =	sdelay $0x1  }
0x61: {  	v20 =	vmax.f32 v21, v20  }
0x62: {  	[tilespmem:v22+s3+$0x0] =	vst.idx.msk $0xffff, v20  }
0x63: {  	v20 =	vld.idx.msk [tilespmem:v52+s15+$0x0], $0xffff  }
0x64: {  	v21 =	vld.idx.msk [tilespmem:v23+s3+$0x0], $0xffff  }
0x65: {  	s11 =	sor.u32 $0x40, s0;
	v22 =	vperm.xlane v19, v2  }
0x66: {  	v53 =	vor.u32 s11, v4  }
0x67: {  	v22 =	vadd.s32 v4, v22;
	_ =	sdelay $0x1  }
0x68: {  	v20 =	vmax.f32 v21, v20  }
0x69: {  	[tilespmem:v23+s3+$0x0] =	vst.idx.msk $0xffff, v20  }
0x6a: {  	v20 =	vld.idx.msk [tilespmem:v53+s15+$0x0], $0xffff  }
0x6b: {  	v21 =	vld.idx.msk [tilespmem:v22+s3+$0x0], $0xffff  }
0x6c: {  	s12 =	sor.u32 $0x50, s0;
	v23 =	vperm.xlane v19, v8  }
0x6d: {  	v54 =	vor.u32 s12, v4  }
0x6e: {  	v23 =	vadd.s32 v4, v23;
	_ =	sdelay $0x1  }
0x6f: {  	v20 =	vmax.f32 v21, v20  }
0x70: {  	[tilespmem:v22+s3+$0x0] =	vst.idx.msk $0xffff, v20  }
0x71: {  	v20 =	vld.idx.msk [tilespmem:v54+s15+$0x0], $0xffff  }
0x72: {  	v21 =	vld.idx.msk [tilespmem:v23+s3+$0x0], $0xffff  }
0x73: {  	s19 =	sor.u32 $0x60, s0;
	v22 =	vperm.xlane v19, v9  }
0x74: {  	v55 =	vor.u32 s19, v4  }
0x75: {  	v22 =	vadd.s32 v4, v22;
	_ =	sdelay $0x1  }
0x76: {  	v20 =	vmax.f32 v21, v20  }
0x77: {  	[tilespmem:v23+s3+$0x0] =	vst.idx.msk $0xffff, v20  }
0x78: {  	v20 =	vld.idx.msk [tilespmem:v55+s15+$0x0], $0xffff  }
0x79: {  	v21 =	vld.idx.msk [tilespmem:v22+s3+$0x0], $0xffff  }
0x7a: {  	s20 =	sor.u32 $0x70, s0;
	v23 =	vperm.xlane v19, v10  }
0x7b: {  	v56 =	vor.u32 s20, v4  }
0x7c: {  	v23 =	vadd.s32 v4, v23;
	_ =	sdelay $0x1  }
0x7d: {  	v20 =	vmax.f32 v21, v20  }
0x7e: {  	[tilespmem:v22+s3+$0x0] =	vst.idx.msk $0xffff, v20  }
0x7f: {  	v20 =	vld.idx.msk [tilespmem:v56+s15+$0x0], $0xffff  }
0x80: {  	v21 =	vld.idx.msk [tilespmem:v23+s3+$0x0], $0xffff  }
0x81: {  	s24 =	sadd.s32 $0x80, s0;
	v22 =	vperm.xlane v19, v11  }
0x82: {  	v57 =	vor.u32 s24, v4  }
0x83: {  	v22 =	vadd.s32 v4, v22;
	_ =	sdelay $0x1  }
0x84: {  	v20 =	vmax.f32 v21, v20  }
0x85: {  	[tilespmem:v23+s3+$0x0] =	vst.idx.msk $0xffff, v20  }
0x86: {  	v20 =	vld.idx.msk [tilespmem:v57+s15+$0x0], $0xffff  }
0x87: {  	v21 =	vld.idx.msk [tilespmem:v22+s3+$0x0], $0xffff  }
0x88: {  	s25 =	sadd.s32 $0x90, s0;
	v23 =	vperm.xlane v19, v12  }
0x89: {  	v58 =	vor.u32 s25, v4  }
0x8a: {  	v23 =	vadd.s32 v4, v23;
	_ =	sdelay $0x1  }
0x8b: {  	v20 =	vmax.f32 v21, v20  }
0x8c: {  	[tilespmem:v22+s3+$0x0] =	vst.idx.msk $0xffff, v20  }
0x8d: {  	v20 =	vld.idx.msk [tilespmem:v58+s15+$0x0], $0xffff  }
0x8e: {  	v21 =	vld.idx.msk [tilespmem:v23+s3+$0x0], $0xffff  }
0x8f: {  	s26 =	sadd.s32 $0xA0, s0;
	v22 =	vperm.xlane v19, v13  }
0x90: {  	v59 =	vor.u32 s26, v4  }
0x91: {  	v22 =	vadd.s32 v4, v22;
	_ =	sdelay $0x1  }
0x92: {  	v20 =	vmax.f32 v21, v20  }
0x93: {  	[tilespmem:v23+s3+$0x0] =	vst.idx.msk $0xffff, v20  }
0x94: {  	v20 =	vld.idx.msk [tilespmem:v59+s15+$0x0], $0xffff  }
0x95: {  	v21 =	vld.idx.msk [tilespmem:v22+s3+$0x0], $0xffff  }
0x96: {  	s28 =	sadd.s32 $0xB0, s0;
	v23 =	vperm.xlane v19, v14  }
0x97: {  	v60 =	vor.u32 s28, v4  }
0x98: {  	v23 =	vadd.s32 v4, v23;
	_ =	sdelay $0x1  }
0x99: {  	v20 =	vmax.f32 v21, v20  }
0x9a: {  	[tilespmem:v22+s3+$0x0] =	vst.idx.msk $0xffff, v20  }
0x9b: {  	v20 =	vld.idx.msk [tilespmem:v60+s15+$0x0], $0xffff  }
0x9c: {  	v21 =	vld.idx.msk [tilespmem:v23+s3+$0x0], $0xffff  }
0x9d: {  	s29 =	sadd.s32 $0xC0, s0;
	v22 =	vperm.xlane v19, v15  }
0x9e: {  	v61 =	vor.u32 s29, v4  }
0x9f: {  	v22 =	vadd.s32 v4, v22;
	_ =	sdelay $0x1  }
0xa0: {  	v20 =	vmax.f32 v21, v20  }
0xa1: {  	[tilespmem:v23+s3+$0x0] =	vst.idx.msk $0xffff, v20  }
0xa2: {  	v20 =	vld.idx.msk [tilespmem:v61+s15+$0x0], $0xffff  }
0xa3: {  	v21 =	vld.idx.msk [tilespmem:v22+s3+$0x0], $0xffff  }
0xa4: {  	s30 =	sadd.s32 $0xD0, s0;
	v23 =	vperm.xlane v19, v16  }
0xa5: {  	v62 =	vor.u32 s30, v4  }
0xa6: {  	v23 =	vadd.s32 v4, v23;
	_ =	sdelay $0x1  }
0xa7: {  	v20 =	vmax.f32 v21, v20  }
0xa8: {  	[tilespmem:v22+s3+$0x0] =	vst.idx.msk $0xffff, v20  }
0xa9: {  	v21 =	vld.idx.msk [tilespmem:v62+s15+$0x0], $0xffff  }
0xaa: {  	v22 =	vld.idx.msk [tilespmem:v23+s3+$0x0], $0xffff  }
0xab: {  	s31 =	sadd.s32 $0xE0, s0;
	v20 =	vperm.xlane v19, v17  }
0xac: {  	v63 =	vor.u32 s31, v4  }
0xad: {  	v20 =	vadd.s32 v4, v20;
	_ =	sdelay $0x1  }
0xae: {  	v21 =	vmax.f32 v22, v21  }
0xaf: {  	[tilespmem:v23+s3+$0x0] =	vst.idx.msk $0xffff, v21  }
0xb0: {  	v21 =	vld.idx.msk [tilespmem:v63+s15+$0x0], $0xffff  }
0xb1: {  	s24 =	simm.s32 $0x10;
	s25 =	sadd.s32 $0xF0, s0;
	v19 =	vperm.xlane v19, v18;
	v22 =	vld.idx.msk [tilespmem:v20+s3+$0x0], $0xffff  }
.LBB2_5:
0xb2: {  	p0 =	sne.s32 s24, $0x3E0;
	s0 =	smov.u32 s24;
	s24 =	sadd.s32 $0x10, s24  }
0xb3: {  	_ = 	snop  }
0xb4: {  	v19 =	vadd.s32 v4, v19;
	v23 =	vor.u32 s25, v4;
	_ =	sdelay $0x2  }
0xb5: {  	v21 =	vmax.f32 v22, v21  }
0xb6: {  	[tilespmem:v20+s3+$0x0] =	vst.idx.msk $0xffff, v21  }
0xb7: {  	v20 =	vld.idx.msk [tilespmem:v23+s15+$0x0], $0xffff  }
0xb8: {  	v21 =	vld.idx.msk [tilespmem:v19+s3+$0x0], $0xffff;
	_ =	sdelay $0x5  }
0xb9: {  	v20 =	vmax.f32 v21, v20  }
0xba: {  	s0 =	smin.u32 s0, $0x3D8;
	[tilespmem:v19+s3+$0x0] =	vst.idx.msk $0xffff, v20  }
0xbb: {  	s25 =	sshll.u32 s0, $0x4;
	v19 =	vld [tilespmem:s0+$0x13890]  }
0xbc: {  	s20 =	sor.u32 $0x10, s25;
	s19 =	sor.u32 $0x20, s25;
	s11 =	sor.u32 $0x30, s25;
	v20 =	vor.u32 s25, v4  }
0xbd: {  	s10 =	sor.u32 $0x40, s25;
	s7 =	sor.u32 $0x50, s25;
	s6 =	sor.u32 $0x60, s25  }
0xbe: {  	s12 =	sor.u32 $0x70, s25;
	s1 =	sadd.s32 $0x90, s25;
	s0 =	sadd.s32 $0x80, s25  }
0xbf: {  	s31 =	sadd.s32 $0xA0, s25;
	s30 =	sadd.s32 $0xB0, s25;
	s29 =	sadd.s32 $0xC0, s25  }
0xc0: {  	s28 =	sadd.s32 $0xD0, s25;
	s26 =	sadd.s32 $0xE0, s25;
	s25 =	sadd.s32 $0xF0, s25;
	v19 =	vadd.s32 v0, v19  }
0xc1: {  	v19 =	vmin.u32 v19, $0x1388  }
0xc2: {  	v19 =	vshll.u32 v19, $0x4  }
0xc3: {  	v21 =	vperm.xlane v19, v3;
	v26 =	vperm.xlane v19, v5  }
0xc4: {  	v27 =	vperm.xlane v19, v6;
	v28 =	vperm.xlane v19, v7  }
0xc5: {  	v30 =	vperm.xlane v19, v2;
	v31 =	vperm.xlane v19, v8;
	v29 =	vadd.s32 v4, v21  }
0xc6: {  	v32 =	vperm.xlane v19, v9;
	v33 =	vperm.xlane v19, v10  }
0xc7: {  	v34 =	vperm.xlane v19, v11;
	v25 =	vperm.xlane v19, v12  }
0xc8: {  	v24 =	vperm.xlane v19, v13;
	v23 =	vperm.xlane v19, v14  }
0xc9: {  	v22 =	vperm.xlane v19, v15;
	v21 =	vperm.xlane v19, v16;
	v35 =	vld.idx.msk [tilespmem:v20+s15+$0x0], $0xffff  }
0xca: {  	v20 =	vperm.xlane v19, v17;
	v19 =	vperm.xlane v19, v18;
	v36 =	vld.idx.msk [tilespmem:v29+s3+$0x0], $0xffff;
	_ =	sdelay $0x2  }
0xcb: {  	v37 =	vor.u32 s20, v4;
	v26 =	vadd.s32 v4, v26;
	_ =	sdelay $0x2  }
0xcc: {  	v35 =	vmax.f32 v36, v35  }
0xcd: {  	[tilespmem:v29+s3+$0x0] =	vst.idx.msk $0xffff, v35  }
0xce: {  	v29 =	vld.idx.msk [tilespmem:v37+s15+$0x0], $0xffff  }
0xcf: {  	v35 =	vld.idx.msk [tilespmem:v26+s3+$0x0], $0xffff;
	_ =	sdelay $0x2  }
0xd0: {  	v27 =	vadd.s32 v4, v27;
	v36 =	vor.u32 s19, v4;
	_ =	sdelay $0x2  }
0xd1: {  	v29 =	vmax.f32 v35, v29  }
0xd2: {  	[tilespmem:v26+s3+$0x0] =	vst.idx.msk $0xffff, v29  }
0xd3: {  	v26 =	vld.idx.msk [tilespmem:v36+s15+$0x0], $0xffff  }
0xd4: {  	v29 =	vld.idx.msk [tilespmem:v27+s3+$0x0], $0xffff;
	_ =	sdelay $0x2  }
0xd5: {  	v28 =	vadd.s32 v4, v28;
	v35 =	vor.u32 s11, v4;
	_ =	sdelay $0x2  }
0xd6: {  	v26 =	vmax.f32 v29, v26  }
0xd7: {  	[tilespmem:v27+s3+$0x0] =	vst.idx.msk $0xffff, v26  }
0xd8: {  	v26 =	vld.idx.msk [tilespmem:v35+s15+$0x0], $0xffff  }
0xd9: {  	v27 =	vld.idx.msk [tilespmem:v28+s3+$0x0], $0xffff;
	_ =	sdelay $0x2  }
0xda: {  	v29 =	vadd.s32 v4, v30;
	v30 =	vor.u32 s10, v4;
	_ =	sdelay $0x2  }
0xdb: {  	v26 =	vmax.f32 v27, v26  }
0xdc: {  	[tilespmem:v28+s3+$0x0] =	vst.idx.msk $0xffff, v26  }
0xdd: {  	v26 =	vld.idx.msk [tilespmem:v30+s15+$0x0], $0xffff  }
0xde: {  	v27 =	vld.idx.msk [tilespmem:v29+s3+$0x0], $0xffff;
	_ =	sdelay $0x2  }
0xdf: {  	v28 =	vadd.s32 v4, v31;
	v30 =	vor.u32 s7, v4;
	_ =	sdelay $0x2  }
0xe0: {  	v26 =	vmax.f32 v27, v26  }
0xe1: {  	[tilespmem:v29+s3+$0x0] =	vst.idx.msk $0xffff, v26  }
0xe2: {  	v26 =	vld.idx.msk [tilespmem:v30+s15+$0x0], $0xffff  }
0xe3: {  	v27 =	vld.idx.msk [tilespmem:v28+s3+$0x0], $0xffff;
	_ =	sdelay $0x2  }
0xe4: {  	v29 =	vadd.s32 v4, v32;
	v30 =	vor.u32 s6, v4;
	_ =	sdelay $0x2  }
0xe5: {  	v26 =	vmax.f32 v27, v26  }
0xe6: {  	[tilespmem:v28+s3+$0x0] =	vst.idx.msk $0xffff, v26  }
0xe7: {  	v26 =	vld.idx.msk [tilespmem:v30+s15+$0x0], $0xffff  }
0xe8: {  	v27 =	vld.idx.msk [tilespmem:v29+s3+$0x0], $0xffff;
	_ =	sdelay $0x2  }
0xe9: {  	v28 =	vadd.s32 v4, v33;
	v30 =	vor.u32 s12, v4;
	_ =	sdelay $0x2  }
0xea: {  	v26 =	vmax.f32 v27, v26  }
0xeb: {  	[tilespmem:v29+s3+$0x0] =	vst.idx.msk $0xffff, v26  }
0xec: {  	v26 =	vld.idx.msk [tilespmem:v30+s15+$0x0], $0xffff  }
0xed: {  	v27 =	vld.idx.msk [tilespmem:v28+s3+$0x0], $0xffff;
	_ =	sdelay $0x2  }
0xee: {  	v29 =	vadd.s32 v4, v34;
	v30 =	vor.u32 s0, v4;
	_ =	sdelay $0x2  }
0xef: {  	v26 =	vmax.f32 v27, v26  }
0xf0: {  	[tilespmem:v28+s3+$0x0] =	vst.idx.msk $0xffff, v26  }
0xf1: {  	v26 =	vld.idx.msk [tilespmem:v30+s15+$0x0], $0xffff  }
0xf2: {  	v27 =	vld.idx.msk [tilespmem:v29+s3+$0x0], $0xffff;
	_ =	sdelay $0x2  }
0xf3: {  	v25 =	vadd.s32 v4, v25;
	v28 =	vor.u32 s1, v4;
	_ =	sdelay $0x2  }
0xf4: {  	v26 =	vmax.f32 v27, v26  }
0xf5: {  	[tilespmem:v29+s3+$0x0] =	vst.idx.msk $0xffff, v26  }
0xf6: {  	v26 =	vld.idx.msk [tilespmem:v28+s15+$0x0], $0xffff  }
0xf7: {  	v27 =	vld.idx.msk [tilespmem:v25+s3+$0x0], $0xffff;
	_ =	sdelay $0x2  }
0xf8: {  	v24 =	vadd.s32 v4, v24;
	v28 =	vor.u32 s31, v4;
	_ =	sdelay $0x2  }
0xf9: {  	v26 =	vmax.f32 v27, v26  }
0xfa: {  	[tilespmem:v25+s3+$0x0] =	vst.idx.msk $0xffff, v26  }
0xfb: {  	v25 =	vld.idx.msk [tilespmem:v28+s15+$0x0], $0xffff  }
0xfc: {  	v26 =	vld.idx.msk [tilespmem:v24+s3+$0x0], $0xffff;
	_ =	sdelay $0x2  }
0xfd: {  	v23 =	vadd.s32 v4, v23;
	v27 =	vor.u32 s30, v4;
	_ =	sdelay $0x2  }
0xfe: {  	v25 =	vmax.f32 v26, v25  }
0xff: {  	[tilespmem:v24+s3+$0x0] =	vst.idx.msk $0xffff, v25  }
0x100: {  	v24 =	vld.idx.msk [tilespmem:v27+s15+$0x0], $0xffff  }
0x101: {  	v25 =	vld.idx.msk [tilespmem:v23+s3+$0x0], $0xffff;
	_ =	sdelay $0x2  }
0x102: {  	v22 =	vadd.s32 v4, v22;
	v26 =	vor.u32 s29, v4;
	_ =	sdelay $0x2  }
0x103: {  	v24 =	vmax.f32 v25, v24  }
0x104: {  	[tilespmem:v23+s3+$0x0] =	vst.idx.msk $0xffff, v24  }
0x105: {  	v23 =	vld.idx.msk [tilespmem:v26+s15+$0x0], $0xffff  }
0x106: {  	v24 =	vld.idx.msk [tilespmem:v22+s3+$0x0], $0xffff;
	_ =	sdelay $0x2  }
0x107: {  	v21 =	vadd.s32 v4, v21;
	v25 =	vor.u32 s28, v4;
	_ =	sdelay $0x2  }
0x108: {  	v23 =	vmax.f32 v24, v23  }
0x109: {  	[tilespmem:v22+s3+$0x0] =	vst.idx.msk $0xffff, v23  }
0x10a: {  	v22 =	vld.idx.msk [tilespmem:v25+s15+$0x0], $0xffff  }
0x10b: {  	v23 =	vld.idx.msk [tilespmem:v21+s3+$0x0], $0xffff;
	_ =	sdelay $0x2  }
0x10c: {  	v20 =	vadd.s32 v4, v20;
	v24 =	vor.u32 s26, v4;
	_ =	sdelay $0x1  }
.Ltmp1:
0x10d: {  	(pc) =	sbr.rel @p0 .LBB2_5-.Ltmp1, $4  }
0x10e: {  	v22 =	vmax.f32 v23, v22  }
0x10f: {  	[tilespmem:v21+s3+$0x0] =	vst.idx.msk $0xffff, v22  }
0x110: {  	v21 =	vld.idx.msk [tilespmem:v24+s15+$0x0], $0xffff  }
0x111: {  	v22 =	vld.idx.msk [tilespmem:v20+s3+$0x0], $0xffff  }
0x112: {  	_ = 	snop  }
0x113: {  	v23 =	vor.u32 s25, v4  }
0x114: {  	v19 =	vadd.s32 v4, v19;
	_ =	sdelay $0x1  }
0x115: {  	v21 =	vmax.f32 v22, v21  }
0x116: {  	[tilespmem:v20+s3+$0x0] =	vst.idx.msk $0xffff, v21  }
0x117: {  	v20 =	vld.idx.msk [tilespmem:v23+s15+$0x0], $0xffff  }
0x118: {  	v21 =	vld.idx.msk [tilespmem:v19+s3+$0x0], $0xffff;
	_ =	sdelay $0x2  }
0x119: {  	p0 =	seq.s32 s22, $0x9  }
0x11a: {  	s0 =	sadd.s32 @!p0 s23, s9;
	s10 =	simm.s32 @!p0 $0x0  }
0x11b: {  	s1 =	sshrl.u32 @!p0 s0, $0x3;
	s6 =	smulhi.u32 @!p0 $0x10624DD3, s0;
	s7 =	sshra.s32 @!p0 s0, $0x1F;
	v20 =	vmax.f32 v21, v20  }
0x11c: {  	s11 =	simm.s32 @!p0 $0x13890;
	s1 =	sadd.s32 @!p0 s2, s1;
	s7 =	smul.u32 @!p0 $0x10624DD3, s7;
	[tilespmem:v19+s3+$0x0] =	vst.idx.msk $0xffff, v20  }
0x11d: {  	[tilespmem:s11], [sflag:$0x1] =	stream.linear.gather @!p0 [hbm4b:s1+s10], $0x3E8, $0x38;
	[tilespmem:$0x1BD60] =	vst v63  }
0x11e: {  	s1 =	sadd.s32 @!p0 s7, s6  }
0x11f: {  	s6 =	sshrl.u32 @!p0 s1, $0x1F;
	s1 =	sshra.s32 @!p0 s1, $0x6  }
0x120: {  	s1 =	sadd.s32 @!p0 s6, s1  }
0x121: {  	s6 =	smul.u32 @!p0 $0xFFFFFC18, s1  }
0x122: {  	s7 =	ssub.s32 @!p0 $0x0, s0  }
0x123: {  	p1 =	slt.s32 @!p0 s0, $0x1;
	p2 =	sne.s32 @!p0 s6, s7  }
0x124: {  	p1 =	por @!p0 !p1, !p2  }
0x125: {  	p1 =	por @!p0 !p1, !p1  }
0x126: {  	s0 =	simm.s32 @!p0 $0x1;
	p1 =	por !p1, p0  }
0x127: {  	s0 =	simm.s32 @p1 $0x0  }
0x128: {  	s0 =	ssub.s32 @!p0 s1, s0  }
0x129: {  	s1 =	sshrl.u32 @!p0 s0, $0x1D  }
0x12a: {  	s1 =	sadd.s32 @!p0 s1, s0  }
0x12b: {  	s6 =	sand.u32 @!p0 $0xFFFFFFF8, s1  }
0x12c: {  	p1 =	slt.s32 @!p0 s0, $0x1;
	p2 =	sne.s32 @!p0 s0, s6  }
0x12d: {  	p1 =	por @!p0 !p1, !p2  }
0x12e: {  	p1 =	por @!p0 !p1, !p1  }
0x12f: {  	s6 =	simm.s32 @!p0 $0x1;
	p1 =	por !p1, p0  }
0x130: {  	s1 =	sshrl.u32 @!p0 s1, $0x3;
	s6 =	simm.s32 @p1 $0x0  }
0x131: {  	s0 =	sshll.u32 @!p0 s0, $0x4;
	s1 =	ssub.s32 @!p0 s1, s6  }
0x132: {  	s0 =	sadd.s32 @!p0 $0x80, s0;
	s1 =	smul.u32 @!p0 $0x1F400, s1  }
0x133: {  	s0 =	sand.u32 @!p0 $0x70, s0  }
0x134: {  	s0 =	sor.u32 @!p0 s0, s1  }
0x135: {  	s7 =	simm.s32 @!p0 $0x14060;
	s0 =	sshrl.u32 @!p0 s0, $0x3  }
0x136: {  	s6 =	simm.s32 @!p0 $0x80;
	s1 =	simm.s32 @!p0 $0x10;
	s0 =	sadd.s32 @!p0 s4, s0  }
0x137: {  	[tilespmem:s7], [sflag:$0x1] =	stream.strided.gather @!p0 [hbm4b:s0+s1], $0x3E80, s6, s1, $0x38;
	[tilespmem:$0x1BD60] =	vst v63  }
0x138: {  	_ =	swait.ge [sflag:s18], $0x3E8  }
0x139: {  	[sflag:s18] =	ssyncset.done $0x0  }
0x13a: {  	[sflag:s18] =	ssyncadd.s32 $0xFFFFFC18  }
0x13b: {  	_ =	swait.ge [sflag:s18], $0x3E80  }
0x13c: {  	s6 =	simm.s32 $0x0;
	[sflag:s18] =	ssyncset.done $0x0  }
0x13d: {  	s0 =	smin.u32 s6, $0x3D8;
	[sflag:s18] =	ssyncadd.s32 $0xFFFFC180  }
0x13e: {  	v19 =	vld [tilespmem:s0+$0x13C78];
	_ =	sdelay $0x4  }
0x13f: {  	v19 =	vadd.s32 v0, v19  }
0x140: {  	v19 =	vmin.u32 v19, $0x1388  }
0x141: {  	v19 =	vshll.u32 v19, $0x4  }
0x142: {  	s0 =	sshll.u32 s0, $0x4;
	v20 =	vperm.xlane v19, v3  }
0x143: {  	v21 =	vor.u32 s0, v4  }
0x144: {  	v20 =	vadd.s32 v4, v20;
	_ =	sdelay $0x3  }
0x145: {  	v21 =	vld.idx.msk [tilespmem:v21+s17+$0x0], $0xffff  }
0x146: {  	v22 =	vld.idx.msk [tilespmem:v20+s3+$0x0], $0xffff  }
0x147: {  	s7 =	sor.u32 $0x10, s0;
	v23 =	vperm.xlane v19, v5  }
0x148: {  	v24 =	vor.u32 s7, v4  }
0x149: {  	v23 =	vadd.s32 v4, v23;
	_ =	sdelay $0x1  }
0x14a: {  	v21 =	vmax.f32 v22, v21  }
0x14b: {  	[tilespmem:v20+s3+$0x0] =	vst.idx.msk $0xffff, v21  }
0x14c: {  	v20 =	vld.idx.msk [tilespmem:v24+s17+$0x0], $0xffff  }
0x14d: {  	v21 =	vld.idx.msk [tilespmem:v23+s3+$0x0], $0xffff  }
0x14e: {  	s10 =	sor.u32 $0x20, s0;
	v22 =	vperm.xlane v19, v6  }
0x14f: {  	v51 =	vor.u32 s10, v4  }
0x150: {  	v22 =	vadd.s32 v4, v22;
	_ =	sdelay $0x1  }
0x151: {  	v20 =	vmax.f32 v21, v20  }
0x152: {  	[tilespmem:v23+s3+$0x0] =	vst.idx.msk $0xffff, v20  }
0x153: {  	v20 =	vld.idx.msk [tilespmem:v51+s17+$0x0], $0xffff  }
0x154: {  	v21 =	vld.idx.msk [tilespmem:v22+s3+$0x0], $0xffff  }
0x155: {  	s11 =	sor.u32 $0x30, s0;
	v23 =	vperm.xlane v19, v7  }
0x156: {  	v52 =	vor.u32 s11, v4  }
0x157: {  	v23 =	vadd.s32 v4, v23;
	_ =	sdelay $0x1  }
0x158: {  	v20 =	vmax.f32 v21, v20  }
0x159: {  	[tilespmem:v22+s3+$0x0] =	vst.idx.msk $0xffff, v20  }
0x15a: {  	v20 =	vld.idx.msk [tilespmem:v52+s17+$0x0], $0xffff  }
0x15b: {  	v21 =	vld.idx.msk [tilespmem:v23+s3+$0x0], $0xffff  }
0x15c: {  	s12 =	sor.u32 $0x40, s0;
	v22 =	vperm.xlane v19, v2  }
0x15d: {  	v53 =	vor.u32 s12, v4  }
0x15e: {  	v22 =	vadd.s32 v4, v22;
	_ =	sdelay $0x1  }
0x15f: {  	v20 =	vmax.f32 v21, v20  }
0x160: {  	[tilespmem:v23+s3+$0x0] =	vst.idx.msk $0xffff, v20  }
0x161: {  	v20 =	vld.idx.msk [tilespmem:v53+s17+$0x0], $0xffff  }
0x162: {  	v21 =	vld.idx.msk [tilespmem:v22+s3+$0x0], $0xffff  }
0x163: {  	s19 =	sor.u32 $0x50, s0;
	v23 =	vperm.xlane v19, v8  }
0x164: {  	v54 =	vor.u32 s19, v4  }
0x165: {  	v23 =	vadd.s32 v4, v23;
	_ =	sdelay $0x1  }
0x166: {  	v20 =	vmax.f32 v21, v20  }
0x167: {  	[tilespmem:v22+s3+$0x0] =	vst.idx.msk $0xffff, v20  }
0x168: {  	v20 =	vld.idx.msk [tilespmem:v54+s17+$0x0], $0xffff  }
0x169: {  	v21 =	vld.idx.msk [tilespmem:v23+s3+$0x0], $0xffff  }
0x16a: {  	s20 =	sor.u32 $0x60, s0;
	v22 =	vperm.xlane v19, v9  }
0x16b: {  	v55 =	vor.u32 s20, v4  }
0x16c: {  	v22 =	vadd.s32 v4, v22;
	_ =	sdelay $0x1  }
0x16d: {  	v20 =	vmax.f32 v21, v20  }
0x16e: {  	[tilespmem:v23+s3+$0x0] =	vst.idx.msk $0xffff, v20  }
0x16f: {  	v20 =	vld.idx.msk [tilespmem:v55+s17+$0x0], $0xffff  }
0x170: {  	v21 =	vld.idx.msk [tilespmem:v22+s3+$0x0], $0xffff  }
0x171: {  	s23 =	sor.u32 $0x70, s0;
	v23 =	vperm.xlane v19, v10  }
0x172: {  	v56 =	vor.u32 s23, v4  }
0x173: {  	v23 =	vadd.s32 v4, v23;
	_ =	sdelay $0x1  }
0x174: {  	v20 =	vmax.f32 v21, v20  }
0x175: {  	[tilespmem:v22+s3+$0x0] =	vst.idx.msk $0xffff, v20  }
0x176: {  	v20 =	vld.idx.msk [tilespmem:v56+s17+$0x0], $0xffff  }
0x177: {  	v21 =	vld.idx.msk [tilespmem:v23+s3+$0x0], $0xffff  }
0x178: {  	s24 =	sadd.s32 $0x80, s0;
	v22 =	vperm.xlane v19, v11  }
0x179: {  	v57 =	vor.u32 s24, v4  }
0x17a: {  	v22 =	vadd.s32 v4, v22;
	_ =	sdelay $0x1  }
0x17b: {  	v20 =	vmax.f32 v21, v20  }
0x17c: {  	[tilespmem:v23+s3+$0x0] =	vst.idx.msk $0xffff, v20  }
0x17d: {  	v20 =	vld.idx.msk [tilespmem:v57+s17+$0x0], $0xffff  }
0x17e: {  	v21 =	vld.idx.msk [tilespmem:v22+s3+$0x0], $0xffff  }
0x17f: {  	s25 =	sadd.s32 $0x90, s0;
	v23 =	vperm.xlane v19, v12  }
0x180: {  	v58 =	vor.u32 s25, v4  }
0x181: {  	v23 =	vadd.s32 v4, v23;
	_ =	sdelay $0x1  }
0x182: {  	v20 =	vmax.f32 v21, v20  }
0x183: {  	[tilespmem:v22+s3+$0x0] =	vst.idx.msk $0xffff, v20  }
0x184: {  	v20 =	vld.idx.msk [tilespmem:v58+s17+$0x0], $0xffff  }
0x185: {  	v21 =	vld.idx.msk [tilespmem:v23+s3+$0x0], $0xffff  }
0x186: {  	s26 =	sadd.s32 $0xA0, s0;
	v22 =	vperm.xlane v19, v13  }
0x187: {  	v59 =	vor.u32 s26, v4  }
0x188: {  	v22 =	vadd.s32 v4, v22;
	_ =	sdelay $0x1  }
0x189: {  	v20 =	vmax.f32 v21, v20  }
0x18a: {  	[tilespmem:v23+s3+$0x0] =	vst.idx.msk $0xffff, v20  }
0x18b: {  	v20 =	vld.idx.msk [tilespmem:v59+s17+$0x0], $0xffff  }
0x18c: {  	v21 =	vld.idx.msk [tilespmem:v22+s3+$0x0], $0xffff  }
0x18d: {  	s28 =	sadd.s32 $0xB0, s0;
	v23 =	vperm.xlane v19, v14  }
0x18e: {  	v60 =	vor.u32 s28, v4  }
0x18f: {  	v23 =	vadd.s32 v4, v23;
	_ =	sdelay $0x1  }
0x190: {  	v20 =	vmax.f32 v21, v20  }
0x191: {  	[tilespmem:v22+s3+$0x0] =	vst.idx.msk $0xffff, v20  }
0x192: {  	v20 =	vld.idx.msk [tilespmem:v60+s17+$0x0], $0xffff  }
0x193: {  	v21 =	vld.idx.msk [tilespmem:v23+s3+$0x0], $0xffff  }
0x194: {  	s29 =	sadd.s32 $0xC0, s0;
	v22 =	vperm.xlane v19, v15  }
0x195: {  	v61 =	vor.u32 s29, v4  }
0x196: {  	v22 =	vadd.s32 v4, v22;
	_ =	sdelay $0x1  }
0x197: {  	v20 =	vmax.f32 v21, v20  }
0x198: {  	[tilespmem:v23+s3+$0x0] =	vst.idx.msk $0xffff, v20  }
0x199: {  	v20 =	vld.idx.msk [tilespmem:v61+s17+$0x0], $0xffff  }
0x19a: {  	v21 =	vld.idx.msk [tilespmem:v22+s3+$0x0], $0xffff  }
0x19b: {  	s30 =	sadd.s32 $0xD0, s0;
	v23 =	vperm.xlane v19, v16  }
0x19c: {  	v62 =	vor.u32 s30, v4  }
0x19d: {  	v23 =	vadd.s32 v4, v23;
	_ =	sdelay $0x1  }
0x19e: {  	v20 =	vmax.f32 v21, v20  }
0x19f: {  	[tilespmem:v22+s3+$0x0] =	vst.idx.msk $0xffff, v20  }
0x1a0: {  	v21 =	vld.idx.msk [tilespmem:v62+s17+$0x0], $0xffff  }
0x1a1: {  	v22 =	vld.idx.msk [tilespmem:v23+s3+$0x0], $0xffff  }
0x1a2: {  	s31 =	sadd.s32 $0xE0, s0;
	v20 =	vperm.xlane v19, v17  }
0x1a3: {  	v63 =	vor.u32 s31, v4  }
0x1a4: {  	v20 =	vadd.s32 v4, v20;
	_ =	sdelay $0x1  }
0x1a5: {  	v21 =	vmax.f32 v22, v21  }
0x1a6: {  	[tilespmem:v23+s3+$0x0] =	vst.idx.msk $0xffff, v21  }
0x1a7: {  	v21 =	vld.idx.msk [tilespmem:v63+s17+$0x0], $0xffff  }
0x1a8: {  	s23 =	simm.s32 $0x10;
	s24 =	sadd.s32 $0xF0, s0;
	v19 =	vperm.xlane v19, v18;
	v22 =	vld.idx.msk [tilespmem:v20+s3+$0x0], $0xffff  }
.LBB2_7:
0x1a9: {  	p0 =	sne.s32 s23, $0x3E0;
	s0 =	smov.u32 s23;
	s23 =	sadd.s32 $0x10, s23  }
0x1aa: {  	_ = 	snop  }
0x1ab: {  	v19 =	vadd.s32 v4, v19;
	v23 =	vor.u32 s24, v4;
	_ =	sdelay $0x2  }
0x1ac: {  	v21 =	vmax.f32 v22, v21  }
0x1ad: {  	[tilespmem:v20+s3+$0x0] =	vst.idx.msk $0xffff, v21  }
0x1ae: {  	v20 =	vld.idx.msk [tilespmem:v23+s17+$0x0], $0xffff  }
0x1af: {  	v21 =	vld.idx.msk [tilespmem:v19+s3+$0x0], $0xffff;
	_ =	sdelay $0x5  }
0x1b0: {  	v20 =	vmax.f32 v21, v20  }
0x1b1: {  	s0 =	smin.u32 s0, $0x3D8;
	[tilespmem:v19+s3+$0x0] =	vst.idx.msk $0xffff, v20  }
0x1b2: {  	s20 =	sshll.u32 s0, $0x4;
	v19 =	vld [tilespmem:s0+$0x13C78]  }
0x1b3: {  	s31 =	sor.u32 $0x10, s20;
	s19 =	sor.u32 $0x20, s20;
	s11 =	sor.u32 $0x30, s20;
	v20 =	vor.u32 s20, v4  }
0x1b4: {  	s10 =	sor.u32 $0x40, s20;
	s7 =	sor.u32 $0x50, s20;
	s6 =	sor.u32 $0x60, s20  }
0x1b5: {  	s12 =	sor.u32 $0x70, s20;
	s1 =	sadd.s32 $0x90, s20;
	s0 =	sadd.s32 $0x80, s20  }
0x1b6: {  	s30 =	sadd.s32 $0xA0, s20;
	s29 =	sadd.s32 $0xB0, s20;
	s28 =	sadd.s32 $0xC0, s20  }
0x1b7: {  	s26 =	sadd.s32 $0xD0, s20;
	s25 =	sadd.s32 $0xE0, s20;
	s24 =	sadd.s32 $0xF0, s20;
	v19 =	vadd.s32 v0, v19  }
0x1b8: {  	v19 =	vmin.u32 v19, $0x1388  }
0x1b9: {  	v19 =	vshll.u32 v19, $0x4  }
0x1ba: {  	v21 =	vperm.xlane v19, v3;
	v26 =	vperm.xlane v19, v5  }
0x1bb: {  	v27 =	vperm.xlane v19, v6;
	v28 =	vperm.xlane v19, v7  }
0x1bc: {  	v30 =	vperm.xlane v19, v2;
	v31 =	vperm.xlane v19, v8;
	v29 =	vadd.s32 v4, v21  }
0x1bd: {  	v32 =	vperm.xlane v19, v9;
	v33 =	vperm.xlane v19, v10  }
0x1be: {  	v34 =	vperm.xlane v19, v11;
	v25 =	vperm.xlane v19, v12  }
0x1bf: {  	v24 =	vperm.xlane v19, v13;
	v23 =	vperm.xlane v19, v14  }
0x1c0: {  	v22 =	vperm.xlane v19, v15;
	v21 =	vperm.xlane v19, v16;
	v35 =	vld.idx.msk [tilespmem:v20+s17+$0x0], $0xffff  }
0x1c1: {  	v20 =	vperm.xlane v19, v17;
	v19 =	vperm.xlane v19, v18;
	v36 =	vld.idx.msk [tilespmem:v29+s3+$0x0], $0xffff;
	_ =	sdelay $0x2  }
0x1c2: {  	v37 =	vor.u32 s31, v4;
	v26 =	vadd.s32 v4, v26;
	_ =	sdelay $0x2  }
0x1c3: {  	v35 =	vmax.f32 v36, v35  }
0x1c4: {  	[tilespmem:v29+s3+$0x0] =	vst.idx.msk $0xffff, v35  }
0x1c5: {  	v29 =	vld.idx.msk [tilespmem:v37+s17+$0x0], $0xffff  }
0x1c6: {  	v35 =	vld.idx.msk [tilespmem:v26+s3+$0x0], $0xffff;
	_ =	sdelay $0x2  }
0x1c7: {  	v27 =	vadd.s32 v4, v27;
	v36 =	vor.u32 s19, v4;
	_ =	sdelay $0x2  }
0x1c8: {  	v29 =	vmax.f32 v35, v29  }
0x1c9: {  	[tilespmem:v26+s3+$0x0] =	vst.idx.msk $0xffff, v29  }
0x1ca: {  	v26 =	vld.idx.msk [tilespmem:v36+s17+$0x0], $0xffff  }
0x1cb: {  	v29 =	vld.idx.msk [tilespmem:v27+s3+$0x0], $0xffff;
	_ =	sdelay $0x2  }
0x1cc: {  	v28 =	vadd.s32 v4, v28;
	v35 =	vor.u32 s11, v4;
	_ =	sdelay $0x2  }
0x1cd: {  	v26 =	vmax.f32 v29, v26  }
0x1ce: {  	[tilespmem:v27+s3+$0x0] =	vst.idx.msk $0xffff, v26  }
0x1cf: {  	v26 =	vld.idx.msk [tilespmem:v35+s17+$0x0], $0xffff  }
0x1d0: {  	v27 =	vld.idx.msk [tilespmem:v28+s3+$0x0], $0xffff;
	_ =	sdelay $0x2  }
0x1d1: {  	v29 =	vadd.s32 v4, v30;
	v30 =	vor.u32 s10, v4;
	_ =	sdelay $0x2  }
0x1d2: {  	v26 =	vmax.f32 v27, v26  }
0x1d3: {  	[tilespmem:v28+s3+$0x0] =	vst.idx.msk $0xffff, v26  }
0x1d4: {  	v26 =	vld.idx.msk [tilespmem:v30+s17+$0x0], $0xffff  }
0x1d5: {  	v27 =	vld.idx.msk [tilespmem:v29+s3+$0x0], $0xffff;
	_ =	sdelay $0x2  }
0x1d6: {  	v28 =	vadd.s32 v4, v31;
	v30 =	vor.u32 s7, v4;
	_ =	sdelay $0x2  }
0x1d7: {  	v26 =	vmax.f32 v27, v26  }
0x1d8: {  	[tilespmem:v29+s3+$0x0] =	vst.idx.msk $0xffff, v26  }
0x1d9: {  	v26 =	vld.idx.msk [tilespmem:v30+s17+$0x0], $0xffff  }
0x1da: {  	v27 =	vld.idx.msk [tilespmem:v28+s3+$0x0], $0xffff;
	_ =	sdelay $0x2  }
0x1db: {  	v29 =	vadd.s32 v4, v32;
	v30 =	vor.u32 s6, v4;
	_ =	sdelay $0x2  }
0x1dc: {  	v26 =	vmax.f32 v27, v26  }
0x1dd: {  	[tilespmem:v28+s3+$0x0] =	vst.idx.msk $0xffff, v26  }
0x1de: {  	v26 =	vld.idx.msk [tilespmem:v30+s17+$0x0], $0xffff  }
0x1df: {  	v27 =	vld.idx.msk [tilespmem:v29+s3+$0x0], $0xffff;
	_ =	sdelay $0x2  }
0x1e0: {  	v28 =	vadd.s32 v4, v33;
	v30 =	vor.u32 s12, v4;
	_ =	sdelay $0x2  }
0x1e1: {  	v26 =	vmax.f32 v27, v26  }
0x1e2: {  	[tilespmem:v29+s3+$0x0] =	vst.idx.msk $0xffff, v26  }
0x1e3: {  	v26 =	vld.idx.msk [tilespmem:v30+s17+$0x0], $0xffff  }
0x1e4: {  	v27 =	vld.idx.msk [tilespmem:v28+s3+$0x0], $0xffff;
	_ =	sdelay $0x2  }
0x1e5: {  	v29 =	vadd.s32 v4, v34;
	v30 =	vor.u32 s0, v4;
	_ =	sdelay $0x2  }
0x1e6: {  	v26 =	vmax.f32 v27, v26  }
0x1e7: {  	[tilespmem:v28+s3+$0x0] =	vst.idx.msk $0xffff, v26  }
0x1e8: {  	v26 =	vld.idx.msk [tilespmem:v30+s17+$0x0], $0xffff  }
0x1e9: {  	v27 =	vld.idx.msk [tilespmem:v29+s3+$0x0], $0xffff;
	_ =	sdelay $0x2  }
0x1ea: {  	v25 =	vadd.s32 v4, v25;
	v28 =	vor.u32 s1, v4;
	_ =	sdelay $0x2  }
0x1eb: {  	v26 =	vmax.f32 v27, v26  }
0x1ec: {  	[tilespmem:v29+s3+$0x0] =	vst.idx.msk $0xffff, v26  }
0x1ed: {  	v26 =	vld.idx.msk [tilespmem:v28+s17+$0x0], $0xffff  }
0x1ee: {  	v27 =	vld.idx.msk [tilespmem:v25+s3+$0x0], $0xffff;
	_ =	sdelay $0x2  }
0x1ef: {  	v24 =	vadd.s32 v4, v24;
	v28 =	vor.u32 s30, v4;
	_ =	sdelay $0x2  }
0x1f0: {  	v26 =	vmax.f32 v27, v26  }
0x1f1: {  	[tilespmem:v25+s3+$0x0] =	vst.idx.msk $0xffff, v26  }
0x1f2: {  	v25 =	vld.idx.msk [tilespmem:v28+s17+$0x0], $0xffff  }
0x1f3: {  	v26 =	vld.idx.msk [tilespmem:v24+s3+$0x0], $0xffff;
	_ =	sdelay $0x2  }
0x1f4: {  	v23 =	vadd.s32 v4, v23;
	v27 =	vor.u32 s29, v4;
	_ =	sdelay $0x2  }
0x1f5: {  	v25 =	vmax.f32 v26, v25  }
0x1f6: {  	[tilespmem:v24+s3+$0x0] =	vst.idx.msk $0xffff, v25  }
0x1f7: {  	v24 =	vld.idx.msk [tilespmem:v27+s17+$0x0], $0xffff  }
0x1f8: {  	v25 =	vld.idx.msk [tilespmem:v23+s3+$0x0], $0xffff;
	_ =	sdelay $0x2  }
0x1f9: {  	v22 =	vadd.s32 v4, v22;
	v26 =	vor.u32 s28, v4;
	_ =	sdelay $0x2  }
0x1fa: {  	v24 =	vmax.f32 v25, v24  }
0x1fb: {  	[tilespmem:v23+s3+$0x0] =	vst.idx.msk $0xffff, v24  }
0x1fc: {  	v23 =	vld.idx.msk [tilespmem:v26+s17+$0x0], $0xffff  }
0x1fd: {  	v24 =	vld.idx.msk [tilespmem:v22+s3+$0x0], $0xffff;
	_ =	sdelay $0x2  }
0x1fe: {  	v21 =	vadd.s32 v4, v21;
	v25 =	vor.u32 s26, v4;
	_ =	sdelay $0x2  }
0x1ff: {  	v23 =	vmax.f32 v24, v23  }
0x200: {  	[tilespmem:v22+s3+$0x0] =	vst.idx.msk $0xffff, v23  }
0x201: {  	v22 =	vld.idx.msk [tilespmem:v25+s17+$0x0], $0xffff  }
0x202: {  	v23 =	vld.idx.msk [tilespmem:v21+s3+$0x0], $0xffff;
	_ =	sdelay $0x2  }
0x203: {  	v20 =	vadd.s32 v4, v20;
	v24 =	vor.u32 s25, v4;
	_ =	sdelay $0x1  }
.Ltmp2:
0x204: {  	(pc) =	sbr.rel @p0 .LBB2_7-.Ltmp2, $4  }
0x205: {  	v22 =	vmax.f32 v23, v22  }
0x206: {  	[tilespmem:v21+s3+$0x0] =	vst.idx.msk $0xffff, v22  }
0x207: {  	v21 =	vld.idx.msk [tilespmem:v24+s17+$0x0], $0xffff  }
0x208: {  	v22 =	vld.idx.msk [tilespmem:v20+s3+$0x0], $0xffff  }
0x209: {  	_ = 	snop  }
0x20a: {  	v23 =	vor.u32 s24, v4  }
0x20b: {  	v19 =	vadd.s32 v4, v19;
	_ =	sdelay $0x1  }
0x20c: {  	v21 =	vmax.f32 v22, v21  }
0x20d: {  	[tilespmem:v20+s3+$0x0] =	vst.idx.msk $0xffff, v21  }
0x20e: {  	v20 =	vld.idx.msk [tilespmem:v23+s17+$0x0], $0xffff  }
0x20f: {  	s22 =	sadd.s32 $0x1, s22;
	v21 =	vld.idx.msk [tilespmem:v19+s3+$0x0], $0xffff  }
0x210: {  	p0 =	sne.s32 s22, $0xA  }
.Ltmp3:
0x211: {  	_ = 	snop;
	(pc) =	sbr.rel @p0 .LBB2_4-.Ltmp3, $3  }
0x212: {  	_ =	sdelay $0x1  }
0x213: {  	v20 =	vmax.f32 v21, v20  }
0x214: {  	[tilespmem:v19+s3+$0x0] =	vst.idx.msk $0xffff, v20  }
0x215: {  	s0 =	rddreg [dreg:$0x5];
	s1 =	simm.s32 $0x3  }
0x216: {  	[hbm4b:s0+s3] =	stream.linear.scatter [tilespmem:s3], [sflag:$0x3], $0x13880, $0x38;
	[tilespmem:$0x1BD60] =	vst v63  }
0x217: {  	_ =	swait.ge [sflag:s1], $0x13880  }
0x218: {  	s6 =	rddreg [dreg:$0x7]  }
0x219: {  	s31 =	rddreg [dreg:$0x6];
	s6 =	sadd.s32 $0x1, s6  }
0x21a: {  	p0 =	sne.s32 s6, s31  }
.Ltmp4:
0x21b: {  	_ = 	snop;
	(pc) =	sbr.rel @p0 .LBB2_1-.Ltmp4, $3  }
0x21c: {  	_ =	sdelay $0x1  }
0x21d: {  	[sflag:s1] =	ssyncset.done $0x0  }
0x21e: {  	[sflag:s1] =	ssyncadd.s32 $0xFFFEC780  }
0x21f: {  	_ =	sfence.sel $0x180000  }
0x220: {  	[bflag:$0x0] =	sbarrier.arrive $0xFFFF  }
0x221: {  	_ =	strace $0x9000004A  }
0x222: {  	s0 =	stileid.u32;
	[bflag:$0x2] =	sbarrier.arrive $0xFFFF  }
0x223: {  	p0 =	sne.s32 s0, $0x0;
	s0 =	rddreg [dreg:$0x2]  }
0x224: {  	s0 =	sadd.s32 @!p0 $0x100000, s0  }
0x225: {  	[sflag:s0] =	ssyncadd.tile.s32 @!p0 $0x1;
	_ =	shalt  }
.Lfunc_end2:
_tile_overlayer_lowered:
.L_overlay_start_2:
0x226: {  	(tag) =	ssettag $0x2  }
0x227: {  	s0 =	rddreg [dreg:$0x0];
	s2 =	stileid.u32  }
0x228: {  	s1 =	rddreg [dreg:$0x1];
	p0 =	sne.s32 s2, $0x0  }
0x229: {  	s3 =	rddreg [dreg:$0x2];
	[bflag:$0x3] =	sbarrier.arrive $0xFFFF;
	s2 =	simm.s32 @!p0 $0x1C03  }
0x22a: {  	[timem:s3], [sflag:s2] =	dma.local @!p0 [hbm:s0], s1  }
0x22b: {  	s0 =	simm.s32 @!p0 $0x3  }
0x22c: {  	_ =	swait.ge @!p0 [sflag:s0], s1  }
0x22d: {  	s1 =	ssub.s32 @!p0 $0x0, s1;
	[sflag:s0] =	ssyncset.done @!p0 $0x0  }
0x22e: {  	[sflag:s0] =	ssyncadd.s32 @!p0 s1  }
0x22f: {  	[bflag:$0x3] =	sbarrier.arrive $0xFFFF  }
0x230: {  	_ =	shalt  }

// kernel: kernel.7.cloned.1.call-start
scs
__scs_entry_jumppad:
0x0: {  	(pc) =	sbr.rel $0x88, $3  }
0x1: {  	(tag) =	ssettag $0x0;
	lr =	simm.s32 $0x1  }
0x2: {  	[smem:$0x3F96] =	sst lr;
	_ =	strace $0xD0000000  }
0x3: {  	_ = 	snop  }
0x4: {  	_ = 	snop  }
0x5: {  	_ = 	snop  }
0x6: {  	_ = 	snop  }
0x7: {  	_ = 	snop  }
__scs_overlays_trampoline_lowered:
0x8: {  	[smem:$0x3FA5] =	sst s0  }
0x9: {  	[smem:$0x3FA6] =	sst s1  }
0xa: {  	[smem:$0x3FA7] =	sst s2  }
0xb: {  	[smem:$0x3FA8] =	sst s3  }
0xc: {  	[smem:$0x3FA9] =	sst s4  }
0xd: {  	[smem:$0x3FAA] =	sst s5  }
0xe: {  	[smem:$0x3FAB] =	sst s6  }
0xf: {  	[smem:$0x3FAC] =	sst s7  }
0x10: {  	[smem:$0x3FAD] =	sst s8  }
0x11: {  	[smem:$0x3FAE] =	sst s9;
	s0 =	simm.s32 @!p0 $0x0  }
0x12: {  	s1 =	sld [smem:$0x3F94];
	s0 =	simm.s32 @p0 $0x1  }
0x13: {  	[smem:$0x3FAF] =	sst s0;
	s0 =	simm.s32 @!p1 $0x0  }
0x14: {  	s2 =	sld [smem:$0x3F93];
	s0 =	simm.s32 @p1 $0x1  }
0x15: {  	[smem:$0x3FB0] =	sst s0;
	s0 =	simm.s32 @!p2 $0x0  }
0x16: {  	s3 =	sld [smem:$0x3FDB];
	s0 =	simm.s32 @p2 $0x1  }
0x17: {  	s4 =	simm.s32 $0x1BF5;
	[smem:$0x3FB2] =	sst s0  }
0x18: {  	s0 =	sld [smem:$0x3F95];
	_ =	swait.ge [sflag:s4], $0x0  }
0x19: {  	s7 =	sld [smem:$0x3F96]  }
0x1a: {  	s8 =	sadd.s32 $0xFFFFE003, lr  }
0x1b: {  	s9 =	sadd.s32 $0xFFFFFEF7, lr;
	s5 =	simm.s32 $0xFFFFFFFF;
	p2 =	slt.u32 s8, $0xFFFFF086  }
0x1c: {  	p1 =	slt.u32 s9, $0xF7A;
	s5 =	simm.s32 @!p2 $0x0  }
0x1d: {  	s5 =	simm.s32 @p1 $0x1;
	p0 =	seq.s32 s7, s2  }
0x1e: {  	s7 =	smul.u32 @!p0 $0xF7A, s2;
	p2 =	seq.s32 @!p0 s5, $0x0  }
0x1f: {  	s9 =	smul.u32 $0xF7A, s1;
	s8 =	simm.s32 @!p0 $0x1BF5;
	p2 =	por !p2, p0  }
0x20: {  	[sflag:s8] =	ssyncset.s32 @!p0 $0xFFFFF086;
	s6 =	sadd.s32 @!p0 s3, s7;
	s7 =	simm.s32 @!p0 $0x108  }
0x21: {  	s3 =	sadd.s32 s3, s9;
	s6 =	sadd.s32 @!p0 $0x88, s6;
	s7 =	simm.s32 @p2 $0x1082  }
0x22: {  	[simem:s7], [sflag:s8] =	dma.local @!p0 [hbm:s6], $0xF7A  }
0x23: {  	s9 =	sor.u32 $0xD0000000, s2;
	s6 =	simm.s32 $0x108;
	_ =	swait.ge @!p0 [sflag:s8], $0x0  }
0x24: {  	s3 =	sadd.s32 $0x88, s3;
	s6 =	simm.s32 @!p1 $0x1082;
	[sflag:s4] =	ssyncset.s32 $0xFFFFF086  }
0x25: {  	[simem:s6], [sflag:s4] =	dma.local [hbm:s3], $0xF7A  }
0x26: {  	[smem:$0x3F96] =	sst s1;
	(tag) =	ssettag s2;
	_ =	strace s9  }
0x27: {  	s1 =	sld [smem:$0x3FA6]  }
0x28: {  	s2 =	sld [smem:$0x3FA7]  }
0x29: {  	s4 =	sld [smem:$0x3FA9]  }
0x2a: {  	p0 =	seq.s32 s5, $0x0;
	s5 =	sld [smem:$0x3FAA]  }
0x2b: {  	s6 =	sld [smem:$0x3FAB]  }
0x2c: {  	s7 =	sld [smem:$0x3FAC]  }
0x2d: {  	s3 =	simm.s32 $0x108;
	s8 =	sld [smem:$0x3FAD]  }
0x2e: {  	s3 =	simm.s32 @!p0 $0x1082;
	s9 =	sld [smem:$0x3FAE]  }
0x2f: {  	lr =	sadd.s32 s0, s3;
	s0 =	sld [smem:$0x3FA5]  }
0x30: {  	s3 =	sld [smem:$0x3FA8]  }
0x31: {  	[smem:$0x3FB1] =	sst s10  }
0x32: {  	s10 =	sld [smem:$0x3FAF];
	_ =	sdelay $0x3  }
0x33: {  	p0 =	seq.s32 s10, $0x1;
	s10 =	sld [smem:$0x3FB1];
	_ =	sdelay $0x3  }
0x34: {  	[smem:$0x3FB1] =	sst s10  }
0x35: {  	s10 =	sld [smem:$0x3FB0];
	_ =	sdelay $0x3  }
0x36: {  	p1 =	seq.s32 s10, $0x1;
	s10 =	sld [smem:$0x3FB1];
	_ =	sdelay $0x3  }
0x37: {  	[smem:$0x3FB1] =	sst s10  }
0x38: {  	s10 =	sld [smem:$0x3FB2]  }
0x39: {  	_ = 	snop;
	(pc) =	sbr.ind lr, $3  }
0x3a: {  	_ = 	snop  }
0x3b: {  	_ = 	snop  }
0x3c: {  	p2 =	seq.s32 s10, $0x1;
	s10 =	sld [smem:$0x3FB1]  }
0x3d: {  	_ =	shalt  }
0x3e: {  	_ =	shalt  }
0x3f: {  	_ =	shalt  }
0x40: {  	_ =	shalt  }
0x41: {  	_ =	shalt  }
0x42: {  	_ =	shalt  }
0x43: {  	_ =	shalt  }
0x44: {  	_ =	shalt  }
0x45: {  	_ =	shalt  }
0x46: {  	_ =	shalt  }
0x47: {  	_ =	shalt  }
0x48: {  	_ =	shalt  }
0x49: {  	_ =	shalt  }
0x4a: {  	_ =	shalt  }
0x4b: {  	_ =	shalt  }
0x4c: {  	_ =	shalt  }
0x4d: {  	_ =	shalt  }
0x4e: {  	_ =	shalt  }
0x4f: {  	_ =	shalt  }
0x50: {  	_ =	shalt  }
0x51: {  	_ =	shalt  }
0x52: {  	_ =	shalt  }
0x53: {  	_ =	shalt  }
0x54: {  	_ =	shalt  }
0x55: {  	_ =	shalt  }
0x56: {  	_ =	shalt  }
0x57: {  	_ =	shalt  }
0x58: {  	_ =	shalt  }
0x59: {  	_ =	shalt  }
0x5a: {  	_ =	shalt  }
0x5b: {  	_ =	shalt  }
0x5c: {  	_ =	shalt  }
0x5d: {  	_ =	shalt  }
0x5e: {  	_ =	shalt  }
0x5f: {  	_ =	shalt  }
0x60: {  	_ =	shalt  }
0x61: {  	_ =	shalt  }
0x62: {  	_ =	shalt  }
0x63: {  	_ =	shalt  }
0x64: {  	_ =	shalt  }
0x65: {  	_ =	shalt  }
0x66: {  	_ =	shalt  }
0x67: {  	_ =	shalt  }
0x68: {  	_ =	shalt  }
0x69: {  	_ =	shalt  }
0x6a: {  	_ =	shalt  }
0x6b: {  	_ =	shalt  }
0x6c: {  	_ =	shalt  }
0x6d: {  	_ =	shalt  }
0x6e: {  	_ =	shalt  }
0x6f: {  	_ =	shalt  }
0x70: {  	_ =	shalt  }
0x71: {  	_ =	shalt  }
0x72: {  	_ =	shalt  }
0x73: {  	_ =	shalt  }
0x74: {  	_ =	shalt  }
0x75: {  	_ =	shalt  }
0x76: {  	_ =	shalt  }
0x77: {  	_ =	shalt  }
0x78: {  	_ =	shalt  }
0x79: {  	_ =	shalt  }
0x7a: {  	_ =	shalt  }
0x7b: {  	_ =	shalt  }
0x7c: {  	_ =	shalt  }
0x7d: {  	_ =	shalt  }
0x7e: {  	_ =	shalt  }
0x7f: {  	_ =	shalt  }
0x80: {  	_ =	shalt  }
0x81: {  	_ =	shalt  }
0x82: {  	_ =	shalt  }
0x83: {  	_ =	shalt  }
0x84: {  	_ =	shalt  }
0x85: {  	_ =	shalt  }
0x86: {  	_ =	shalt  }
0x87: {  	_ =	shalt  }
.Lfunc_end0:
.L_simem_size_0:
called_computation_lowered:
.L_overlay_start_0:
0x88: {  	s2 =	sld [smem:$0x3FD9]  }
0x89: {  	s3 =	sld [smem:$0x3FFE];
	_ =	sdelay $0x1  }
0x8a: {  	s1 =	srdreg.scid  }
0x8b: {  	s0 =	sand.u32 $0x1, s1  }
0x8c: {  	s16 =	sshll.u32 s0, $0xA;
	s2 =	sadd.s32 s3, s2  }
0x8d: {  	s2 =	sadd.s32 s2, s16  }
0x8e: {  	[smem:$0x3FBD] =	sst s2  }
0x8f: {  	_ = 	snop  }
0x90: {  	(tm) =	ssettm $0x1  }
0x91: {  	s17 =	sld [smem:$0x3FFB];
	_ =	sdelay $0x3  }
0x92: {  	_ =	strace s17  }
0x93: {  	s2 =	sld [smem:$0x3FFC];
	_ =	sdelay $0x3  }
0x94: {  	_ =	strace s2  }
0x95: {  	s2 =	sld [smem:$0x3FFD];
	_ =	sdelay $0x3  }
0x96: {  	_ =	strace s2  }
0x97: {  	_ =	strace $0x8FFFFFFF  }
0x98: {  	s18 =	sld [smem:$0x3FDB];
	_ =	sdelay $0x1  }
0x99: {  	s19 =	simm.s32 $_scs_section_size  }
0x9a: {  	s4 =	simm.s32 $_size__tile_overlayer_lowered;
	s5 =	simm.s32 $_tile_overlayer_lowered  }
0x9b: {  	s22 =	simm.s32 $0x1BFF;
	s21 =	sshll.u32 s5, $0x1;
	s2 =	sadd.s32 s19, s18  }
0x9c: {  	s6 =	simm.s32 $0x0;
	s20 =	sshll.u32 s4, $0x1;
	s4 =	sadd.s32 s21, s2  }
0x9d: {  	[timem:s6], [sflag:s22] =	dma.local [hbm:s4], s20  }
0x9e: {  	_ =	swait.ge [sflag:s22], s20  }
0x9f: {  	s3 =	ssub.s32 $0x0, s20;
	[sflag:s22] =	ssyncset.done $0x0  }
0xa0: {  	[sflag:s22] =	ssyncadd.s32 s3;
	_ =	sdelay $0x1  }
0xa1: {  	s23 =	simm.s32 $0x1B8B  }
0xa2: {  	_ =	swait.ge [sflag:s23], $0x1  }
0xa3: {  	[sflag:s23] =	ssyncset.done $0x0  }
0xa4: {  	s25 =	simm.s32 $0x1B8E;
	s24 =	sld [smem:$0x3FFE];
	[sflag:s23] =	ssyncadd.s32 $0xFFFFFFFF  }
0xa5: {  	s26 =	simm.s32 $execute0_lowered;
	[smem:$0x3FD2] =	sst s25  }
0xa6: {  	s4 =	sshll.u32 s26, $0x1;
	_ =	strace $0x80000046;
	[dreg:$0x1] =	wrdreg $0xFFFFFFFF  }
0xa7: {  	s28 =	simm.s32 $_size_execute0_lowered;
	s2 =	sadd.s32 s2, s4;
	[dreg:$0x0] =	wrdreg $0x0  }
0xa8: {  	s4 =	sshll.u32 s28, $0x1;
	[dreg:$0x2] =	wrdreg s2  }
0xa9: {  	[dreg:$0x3] =	wrdreg s4  }
0xaa: {  	[dreg:$0x4] =	wrdreg $0xC0  }
0xab: {  	_ =	task [dreg:s6], $0x5FFFF  }
0xac: {  	[dreg:$0x1] =	wrdreg $0xFFFFFFFF  }
0xad: {  	[dreg:$0x0] =	wrdreg $0x60  }
0xae: {  	[dreg:$0x2] =	wrdreg s24  }
0xaf: {  	[dreg:$0x3] =	wrdreg $0x9  }
0xb0: {  	_ =	task.clear_ibuf [dreg:s6], $0x4FFFF;
	_ =	strace $0x90000046  }
0xb1: {  	s29 =	simm.s32 $0x9;
	_ =	strace $0x80000048  }
0xb2: {  	_ =	swait.ge [sflag:s29], $0x1  }
0xb3: {  	[sflag:s29] =	ssyncadd.s32 $0xFFFFFFFF  }
0xb4: {  	_ =	strace $0x90000048  }
0xb5: {  	_ =	sfence  }
0xb6: {  	s30 =	sld [smem:$0x0];
	_ =	sdelay $0x2  }
0xb7: {  	s31 =	sshll.u32 s1, $0xD;
	s1 =	sshrl.u32 s1, $0x2  }
0xb8: {  	s3 =	sand.u32 $0x4000, s31;
	s1 =	sadd.s32 s1, s30  }
0xb9: {  	s0 =	sor.u32 s3, s0;
	s1 =	sshll.u32 s1, $0x11  }
0xba: {  	s0 =	sor.u32 s1, s0  }
0xbb: {  	s0 =	sadd.s32 $0x8F2B, s0  }
0xbc: {  	[sflag:s0] =	ssyncadd.remote.s32 $0x1  }
0xbd: {  	_ =	sfence.sel $0xFFFF  }
0xbe: {  	[dreg:$0x0] =	wrdreg $0xFFFFFFFF;
	(pc) =	sbr.abs _section_cstart, $3  }
0xbf: {  	[dreg:$0x1] =	wrdreg $0xFFFFFFFF  }
0xc0: {  	_ =	task.clear_ibuf [dreg:s6], $0x2FFFF;
	_ =	strace $0x9FFFFFFF  }
0xc1: {  	(tm) =	ssettm $0x7FFFFFFF  }
tec
execute0_lowered:
.L_overlay_start_1:
0x0: {  	(tag) =	ssettag $0x1  }
0x1: {  	s0 =	rddreg [dreg:$0x0];
	s2 =	simm.s32 $0x0;
	s1 =	srdreg.scid  }
0x2: {  	s5 =	stileid.u32;
	s13 =	simm.s32 $0x3E8;
	s14 =	simm.s32 $0x1  }
0x3: {  	s15 =	simm.s32 $0x80;
	s16 =	simm.s32 $0x7D0;
	s29 =	simm.s32 $0x68  }
0x4: {  	s18 =	simm.s32 $0x5E50;
	s19 =	simm.s32 $0x5E8;
	s20 =	simm.s32 $0x6650  }
0x5: {  	s21 =	simm.s32 $0x668;
	s22 =	simm.s32 $0x6E50;
	s10 =	simm.s32 $0x0  }
0x6: {  	[smem:$0x7FF] =	sst s2;
	s1 =	sand.u32 $0x1, s1;
	s4 =	smul.u32 $0x4E20, s5  }
0x7: {  	s3 =	sadd.s32 $0xC400, s0;
	s6 =	sshll.u32 s5, $0x1;
	s8 =	sadd.s32 $0x2600, s0  }
0x8: {  	s5 =	sadd.s32 $0x11400, s0;
	_ =	strace $0x80000047;
	s7 =	smul.u32 $0x2710, s1  }
0x9: {  	s23 =	sor.u32 s1, s6;
	s1 =	ssub.s32 $0x2, s1;
	[dreg:$0x2] =	wrdreg s8  }
0xa: {  	s0 =	smul.u32 $0x2710, s23;
	s24 =	sshrl.u32 s1, $0x1;
	s23 =	simm.s32 $0x6E8  }
0xb: {  	s6 =	sadd.s32 s7, s4;
	s1 =	ssub.s32 s1, s24;
	s24 =	simm.s32 $0x7650  }
0xc: {  	s9 =	smulhi.u32 $0x418938, s6;
	s7 =	sadd.s32 $0x3E8, s6;
	s0 =	sshrl.u32 s0, $0x3  }
0xd: {  	s26 =	smax.u32 s1, $0x1;
	s1 =	simm.s32 $0x10;
	s25 =	smulhi.u32 $0x418938, s7  }
0xe: {  	s0 =	sadd.s32 s8, s0;
	[dreg:$0x5] =	wrdreg s26;
	s28 =	sshrl.u32 s7, $0x3  }
.Ltmp0:
0xf: {  	s7 =	simm.s32 $0x4650;
	[dreg:$0x4] =	wrdreg s0;
	(pc) =	sbr.rel .LBB2_1-.Ltmp0, $4  }
0x10: {  	s26 =	simm.s32 $0x7E50;
	[dreg:$0x3] =	wrdreg s9;
	s30 =	sshll.u32 s9, $0x4  }
0x11: {  	s0 =	sadd.s32 s28, s8;
	s8 =	simm.s32 $0x2;
	[dreg:$0x6] =	wrdreg s30  }
0x12: {  	s9 =	simm.s32 $0x5;
	s31 =	sshll.u32 s25, $0x4;
	[dreg:$0x8] =	wrdreg s0  }
0x13: {  	s0 =	simm.s32 $0x3;
	s25 =	simm.s32 $0x768;
	[dreg:$0x7] =	wrdreg s31  }
.LBB2_7:
0x14: {  	s4 =	simm.s32 $0x4  }
0x15: {  	_ =	swait.ge [sflag:s4], $0x3E80  }
0x16: {  	[sflag:s4] =	ssyncset.done $0x0  }
0x17: {  	[sflag:s4] =	ssyncadd.s32 $0xFFFFC180  }
0x18: {  	_ =	swait.ge [sflag:s9], $0x3E80  }
0x19: {  	s10 =	rddreg [dreg:$0x9]  }
0x1a: {  	s31 =	rddreg [dreg:$0x5];
	s10 =	sadd.s32 $0x1, s10  }
0x1b: {  	p0 =	sne.s32 s10, s31  }
.Ltmp1:
0x1c: {  	_ = 	snop;
	(pc) =	sbr.rel @!p0 .LBB2_8-.Ltmp1, $3  }
0x1d: {  	_ =	sdelay $0x1  }
0x1e: {  	[sflag:s9] =	ssyncset.done $0x0  }
0x1f: {  	[sflag:s9] =	ssyncadd.s32 $0xFFFFC180  }
.LBB2_1:
0x20: {  	[dreg:$0x9] =	wrdreg s10  }
0x21: {  	s4 =	rddreg [dreg:$0x4]  }
.Ltmp2:
0x22: {  	s28 =	rddreg [dreg:$0x8];
	(pc) =	sbr.rel .LBB2_2-.Ltmp2, $4  }
0x23: {  	s30 =	rddreg [dreg:$0x7]  }
0x24: {  	s31 =	rddreg [dreg:$0x3]  }
0x25: {  	s10 =	rddreg [dreg:$0x6];
	s11 =	simm.s32 $0x0  }
0x26: {  	[tilespmem:s2], [sflag:$0x1] =	stream.linear.gather [hbm4b:s4+s2], $0x3E8, $0x38;
	[tilespmem:$0x84D0] =	vst v63  }
.LBB2_3:
0x27: {  	_ =	swait.ge [sflag:s8], $0x3E8  }
0x28: {  	[sflag:s8] =	ssyncset.done $0x0  }
0x29: {  	[sflag:s8] =	ssyncadd.s32 $0xFFFFFC18  }
.LBB2_5:
0x2a: {  	_ =	swait.ge [sflag:s9], $0x3E80  }
0x2b: {  	[sflag:s9] =	ssyncset.done $0x0  }
0x2c: {  	[sflag:s9] =	ssyncadd.s32 $0xFFFFC180  }
.LBB2_6:
0x2d: {  	[tilespmem:s7], [sflag:$0x3] =	stream.indirect.gather [hbm4b:s3+s15], $0x10, s13, s15, $0xb8;
	[tilespmem:$0x84D0] =	vst v63  }
0x2e: {  	s4 =	simm.s32 $0x468;
	s17 =	simm.s32 $0x4E50  }
0x2f: {  	[tilespmem:s17], [sflag:$0x3] =	stream.indirect.gather [hbm4b:s3+s15], $0x10, s4, s15, $0xb8;
	[tilespmem:$0x84D0] =	vst v63  }
0x30: {  	s4 =	simm.s32 $0x4E8;
	s17 =	simm.s32 $0x5650  }
0x31: {  	[tilespmem:s17], [sflag:$0x3] =	stream.indirect.gather [hbm4b:s3+s15], $0x10, s4, s15, $0xb8;
	[tilespmem:$0x84D0] =	vst v63  }
0x32: {  	s17 =	simm.s32 $0x568  }
0x33: {  	[tilespmem:s18], [sflag:$0x3] =	stream.indirect.gather [hbm4b:s3+s15], $0x10, s17, s15, $0xb8;
	[tilespmem:$0x84D0] =	vst v63  }
0x34: {  	_ = 	snop  }
0x35: {  	[tilespmem:s20], [sflag:$0x3] =	stream.indirect.gather [hbm4b:s3+s15], $0x10, s19, s15, $0xb8;
	[tilespmem:$0x84D0] =	vst v63  }
0x36: {  	_ = 	snop  }
0x37: {  	[tilespmem:s22], [sflag:$0x3] =	stream.indirect.gather [hbm4b:s3+s15], $0x10, s21, s15, $0xb8;
	[tilespmem:$0x84D0] =	vst v63  }
0x38: {  	_ = 	snop  }
0x39: {  	[tilespmem:s24], [sflag:$0x3] =	stream.indirect.gather [hbm4b:s3+s15], $0x10, s23, s15, $0xb8;
	[tilespmem:$0x84D0] =	vst v63  }
0x3a: {  	_ = 	snop  }
0x3b: {  	[tilespmem:s26], [sflag:$0x3] =	stream.indirect.gather [hbm4b:s3+s29], $0x10, s25, s29, $0xb8;
	[tilespmem:$0x84D0] =	vst v63  }
0x3c: {  	_ =	swait.ge [sflag:s0], $0x800  }
0x3d: {  	[sflag:s0] =	ssyncset.done $0x0  }
0x3e: {  	[sflag:s0] =	ssyncadd.s32 $0xFFFFF800  }
0x3f: {  	_ =	swait.ge [sflag:s0], $0x800  }
0x40: {  	[sflag:s0] =	ssyncset.done $0x0  }
0x41: {  	[sflag:s0] =	ssyncadd.s32 $0xFFFFF800  }
0x42: {  	_ =	swait.ge [sflag:s0], $0x800  }
0x43: {  	[sflag:s0] =	ssyncset.done $0x0  }
0x44: {  	[sflag:s0] =	ssyncadd.s32 $0xFFFFF800  }
0x45: {  	_ =	swait.ge [sflag:s0], $0x800  }
0x46: {  	[sflag:s0] =	ssyncset.done $0x0  }
0x47: {  	[sflag:s0] =	ssyncadd.s32 $0xFFFFF800  }
0x48: {  	_ =	swait.ge [sflag:s0], $0x800  }
0x49: {  	[sflag:s0] =	ssyncset.done $0x0  }
0x4a: {  	[sflag:s0] =	ssyncadd.s32 $0xFFFFF800  }
0x4b: {  	_ =	swait.ge [sflag:s0], $0x800  }
0x4c: {  	s12 =	smulhi.u32 $0x10624DD3, s12;
	[sflag:s0] =	ssyncset.done $0x0  }
0x4d: {  	s11 =	sadd.s32 $0x7D0, s11;
	[sflag:s0] =	ssyncadd.s32 $0xFFFFF800  }
0x4e: {  	s10 =	sadd.s32 $0x20, s10;
	s4 =	sshrl.u32 s12, $0x9;
	_ =	swait.ge [sflag:s0], $0x800  }
0x4f: {  	p0 =	sne.s32 s11, $0x2710;
	s4 =	smul.u32 $0x1F400, s4;
	[sflag:s0] =	ssyncset.done $0x0  }
.Ltmp3:
0x50: {  	s17 =	sand.u32 $0x70, s30;
	[sflag:s0] =	ssyncadd.s32 $0xFFFFF800;
	(pc) =	sbr.rel @!p0 .LBB2_7-.Ltmp3, $4  }
0x51: {  	s31 =	sadd.s32 $0x2, s31;
	s4 =	sor.u32 s4, s17;
	_ =	swait.ge [sflag:s0], $0x680  }
0x52: {  	s28 =	sadd.s32 $0xFA, s28;
	s4 =	sshrl.u32 s4, $0x3;
	[sflag:s0] =	ssyncset.done $0x0  }
0x53: {  	s30 =	sadd.s32 $0x20, s30;
	s4 =	sadd.s32 s5, s4;
	[sflag:s0] =	ssyncadd.s32 $0xFFFFF980  }
0x54: {  	[hbm4b:s4+s1] =	stream.strided.scatter [tilespmem:s7], [sflag:$0x5], $0x3E80, s15, s1, $0x38;
	[tilespmem:$0x84D0] =	vst v63  }
.LBB2_2:
0x55: {  	[tilespmem:s13], [sflag:$0x2] =	stream.linear.gather [hbm4b:s28+s2], $0x3E8, $0x38;
	[tilespmem:$0x84D0] =	vst v63  }
0x56: {  	_ =	swait.ge [sflag:s14], $0x3E8  }
0x57: {  	p0 =	seq.s32 s11, $0x0;
	[sflag:s14] =	ssyncset.done $0x0  }
0x58: {  	s4 =	simm.s32 @!p0 $0x4;
	[sflag:s14] =	ssyncadd.s32 $0xFFFFFC18  }
0x59: {  	_ =	swait.ge @!p0 [sflag:s4], $0x3E80  }
0x5a: {  	[sflag:s4] =	ssyncset.done @!p0 $0x0  }
0x5b: {  	[sflag:s4] =	ssyncadd.s32 @!p0 $0xFFFFC180  }
0x5c: {  	[tilespmem:s16], [sflag:$0x3] =	stream.indirect.gather [hbm4b:s3+s15], $0x10, s2, s15, $0xb8;
	[tilespmem:$0x84D0] =	vst v63  }
0x5d: {  	s12 =	simm.s32 $0xFD0  }
0x5e: {  	[tilespmem:s12], [sflag:$0x3] =	stream.indirect.gather [hbm4b:s3+s15], $0x10, s15, s15, $0xb8;
	[tilespmem:$0x84D0] =	vst v63  }
0x5f: {  	s17 =	simm.s32 $0x100;
	s12 =	simm.s32 $0x17D0  }
0x60: {  	[tilespmem:s12], [sflag:$0x3] =	stream.indirect.gather [hbm4b:s3+s15], $0x10, s17, s15, $0xb8;
	[tilespmem:$0x84D0] =	vst v63  }
0x61: {  	s12 =	simm.s32 $0x180;
	s17 =	simm.s32 $0x1FD0  }
0x62: {  	[tilespmem:s17], [sflag:$0x3] =	stream.indirect.gather [hbm4b:s3+s15], $0x10, s12, s15, $0xb8;
	[tilespmem:$0x84D0] =	vst v63  }
0x63: {  	s12 =	simm.s32 $0x200;
	s17 =	simm.s32 $0x27D0  }
0x64: {  	[tilespmem:s17], [sflag:$0x3] =	stream.indirect.gather [hbm4b:s3+s15], $0x10, s12, s15, $0xb8;
	[tilespmem:$0x84D0] =	vst v63  }
0x65: {  	s12 =	simm.s32 $0x280;
	s17 =	simm.s32 $0x2FD0  }
0x66: {  	[tilespmem:s17], [sflag:$0x3] =	stream.indirect.gather [hbm4b:s3+s15], $0x10, s12, s15, $0xb8;
	[tilespmem:$0x84D0] =	vst v63  }
0x67: {  	s12 =	simm.s32 $0x300;
	s17 =	simm.s32 $0x37D0  }
0x68: {  	[tilespmem:s17], [sflag:$0x3] =	stream.indirect.gather [hbm4b:s3+s15], $0x10, s12, s15, $0xb8;
	[tilespmem:$0x84D0] =	vst v63  }
0x69: {  	s12 =	simm.s32 $0x380;
	s17 =	simm.s32 $0x3FD0  }
0x6a: {  	[tilespmem:s17], [sflag:$0x3] =	stream.indirect.gather [hbm4b:s3+s29], $0x10, s12, s29, $0xb8;
	[tilespmem:$0x84D0] =	vst v63  }
0x6b: {  	_ =	swait.ge [sflag:s0], $0x800  }
0x6c: {  	[sflag:s0] =	ssyncset.done $0x0  }
0x6d: {  	[sflag:s0] =	ssyncadd.s32 $0xFFFFF800  }
0x6e: {  	_ =	swait.ge [sflag:s0], $0x800  }
0x6f: {  	[sflag:s0] =	ssyncset.done $0x0  }
0x70: {  	[sflag:s0] =	ssyncadd.s32 $0xFFFFF800  }
0x71: {  	_ =	swait.ge [sflag:s0], $0x800  }
0x72: {  	[sflag:s0] =	ssyncset.done $0x0  }
0x73: {  	[sflag:s0] =	ssyncadd.s32 $0xFFFFF800  }
0x74: {  	_ =	swait.ge [sflag:s0], $0x800  }
0x75: {  	[sflag:s0] =	ssyncset.done $0x0  }
0x76: {  	[sflag:s0] =	ssyncadd.s32 $0xFFFFF800  }
0x77: {  	_ =	swait.ge [sflag:s0], $0x800  }
0x78: {  	s4 =	sadd.s32 s11, s6;
	s17 =	sand.u32 $0x7, s31;
	[sflag:s0] =	ssyncset.done $0x0  }
0x79: {  	p1 =	slt.u32 s4, $0x3E8;
	p2 =	sne.s32 s17, $0x0;
	[sflag:s0] =	ssyncadd.s32 $0xFFFFF800  }
0x7a: {  	s12 =	smulhi.u32 $0x10624DD3, s4;
	p1 =	por !p1, !p2;
	_ =	swait.ge [sflag:s0], $0x800  }
0x7b: {  	s17 =	simm.s32 $0x1;
	p1 =	por !p1, !p1;
	[sflag:s0] =	ssyncset.done $0x0  }
0x7c: {  	s12 =	sshrl.u32 s12, $0x9;
	s17 =	simm.s32 @!p1 $0x0;
	[sflag:s0] =	ssyncadd.s32 $0xFFFFF800  }
0x7d: {  	s12 =	ssub.s32 s12, s17;
	_ =	swait.ge [sflag:s0], $0x800  }
0x7e: {  	s12 =	smul.u32 $0x1F400, s12;
	[sflag:s0] =	ssyncset.done $0x0  }
0x7f: {  	p1 =	sne.s32 s11, $0x1F40;
	s17 =	sand.u32 $0x70, s10;
	[sflag:s0] =	ssyncadd.s32 $0xFFFFF800  }
.Ltmp4:
0x80: {  	s12 =	sor.u32 s17, s12;
	_ =	swait.ge [sflag:s0], $0x680;
	(pc) =	sbr.rel @!p1 .LBB2_3-.Ltmp4, $4  }
0x81: {  	s12 =	sshrl.u32 s12, $0x3;
	[sflag:s0] =	ssyncset.done $0x0  }
0x82: {  	s12 =	sadd.s32 s5, s12;
	[sflag:s0] =	ssyncadd.s32 $0xFFFFF980  }
0x83: {  	[hbm4b:s12+s1] =	stream.strided.scatter [tilespmem:s16], [sflag:$0x4], $0x3E80, s15, s1, $0x38;
	[tilespmem:$0x84D0] =	vst v63  }
0x84: {  	s12 =	sadd.s32 $0x3E8, s4  }
0x85: {  	s4 =	sadd.s32 $0x7D0, s4  }
0x86: {  	s17 =	rddreg [dreg:$0x2];
	s4 =	sshrl.u32 s4, $0x3  }
0x87: {  	s4 =	sadd.s32 s17, s4  }
0x88: {  	[tilespmem:s2], [sflag:$0x1] =	stream.linear.gather [hbm4b:s4+s2], $0x3E8, $0x38;
	[tilespmem:$0x84D0] =	vst v63  }
.Ltmp5:
0x89: {  	_ = 	snop;
	(pc) =	sbr.rel @!p0 .LBB2_5-.Ltmp5, $4  }
.Ltmp6:
0x8a: {  	_ = 	snop;
	(pc) =	sbr.rel @p0 .LBB2_6-.Ltmp6, $4  }
0x8b: {  	_ =	swait.ge [sflag:s8], $0x3E8  }
0x8c: {  	[sflag:s8] =	ssyncset.done $0x0  }
0x8d: {  	[sflag:s8] =	ssyncadd.s32 $0xFFFFFC18  }
0x8e: {  	_ = 	snop  }
.LBB2_8:
0x8f: {  	_ =	sfence.sel $0x180000  }
0x90: {  	[bflag:$0x0] =	sbarrier.arrive $0xFFFF  }
0x91: {  	_ =	strace $0x90000047  }
0x92: {  	s0 =	stileid.u32;
	[bflag:$0x2] =	sbarrier.arrive $0xFFFF  }
0x93: {  	p0 =	sne.s32 s0, $0x0;
	s0 =	rddreg [dreg:$0x1]  }
0x94: {  	s0 =	sadd.s32 @!p0 $0x100000, s0  }
0x95: {  	[sflag:s0] =	ssyncadd.tile.s32 @!p0 $0x1;
	_ =	shalt  }
.Lfunc_end2:
_tile_overlayer_lowered:
.L_overlay_start_2:
0x96: {  	(tag) =	ssettag $0x2  }
0x97: {  	s0 =	rddreg [dreg:$0x0];
	s2 =	stileid.u32  }
0x98: {  	s1 =	rddreg [dreg:$0x1];
	p0 =	sne.s32 s2, $0x0  }
0x99: {  	s3 =	rddreg [dreg:$0x2];
	[bflag:$0x3] =	sbarrier.arrive $0xFFFF;
	s2 =	simm.s32 @!p0 $0x1C06  }
0x9a: {  	[timem:s3], [sflag:s2] =	dma.local @!p0 [hbm:s0], s1  }
0x9b: {  	s0 =	simm.s32 @!p0 $0x6  }
0x9c: {  	_ =	swait.ge @!p0 [sflag:s0], s1  }
0x9d: {  	s1 =	ssub.s32 @!p0 $0x0, s1;
	[sflag:s0] =	ssyncset.done @!p0 $0x0  }
0x9e: {  	[sflag:s0] =	ssyncadd.s32 @!p0 s1  }
0x9f: {  	[bflag:$0x3] =	sbarrier.arrive $0xFFFF  }
0xa0: {  	_ =	shalt  }

</sc_bundles>
